<compile_context>
chip_gen: v7x
topology: tpu7x:2x2x1
jax: 0.10.2.dev20260603
libtpu: 0.0.44.dev20260713+nightly
codegen_flags: <defaults>
</compile_context>

<pallas_src>
import functools

import jax
import jax.numpy as jnp
from jax import lax
from jax.experimental import pallas as pl
from jax.experimental.pallas import tpu as pltpu
from jax.experimental.pallas import tpu_sc as plsc

EMBED_DIM = 64
NUM_WORKERS = 32
CHUNK = 128
NBUF = 12


@functools.partial(jax.jit, static_argnames=("n_rows",))
def _embed_gather(idx2d, table, *, n_rows):
    per_w = n_rows // NUM_WORKERS
    cpw = idx2d.shape[0] // NUM_WORKERS
    tail = per_w - (cpw - 1) * CHUNK
    mesh = plsc.VectorSubcoreMesh(core_axis_name="c", subcore_axis_name="s")

    @functools.partial(
        pl.kernel,
        mesh=mesh,
        compiler_params=pltpu.CompilerParams(use_tc_tiling_on_sc=False),
        out_type=jax.ShapeDtypeStruct((n_rows, EMBED_DIM), jnp.float32),
        scratch_types=[
            pltpu.VMEM((cpw, CHUNK), jnp.int32),
            pltpu.VMEM((NBUF, CHUNK, EMBED_DIM), jnp.float32),
            pltpu.SemaphoreType.DMA((NBUF,)),
            pltpu.SemaphoreType.DMA((NBUF,)),
        ],
    )
    def k(idx_hbm, table_hbm, out_hbm, idx_v, rows_v, gsem, osem):
        wid = lax.axis_index("s") * 2 + lax.axis_index("c")
        base = wid * per_w
        pltpu.sync_copy(idx_hbm.at[pl.ds(wid * cpw, cpw)], idx_v)

        def gather_start(j, b):
            pltpu.async_copy(
                table_hbm.at[idx_v.at[j]], rows_v.at[b], gsem.at[b]
            )

        def gather_wait(b):
            pltpu.make_async_copy(
                table_hbm.at[pl.ds(0, CHUNK)], rows_v.at[b], gsem.at[b]
            ).wait()

        def out_start(j, b, width):
            pltpu.async_copy(
                rows_v.at[b, pl.ds(0, width)],
                out_hbm.at[pl.ds(base + j * CHUNK, width)],
                osem.at[b],
            )

        def out_wait(b, width):
            pltpu.make_async_copy(
                rows_v.at[b, pl.ds(0, width)],
                out_hbm.at[pl.ds(base, width)],
                osem.at[b],
            ).wait()

        for b in range(min(NBUF, cpw)):
            gather_start(b, b)
        for j in range(cpw):
            b = j % NBUF
            width = CHUNK if j < cpw - 1 else tail
            gather_wait(b)
            out_start(j, b, width)
            if j + NBUF < cpw:
                out_wait(b, CHUNK)
                gather_start(j + NBUF, b)
        for j in range(max(cpw - NBUF, 0), cpw):
            width = CHUNK if j < cpw - 1 else tail
            out_wait(j % NBUF, width)

    return k(idx2d, table)


def kernel(tokens, emb_weight):
    n = tokens.shape[0]
    per_w = n // NUM_WORKERS
    assert per_w * NUM_WORKERS == n
    cpw = -(-per_w // CHUNK)
    idx = tokens.astype(jnp.int32).reshape(NUM_WORKERS, per_w)
    idx = jnp.pad(idx, ((0, 0), (0, cpw * CHUNK - per_w)))
    idx2d = idx.reshape(NUM_WORKERS * cpw, CHUNK)
    return _embed_gather(idx2d, emb_weight, n_rows=n)

# --- scband reference (transcript-rebuilt; emitter-appended) ---
"""Pipeline reference for scband-tree-embed-47536698032656 (READ-ONLY COPY).

The authoritative reference and input builder live on the scoring server;
editing this copy changes nothing except your own understanding.
"""

import jax, jax.numpy as jnp
import numpy as np

TOKEN_SIZE = 1000000
EMBED_DIM = 64
N_NODES = 100000

def setup_inputs(seed: int = 0) -> dict:
    key = jax.random.key(seed)
    k_tok, k_emb = jax.random.split(key)
    tokens = jax.random.randint(k_tok, (N_NODES,), 0, TOKEN_SIZE, dtype=jnp.int64 if jax.config.jax_enable_x64 else jnp.int32)
    # nn.Embedding default init: N(0, 1)
    emb_weight = jax.random.normal(k_emb, (TOKEN_SIZE, EMBED_DIM), dtype=jnp.float32)
    return {"tokens": tokens, "emb_weight": emb_weight}

def reference(tokens, emb_weight):
    # TreeEmbed.forward: root_tensors = self.emb(ast.ndata['token'])
    # The graph container is just a carrier; the computation is the embedding lookup,
    # whose result is stored into ast.ndata['x']. We return that node-feature tensor.
    root_tensors = jnp.take(emb_weight, tokens, axis=0)
    return root_tensors

if __name__ == "__main__":
    import jax
    _d = setup_inputs()
    print(jax.jit(kernel)(*tuple(_d.values())))

</pallas_src>

<mosaic_0001>
#map = affine_map<(d0, d1) -> (0, 0)>
module attributes {stable_mosaic.version = 14 : i64} {
  func.func @k(%arg0: i32, %arg1: i32, %arg2: memref<800x128xi32, #tpu.memory_space<hbm>>, %arg3: memref<1000000x64xf32, #tpu.memory_space<hbm>>, %arg4: memref<100000x64xf32, #tpu.memory_space<hbm>>, %arg5: memref<25x128xi32, #tpu.memory_space<vmem>>, %arg6: memref<12x128x64xf32, #tpu.memory_space<vmem>>, %arg7: memref<12x!tpu.dma_semaphore, #tpu.memory_space<semaphore_mem>>, %arg8: memref<12x!tpu.dma_semaphore, #tpu.memory_space<semaphore_mem>>) attributes {dimension_semantics = [#tpu.dimension_semantics<core_parallel>, #tpu.dimension_semantics<subcore_parallel>], iteration_bounds = array<i64: 2, 16>, scalar_prefetch = 0 : i64, scratch_operands = 4 : i64, tpu.core_type = #tpu.core_type<sc_vector_subcore>, window_params = [{transform_indices = #map}, {transform_indices = #map}, {transform_indices = #map}]} {
    %mul3A = arith.constant 2 : i32
    %mul3A_0 = arith.muli %arg1, %mul3A : i32
    %add3A = arith.addi %mul3A_0, %arg0 : i32
    %mul3A_1 = arith.constant 3125 : i32
    %mul3A_2 = arith.muli %add3A, %mul3A_1 : i32
    %mul3A_3 = arith.constant 25 : i32
    %mul3A_4 = arith.muli %add3A, %mul3A_3 : i32
    "tpu.region"() ({
      %run_scoped3A = tpu.sem_alloc : memref<!tpu.dma_semaphore, #tpu.memory_space<semaphore_mem>>
      %dma_start3A_1678 = arith.constant 0 : i32
      %dma_start3A_1679 = tpu.memref_slice %arg2[%mul3A_4, %dma_start3A_1678] : memref<800x128xi32, #tpu.memory_space<hbm>> -> memref<25x128xi32, #tpu.memory_space<hbm>>
      %dma_start3A_1680 = arith.constant 0 : i32
      %dma_start3A_1681 = tpu.memref_slice %arg2[%mul3A_4, %dma_start3A_1680] : memref<800x128xi32, #tpu.memory_space<hbm>> -> memref<25x128xi32, #tpu.memory_space<hbm>>
      tpu.enqueue_dma source(%dma_start3A_1681 : memref<25x128xi32, #tpu.memory_space<hbm>>) target(%arg5 : memref<25x128xi32, #tpu.memory_space<vmem>>) target_semaphore(%run_scoped3A : memref<!tpu.dma_semaphore, #tpu.memory_space<semaphore_mem>>)
      %dma_wait3A_1682 = arith.constant 0 : i32
      %dma_wait3A_1683 = tpu.memref_slice %arg2[%mul3A_4, %dma_wait3A_1682] : memref<800x128xi32, #tpu.memory_space<hbm>> -> memref<25x128xi32, #tpu.memory_space<hbm>>
      %dma_wait3A_1684 = arith.constant 0 : i32
      %dma_wait3A_1685 = tpu.memref_slice %arg2[%mul3A_4, %dma_wait3A_1684] : memref<800x128xi32, #tpu.memory_space<hbm>> -> memref<25x128xi32, #tpu.memory_space<hbm>>
      tpu.wait_dma2 semaphore(%run_scoped3A : memref<!tpu.dma_semaphore, #tpu.memory_space<semaphore_mem>>) src(%dma_wait3A_1685 : memref<25x128xi32, #tpu.memory_space<hbm>>) dst(%arg5 : memref<25x128xi32, #tpu.memory_space<vmem>>)
      tpu.yield
    }) : () -> ()
    %dma_start3A = arith.constant 0 : i32
    %dma_start3A_5 = arith.constant 0 : i32
    %dma_start3A_6 = arith.constant 0 : i32
    %dma_start3A_7 = arith.constant 0 : i32
    %dma_start3A_8 = arith.constant 0 : i32
    %dma_start3A_9 = tpu.memref_slice %arg6[%dma_start3A_5, %dma_start3A_7, %dma_start3A_8] : memref<12x128x64xf32, #tpu.memory_space<vmem>> -> memref<1x128x64xf32, #tpu.memory_space<vmem>>
    %dma_start3A_10 = tpu.memref_squeeze %dma_start3A_9 : memref<1x128x64xf32, #tpu.memory_space<vmem>> -> memref<128x64xf32, #tpu.memory_space<vmem>>
    %dma_start3A_11 = arith.constant 0 : i32
    %dma_start3A_12 = tpu.memref_slice %arg5[%dma_start3A, %dma_start3A_11] : memref<25x128xi32, #tpu.memory_space<vmem>> -> memref<1x128xi32, #tpu.memory_space<vmem>>
    %dma_start3A_13 = tpu.memref_squeeze %dma_start3A_12 : memref<1x128xi32, #tpu.memory_space<vmem>> -> memref<128xi32, #tpu.memory_space<vmem>>
    %dma_start3A_14 = arith.constant 0 : i32
    %dma_start3A_15 = arith.constant 0 : i32
    %dma_start3A_16 = tpu.memref_slice %arg3[%dma_start3A_14, %dma_start3A_15] : memref<1000000x64xf32, #tpu.memory_space<hbm>> -> memref<1000000x64xf32, #tpu.memory_space<hbm>>
    %dma_start3A_17 = tpu.memref_slice %arg7[%dma_start3A_6] : memref<12x!tpu.dma_semaphore, #tpu.memory_space<semaphore_mem>> -> memref<1x!tpu.dma_semaphore, #tpu.memory_space<semaphore_mem>>
    %dma_start3A_18 = tpu.memref_squeeze %dma_start3A_17 : memref<1x!tpu.dma_semaphore, #tpu.memory_space<semaphore_mem>> -> memref<!tpu.dma_semaphore, #tpu.memory_space<semaphore_mem>>
    tpu.enqueue_indirect_dma source(%dma_start3A_16 : memref<1000000x64xf32, #tpu.memory_space<hbm>>) target(%dma_start3A_10 : memref<128x64xf32, #tpu.memory_space<vmem>>) offsets(%dma_start3A_13 : memref<128xi32, #tpu.memory_space<vmem>>) semaphore(%dma_start3A_18 : memref<!tpu.dma_semaphore, #tpu.memory_space<semaphore_mem>>)
    %dma_start3A_19 = arith.constant 1 : i32
    %dma_start3A_20 = arith.constant 1 : i32
    %dma_start3A_21 = arith.constant 1 : i32
    %dma_start3A_22 = arith.constant 0 : i32
    %dma_start3A_23 = arith.constant 0 : i32
    %dma_start3A_24 = tpu.memref_slice %arg6[%dma_start3A_20, %dma_start3A_22, %dma_start3A_23] : memref<12x128x64xf32, #tpu.memory_space<vmem>> -> memref<1x128x64xf32, #tpu.memory_space<vmem>>
    %dma_start3A_25 = tpu.memref_squeeze %dma_start3A_24 : memref<1x128x64xf32, #tpu.memory_space<vmem>> -> memref<128x64xf32, #tpu.memory_space<vmem>>
    %dma_start3A_26 = arith.constant 0 : i32
    %dma_start3A_27 = tpu.memref_slice %arg5[%dma_start3A_19, %dma_start3A_26] : memref<25x128xi32, #tpu.memory_space<vmem>> -> memref<1x128xi32, #tpu.memory_space<vmem>>
    %dma_start3A_28 = tpu.memref_squeeze %dma_start3A_27 : memref<1x128xi32, #tpu.memory_space<vmem>> -> memref<128xi32, #tpu.memory_space<vmem>>
    %dma_start3A_29 = arith.constant 0 : i32
    %dma_start3A_30 = arith.constant 0 : i32
    %dma_start3A_31 = tpu.memref_slice %arg3[%dma_start3A_29, %dma_start3A_30] : memref<1000000x64xf32, #tpu.memory_space<hbm>> -> memref<1000000x64xf32, #tpu.memory_space<hbm>>
    %dma_start3A_32 = tpu.memref_slice %arg7[%dma_start3A_21] : memref<12x!tpu.dma_semaphore, #tpu.memory_space<semaphore_mem>> -> memref<1x!tpu.dma_semaphore, #tpu.memory_space<semaphore_mem>>
    %dma_start3A_33 = tpu.memref_squeeze %dma_start3A_32 : memref<1x!tpu.dma_semaphore, #tpu.memory_space<semaphore_mem>> -> memref<!tpu.dma_semaphore, #tpu.memory_space<semaphore_mem>>
    tpu.enqueue_indirect_dma source(%dma_start3A_31 : memref<1000000x64xf32, #tpu.memory_space<hbm>>) target(%dma_start3A_25 : memref<128x64xf32, #tpu.memory_space<vmem>>) offsets(%dma_start3A_28 : memref<128xi32, #tpu.memory_space<vmem>>) semaphore(%dma_start3A_33 : memref<!tpu.dma_semaphore, #tpu.memory_space<semaphore_mem>>)
    %dma_start3A_34 = arith.constant 2 : i32
    %dma_start3A_35 = arith.constant 2 : i32
    %dma_start3A_36 = arith.constant 2 : i32
    %dma_start3A_37 = arith.constant 0 : i32
    %dma_start3A_38 = arith.constant 0 : i32
    %dma_start3A_39 = tpu.memref_slice %arg6[%dma_start3A_35, %dma_start3A_37, %dma_start3A_38] : memref<12x128x64xf32, #tpu.memory_space<vmem>> -> memref<1x128x64xf32, #tpu.memory_space<vmem>>
    %dma_start3A_40 = tpu.memref_squeeze %dma_start3A_39 : memref<1x128x64xf32, #tpu.memory_space<vmem>> -> memref<128x64xf32, #tpu.memory_space<vmem>>
    %dma_start3A_41 = arith.constant 0 : i32
    %dma_start3A_42 = tpu.memref_slice %arg5[%dma_start3A_34, %dma_start3A_41] : memref<25x128xi32, #tpu.memory_space<vmem>> -> memref<1x128xi32, #tpu.memory_space<vmem>>
    %dma_start3A_43 = tpu.memref_squeeze %dma_start3A_42 : memref<1x128xi32, #tpu.memory_space<vmem>> -> memref<128xi32, #tpu.memory_space<vmem>>
    %dma_start3A_44 = arith.constant 0 : i32
    %dma_start3A_45 = arith.constant 0 : i32
    %dma_start3A_46 = tpu.memref_slice %arg3[%dma_start3A_44, %dma_start3A_45] : memref<1000000x64xf32, #tpu.memory_space<hbm>> -> memref<1000000x64xf32, #tpu.memory_space<hbm>>
    %dma_start3A_47 = tpu.memref_slice %arg7[%dma_start3A_36] : memref<12x!tpu.dma_semaphore, #tpu.memory_space<semaphore_mem>> -> memref<1x!tpu.dma_semaphore, #tpu.memory_space<semaphore_mem>>
    %dma_start3A_48 = tpu.memref_squeeze %dma_start3A_47 : memref<1x!tpu.dma_semaphore, #tpu.memory_space<semaphore_mem>> -> memref<!tpu.dma_semaphore, #tpu.memory_space<semaphore_mem>>
    tpu.enqueue_indirect_dma source(%dma_start3A_46 : memref<1000000x64xf32, #tpu.memory_space<hbm>>) target(%dma_start3A_40 : memref<128x64xf32, #tpu.memory_space<vmem>>) offsets(%dma_start3A_43 : memref<128xi32, #tpu.memory_space<vmem>>) semaphore(%dma_start3A_48 : memref<!tpu.dma_semaphore, #tpu.memory_space<semaphore_mem>>)
    %dma_start3A_49 = arith.constant 3 : i32
    %dma_start3A_50 = arith.constant 3 : i32
    %dma_start3A_51 = arith.constant 3 : i32
    %dma_start3A_52 = arith.constant 0 : i32
    %dma_start3A_53 = arith.constant 0 : i32
    %dma_start3A_54 = tpu.memref_slice %arg6[%dma_start3A_50, %dma_start3A_52, %dma_start3A_53] : memref<12x128x64xf32, #tpu.memory_space<vmem>> -> memref<1x128x64xf32, #tpu.memory_space<vmem>>
    %dma_start3A_55 = tpu.memref_squeeze %dma_start3A_54 : memref<1x128x64xf32, #tpu.memory_space<vmem>> -> memref<128x64xf32, #tpu.memory_space<vmem>>
    %dma_start3A_56 = arith.constant 0 : i32
    %dma_start3A_57 = tpu.memref_slice %arg5[%dma_start3A_49, %dma_start3A_56] : memref<25x128xi32, #tpu.memory_space<vmem>> -> memref<1x128xi32, #tpu.memory_space<vmem>>
    %dma_start3A_58 = tpu.memref_squeeze %dma_start3A_57 : memref<1x128xi32, #tpu.memory_space<vmem>> -> memref<128xi32, #tpu.memory_space<vmem>>
    %dma_start3A_59 = arith.constant 0 : i32
    %dma_start3A_60 = arith.constant 0 : i32
    %dma_start3A_61 = tpu.memref_slice %arg3[%dma_start3A_59, %dma_start3A_60] : memref<1000000x64xf32, #tpu.memory_space<hbm>> -> memref<1000000x64xf32, #tpu.memory_space<hbm>>
    %dma_start3A_62 = tpu.memref_slice %arg7[%dma_start3A_51] : memref<12x!tpu.dma_semaphore, #tpu.memory_space<semaphore_mem>> -> memref<1x!tpu.dma_semaphore, #tpu.memory_space<semaphore_mem>>
    %dma_start3A_63 = tpu.memref_squeeze %dma_start3A_62 : memref<1x!tpu.dma_semaphore, #tpu.memory_space<semaphore_mem>> -> memref<!tpu.dma_semaphore, #tpu.memory_space<semaphore_mem>>
    tpu.enqueue_indirect_dma source(%dma_start3A_61 : memref<1000000x64xf32, #tpu.memory_space<hbm>>) target(%dma_start3A_55 : memref<128x64xf32, #tpu.memory_space<vmem>>) offsets(%dma_start3A_58 : memref<128xi32, #tpu.memory_space<vmem>>) semaphore(%dma_start3A_63 : memref<!tpu.dma_semaphore, #tpu.memory_space<semaphore_mem>>)
    %dma_start3A_64 = arith.constant 4 : i32
    %dma_start3A_65 = arith.constant 4 : i32
    %dma_start3A_66 = arith.constant 4 : i32
    %dma_start3A_67 = arith.constant 0 : i32
    %dma_start3A_68 = arith.constant 0 : i32
    %dma_start3A_69 = tpu.memref_slice %arg6[%dma_start3A_65, %dma_start3A_67, %dma_start3A_68] : memref<12x128x64xf32, #tpu.memory_space<vmem>> -> memref<1x128x64xf32, #tpu.memory_space<vmem>>
    %dma_start3A_70 = tpu.memref_squeeze %dma_start3A_69 : memref<1x128x64xf32, #tpu.memory_space<vmem>> -> memref<128x64xf32, #tpu.memory_space<vmem>>
    %dma_start3A_71 = arith.constant 0 : i32
    %dma_start3A_72 = tpu.memref_slice %arg5[%dma_start3A_64, %dma_start3A_71] : memref<25x128xi32, #tpu.memory_space<vmem>> -> memref<1x128xi32, #tpu.memory_space<vmem>>
    %dma_start3A_73 = tpu.memref_squeeze %dma_start3A_72 : memref<1x128xi32, #tpu.memory_space<vmem>> -> memref<128xi32, #tpu.memory_space<vmem>>
    %dma_start3A_74 = arith.constant 0 : i32
    %dma_start3A_75 = arith.constant 0 : i32
    %dma_start3A_76 = tpu.memref_slice %arg3[%dma_start3A_74, %dma_start3A_75] : memref<1000000x64xf32, #tpu.memory_space<hbm>> -> memref<1000000x64xf32, #tpu.memory_space<hbm>>
    %dma_start3A_77 = tpu.memref_slice %arg7[%dma_start3A_66] : memref<12x!tpu.dma_semaphore, #tpu.memory_space<semaphore_mem>> -> memref<1x!tpu.dma_semaphore, #tpu.memory_space<semaphore_mem>>
    %dma_start3A_78 = tpu.memref_squeeze %dma_start3A_77 : memref<1x!tpu.dma_semaphore, #tpu.memory_space<semaphore_mem>> -> memref<!tpu.dma_semaphore, #tpu.memory_space<semaphore_mem>>
    tpu.enqueue_indirect_dma source(%dma_start3A_76 : memref<1000000x64xf32, #tpu.memory_space<hbm>>) target(%dma_start3A_70 : memref<128x64xf32, #tpu.memory_space<vmem>>) offsets(%dma_start3A_73 : memref<128xi32, #tpu.memory_space<vmem>>) semaphore(%dma_start3A_78 : memref<!tpu.dma_semaphore, #tpu.memory_space<semaphore_mem>>)
    %dma_start3A_79 = arith.constant 5 : i32
    %dma_start3A_80 = arith.constant 5 : i32
    %dma_start3A_81 = arith.constant 5 : i32
    %dma_start3A_82 = arith.constant 0 : i32
    %dma_start3A_83 = arith.constant 0 : i32
    %dma_start3A_84 = tpu.memref_slice %arg6[%dma_start3A_80, %dma_start3A_82, %dma_start3A_83] : memref<12x128x64xf32, #tpu.memory_space<vmem>> -> memref<1x128x64xf32, #tpu.memory_space<vmem>>
    %dma_start3A_85 = tpu.memref_squeeze %dma_start3A_84 : memref<1x128x64xf32, #tpu.memory_space<vmem>> -> memref<128x64xf32, #tpu.memory_space<vmem>>
    %dma_start3A_86 = arith.constant 0 : i32
    %dma_start3A_87 = tpu.memref_slice %arg5[%dma_start3A_79, %dma_start3A_86] : memref<25x128xi32, #tpu.memory_space<vmem>> -> memref<1x128xi32, #tpu.memory_space<vmem>>
    %dma_start3A_88 = tpu.memref_squeeze %dma_start3A_87 : memref<1x128xi32, #tpu.memory_space<vmem>> -> memref<128xi32, #tpu.memory_space<vmem>>
    %dma_start3A_89 = arith.constant 0 : i32
    %dma_start3A_90 = arith.constant 0 : i32
    %dma_start3A_91 = tpu.memref_slice %arg3[%dma_start3A_89, %dma_start3A_90] : memref<1000000x64xf32, #tpu.memory_space<hbm>> -> memref<1000000x64xf32, #tpu.memory_space<hbm>>
    %dma_start3A_92 = tpu.memref_slice %arg7[%dma_start3A_81] : memref<12x!tpu.dma_semaphore, #tpu.memory_space<semaphore_mem>> -> memref<1x!tpu.dma_semaphore, #tpu.memory_space<semaphore_mem>>
    %dma_start3A_93 = tpu.memref_squeeze %dma_start3A_92 : memref<1x!tpu.dma_semaphore, #tpu.memory_space<semaphore_mem>> -> memref<!tpu.dma_semaphore, #tpu.memory_space<semaphore_mem>>
    tpu.enqueue_indirect_dma source(%dma_start3A_91 : memref<1000000x64xf32, #tpu.memory_space<hbm>>) target(%dma_start3A_85 : memref<128x64xf32, #tpu.memory_space<vmem>>) offsets(%dma_start3A_88 : memref<128xi32, #tpu.memory_space<vmem>>) semaphore(%dma_start3A_93 : memref<!tpu.dma_semaphore, #tpu.memory_space<semaphore_mem>>)
    %dma_start3A_94 = arith.constant 6 : i32
    %dma_start3A_95 = arith.constant 6 : i32
    %dma_start3A_96 = arith.constant 6 : i32
    %dma_start3A_97 = arith.constant 0 : i32
    %dma_start3A_98 = arith.constant 0 : i32
    %dma_start3A_99 = tpu.memref_slice %arg6[%dma_start3A_95, %dma_start3A_97, %dma_start3A_98] : memref<12x128x64xf32, #tpu.memory_space<vmem>> -> memref<1x128x64xf32, #tpu.memory_space<vmem>>
    %dma_start3A_100 = tpu.memref_squeeze %dma_start3A_99 : memref<1x128x64xf32, #tpu.memory_space<vmem>> -> memref<128x64xf32, #tpu.memory_space<vmem>>
    %dma_start3A_101 = arith.constant 0 : i32
    %dma_start3A_102 = tpu.memref_slice %arg5[%dma_start3A_94, %dma_start3A_101] : memref<25x128xi32, #tpu.memory_space<vmem>> -> memref<1x128xi32, #tpu.memory_space<vmem>>
    %dma_start3A_103 = tpu.memref_squeeze %dma_start3A_102 : memref<1x128xi32, #tpu.memory_space<vmem>> -> memref<128xi32, #tpu.memory_space<vmem>>
    %dma_start3A_104 = arith.constant 0 : i32
    %dma_start3A_105 = arith.constant 0 : i32
    %dma_start3A_106 = tpu.memref_slice %arg3[%dma_start3A_104, %dma_start3A_105] : memref<1000000x64xf32, #tpu.memory_space<hbm>> -> memref<1000000x64xf32, #tpu.memory_space<hbm>>
    %dma_start3A_107 = tpu.memref_slice %arg7[%dma_start3A_96] : memref<12x!tpu.dma_semaphore, #tpu.memory_space<semaphore_mem>> -> memref<1x!tpu.dma_semaphore, #tpu.memory_space<semaphore_mem>>
    %dma_start3A_108 = tpu.memref_squeeze %dma_start3A_107 : memref<1x!tpu.dma_semaphore, #tpu.memory_space<semaphore_mem>> -> memref<!tpu.dma_semaphore, #tpu.memory_space<semaphore_mem>>
    tpu.enqueue_indirect_dma source(%dma_start3A_106 : memref<1000000x64xf32, #tpu.memory_space<hbm>>) target(%dma_start3A_100 : memref<128x64xf32, #tpu.memory_space<vmem>>) offsets(%dma_start3A_103 : memref<128xi32, #tpu.memory_space<vmem>>) semaphore(%dma_start3A_108 : memref<!tpu.dma_semaphore, #tpu.memory_space<semaphore_mem>>)
    %dma_start3A_109 = arith.constant 7 : i32
    %dma_start3A_110 = arith.constant 7 : i32
    %dma_start3A_111 = arith.constant 7 : i32
    %dma_start3A_112 = arith.constant 0 : i32
    %dma_start3A_113 = arith.constant 0 : i32
    %dma_start3A_114 = tpu.memref_slice %arg6[%dma_start3A_110, %dma_start3A_112, %dma_start3A_113] : memref<12x128x64xf32, #tpu.memory_space<vmem>> -> memref<1x128x64xf32, #tpu.memory_space<vmem>>
    %dma_start3A_115 = tpu.memref_squeeze %dma_start3A_114 : memref<1x128x64xf32, #tpu.memory_space<vmem>> -> memref<128x64xf32, #tpu.memory_space<vmem>>
    %dma_start3A_116 = arith.constant 0 : i32
    %dma_start3A_117 = tpu.memref_slice %arg5[%dma_start3A_109, %dma_start3A_116] : memref<25x128xi32, #tpu.memory_space<vmem>> -> memref<1x128xi32, #tpu.memory_space<vmem>>
    %dma_start3A_118 = tpu.memref_squeeze %dma_start3A_117 : memref<1x128xi32, #tpu.memory_space<vmem>> -> memref<128xi32, #tpu.memory_space<vmem>>
    %dma_start3A_119 = arith.constant 0 : i32
    %dma_start3A_120 = arith.constant 0 : i32
    %dma_start3A_121 = tpu.memref_slice %arg3[%dma_start3A_119, %dma_start3A_120] : memref<1000000x64xf32, #tpu.memory_space<hbm>> -> memref<1000000x64xf32, #tpu.memory_space<hbm>>
    %dma_start3A_122 = tpu.memref_slice %arg7[%dma_start3A_111] : memref<12x!tpu.dma_semaphore, #tpu.memory_space<semaphore_mem>> -> memref<1x!tpu.dma_semaphore, #tpu.memory_space<semaphore_mem>>
    %dma_start3A_123 = tpu.memref_squeeze %dma_start3A_122 : memref<1x!tpu.dma_semaphore, #tpu.memory_space<semaphore_mem>> -> memref<!tpu.dma_semaphore, #tpu.memory_space<semaphore_mem>>
    tpu.enqueue_indirect_dma source(%dma_start3A_121 : memref<1000000x64xf32, #tpu.memory_space<hbm>>) target(%dma_start3A_115 : memref<128x64xf32, #tpu.memory_space<vmem>>) offsets(%dma_start3A_118 : memref<128xi32, #tpu.memory_space<vmem>>) semaphore(%dma_start3A_123 : memref<!tpu.dma_semaphore, #tpu.memory_space<semaphore_mem>>)
    %dma_start3A_124 = arith.constant 8 : i32
    %dma_start3A_125 = arith.constant 8 : i32
    %dma_start3A_126 = arith.constant 8 : i32
    %dma_start3A_127 = arith.constant 0 : i32
    %dma_start3A_128 = arith.constant 0 : i32
    %dma_start3A_129 = tpu.memref_slice %arg6[%dma_start3A_125, %dma_start3A_127, %dma_start3A_128] : memref<12x128x64xf32, #tpu.memory_space<vmem>> -> memref<1x128x64xf32, #tpu.memory_space<vmem>>
    %dma_start3A_130 = tpu.memref_squeeze %dma_start3A_129 : memref<1x128x64xf32, #tpu.memory_space<vmem>> -> memref<128x64xf32, #tpu.memory_space<vmem>>
    %dma_start3A_131 = arith.constant 0 : i32
    %dma_start3A_132 = tpu.memref_slice %arg5[%dma_start3A_124, %dma_start3A_131] : memref<25x128xi32, #tpu.memory_space<vmem>> -> memref<1x128xi32, #tpu.memory_space<vmem>>
    %dma_start3A_133 = tpu.memref_squeeze %dma_start3A_132 : memref<1x128xi32, #tpu.memory_space<vmem>> -> memref<128xi32, #tpu.memory_space<vmem>>
    %dma_start3A_134 = arith.constant 0 : i32
    %dma_start3A_135 = arith.constant 0 : i32
    %dma_start3A_136 = tpu.memref_slice %arg3[%dma_start3A_134, %dma_start3A_135] : memref<1000000x64xf32, #tpu.memory_space<hbm>> -> memref<1000000x64xf32, #tpu.memory_space<hbm>>
    %dma_start3A_137 = tpu.memref_slice %arg7[%dma_start3A_126] : memref<12x!tpu.dma_semaphore, #tpu.memory_space<semaphore_mem>> -> memref<1x!tpu.dma_semaphore, #tpu.memory_space<semaphore_mem>>
    %dma_start3A_138 = tpu.memref_squeeze %dma_start3A_137 : memref<1x!tpu.dma_semaphore, #tpu.memory_space<semaphore_mem>> -> memref<!tpu.dma_semaphore, #tpu.memory_space<semaphore_mem>>
    tpu.enqueue_indirect_dma source(%dma_start3A_136 : memref<1000000x64xf32, #tpu.memory_space<hbm>>) target(%dma_start3A_130 : memref<128x64xf32, #tpu.memory_space<vmem>>) offsets(%dma_start3A_133 : memref<128xi32, #tpu.memory_space<vmem>>) semaphore(%dma_start3A_138 : memref<!tpu.dma_semaphore, #tpu.memory_space<semaphore_mem>>)
    %dma_start3A_139 = arith.constant 9 : i32
    %dma_start3A_140 = arith.constant 9 : i32
    %dma_start3A_141 = arith.constant 9 : i32
    %dma_start3A_142 = arith.constant 0 : i32
    %dma_start3A_143 = arith.constant 0 : i32
    %dma_start3A_144 = tpu.memref_slice %arg6[%dma_start3A_140, %dma_start3A_142, %dma_start3A_143] : memref<12x128x64xf32, #tpu.memory_space<vmem>> -> memref<1x128x64xf32, #tpu.memory_space<vmem>>
    %dma_start3A_145 = tpu.memref_squeeze %dma_start3A_144 : memref<1x128x64xf32, #tpu.memory_space<vmem>> -> memref<128x64xf32, #tpu.memory_space<vmem>>
    %dma_start3A_146 = arith.constant 0 : i32
    %dma_start3A_147 = tpu.memref_slice %arg5[%dma_start3A_139, %dma_start3A_146] : memref<25x128xi32, #tpu.memory_space<vmem>> -> memref<1x128xi32, #tpu.memory_space<vmem>>
    %dma_start3A_148 = tpu.memref_squeeze %dma_start3A_147 : memref<1x128xi32, #tpu.memory_space<vmem>> -> memref<128xi32, #tpu.memory_space<vmem>>
    %dma_start3A_149 = arith.constant 0 : i32
    %dma_start3A_150 = arith.constant 0 : i32
    %dma_start3A_151 = tpu.memref_slice %arg3[%dma_start3A_149, %dma_start3A_150] : memref<1000000x64xf32, #tpu.memory_space<hbm>> -> memref<1000000x64xf32, #tpu.memory_space<hbm>>
    %dma_start3A_152 = tpu.memref_slice %arg7[%dma_start3A_141] : memref<12x!tpu.dma_semaphore, #tpu.memory_space<semaphore_mem>> -> memref<1x!tpu.dma_semaphore, #tpu.memory_space<semaphore_mem>>
    %dma_start3A_153 = tpu.memref_squeeze %dma_start3A_152 : memref<1x!tpu.dma_semaphore, #tpu.memory_space<semaphore_mem>> -> memref<!tpu.dma_semaphore, #tpu.memory_space<semaphore_mem>>
    tpu.enqueue_indirect_dma source(%dma_start3A_151 : memref<1000000x64xf32, #tpu.memory_space<hbm>>) target(%dma_start3A_145 : memref<128x64xf32, #tpu.memory_space<vmem>>) offsets(%dma_start3A_148 : memref<128xi32, #tpu.memory_space<vmem>>) semaphore(%dma_start3A_153 : memref<!tpu.dma_semaphore, #tpu.memory_space<semaphore_mem>>)
    %dma_start3A_154 = arith.constant 10 : i32
    %dma_start3A_155 = arith.constant 10 : i32
    %dma_start3A_156 = arith.constant 10 : i32
    %dma_start3A_157 = arith.constant 0 : i32
    %dma_start3A_158 = arith.constant 0 : i32
    %dma_start3A_159 = tpu.memref_slice %arg6[%dma_start3A_155, %dma_start3A_157, %dma_start3A_158] : memref<12x128x64xf32, #tpu.memory_space<vmem>> -> memref<1x128x64xf32, #tpu.memory_space<vmem>>
    %dma_start3A_160 = tpu.memref_squeeze %dma_start3A_159 : memref<1x128x64xf32, #tpu.memory_space<vmem>> -> memref<128x64xf32, #tpu.memory_space<vmem>>
    %dma_start3A_161 = arith.constant 0 : i32
    %dma_start3A_162 = tpu.memref_slice %arg5[%dma_start3A_154, %dma_start3A_161] : memref<25x128xi32, #tpu.memory_space<vmem>> -> memref<1x128xi32, #tpu.memory_space<vmem>>
    %dma_start3A_163 = tpu.memref_squeeze %dma_start3A_162 : memref<1x128xi32, #tpu.memory_space<vmem>> -> memref<128xi32, #tpu.memory_space<vmem>>
    %dma_start3A_164 = arith.constant 0 : i32
    %dma_start3A_165 = arith.constant 0 : i32
    %dma_start3A_166 = tpu.memref_slice %arg3[%dma_start3A_164, %dma_start3A_165] : memref<1000000x64xf32, #tpu.memory_space<hbm>> -> memref<1000000x64xf32, #tpu.memory_space<hbm>>
    %dma_start3A_167 = tpu.memref_slice %arg7[%dma_start3A_156] : memref<12x!tpu.dma_semaphore, #tpu.memory_space<semaphore_mem>> -> memref<1x!tpu.dma_semaphore, #tpu.memory_space<semaphore_mem>>
    %dma_start3A_168 = tpu.memref_squeeze %dma_start3A_167 : memref<1x!tpu.dma_semaphore, #tpu.memory_space<semaphore_mem>> -> memref<!tpu.dma_semaphore, #tpu.memory_space<semaphore_mem>>
    tpu.enqueue_indirect_dma source(%dma_start3A_166 : memref<1000000x64xf32, #tpu.memory_space<hbm>>) target(%dma_start3A_160 : memref<128x64xf32, #tpu.memory_space<vmem>>) offsets(%dma_start3A_163 : memref<128xi32, #tpu.memory_space<vmem>>) semaphore(%dma_start3A_168 : memref<!tpu.dma_semaphore, #tpu.memory_space<semaphore_mem>>)
    %dma_start3A_169 = arith.constant 11 : i32
    %dma_start3A_170 = arith.constant 11 : i32
    %dma_start3A_171 = arith.constant 11 : i32
    %dma_start3A_172 = arith.constant 0 : i32
    %dma_start3A_173 = arith.constant 0 : i32
    %dma_start3A_174 = tpu.memref_slice %arg6[%dma_start3A_170, %dma_start3A_172, %dma_start3A_173] : memref<12x128x64xf32, #tpu.memory_space<vmem>> -> memref<1x128x64xf32, #tpu.memory_space<vmem>>
    %dma_start3A_175 = tpu.memref_squeeze %dma_start3A_174 : memref<1x128x64xf32, #tpu.memory_space<vmem>> -> memref<128x64xf32, #tpu.memory_space<vmem>>
    %dma_start3A_176 = arith.constant 0 : i32
    %dma_start3A_177 = tpu.memref_slice %arg5[%dma_start3A_169, %dma_start3A_176] : memref<25x128xi32, #tpu.memory_space<vmem>> -> memref<1x128xi32, #tpu.memory_space<vmem>>
    %dma_start3A_178 = tpu.memref_squeeze %dma_start3A_177 : memref<1x128xi32, #tpu.memory_space<vmem>> -> memref<128xi32, #tpu.memory_space<vmem>>
    %dma_start3A_179 = arith.constant 0 : i32
    %dma_start3A_180 = arith.constant 0 : i32
    %dma_start3A_181 = tpu.memref_slice %arg3[%dma_start3A_179, %dma_start3A_180] : memref<1000000x64xf32, #tpu.memory_space<hbm>> -> memref<1000000x64xf32, #tpu.memory_space<hbm>>
    %dma_start3A_182 = tpu.memref_slice %arg7[%dma_start3A_171] : memref<12x!tpu.dma_semaphore, #tpu.memory_space<semaphore_mem>> -> memref<1x!tpu.dma_semaphore, #tpu.memory_space<semaphore_mem>>
    %dma_start3A_183 = tpu.memref_squeeze %dma_start3A_182 : memref<1x!tpu.dma_semaphore, #tpu.memory_space<semaphore_mem>> -> memref<!tpu.dma_semaphore, #tpu.memory_space<semaphore_mem>>
    tpu.enqueue_indirect_dma source(%dma_start3A_181 : memref<1000000x64xf32, #tpu.memory_space<hbm>>) target(%dma_start3A_175 : memref<128x64xf32, #tpu.memory_space<vmem>>) offsets(%dma_start3A_178 : memref<128xi32, #tpu.memory_space<vmem>>) semaphore(%dma_start3A_183 : memref<!tpu.dma_semaphore, #tpu.memory_space<semaphore_mem>>)
    %dma_wait3A = arith.constant 0 : i32
    %dma_wait3A_184 = arith.constant 0 : i32
    %dma_wait3A_185 = arith.constant 0 : i32
    %dma_wait3A_186 = arith.constant 0 : i32
    %dma_wait3A_187 = tpu.memref_slice %arg6[%dma_wait3A, %dma_wait3A_185, %dma_wait3A_186] : memref<12x128x64xf32, #tpu.memory_space<vmem>> -> memref<1x128x64xf32, #tpu.memory_space<vmem>>
    %dma_wait3A_188 = tpu.memref_squeeze %dma_wait3A_187 : memref<1x128x64xf32, #tpu.memory_space<vmem>> -> memref<128x64xf32, #tpu.memory_space<vmem>>
    %dma_wait3A_189 = arith.constant 0 : i32
    %dma_wait3A_190 = arith.constant 0 : i32
    %dma_wait3A_191 = tpu.memref_slice %arg3[%dma_wait3A_189, %dma_wait3A_190] : memref<1000000x64xf32, #tpu.memory_space<hbm>> -> memref<128x64xf32, #tpu.memory_space<hbm>>
    %dma_wait3A_192 = tpu.memref_slice %arg7[%dma_wait3A_184] : memref<12x!tpu.dma_semaphore, #tpu.memory_space<semaphore_mem>> -> memref<1x!tpu.dma_semaphore, #tpu.memory_space<semaphore_mem>>
    %dma_wait3A_193 = tpu.memref_squeeze %dma_wait3A_192 : memref<1x!tpu.dma_semaphore, #tpu.memory_space<semaphore_mem>> -> memref<!tpu.dma_semaphore, #tpu.memory_space<semaphore_mem>>
    %dma_wait3A_194 = arith.constant 0 : i32
    %dma_wait3A_195 = arith.constant 0 : i32
    %dma_wait3A_196 = tpu.memref_slice %arg6[%dma_wait3A, %dma_wait3A_194, %dma_wait3A_195] : memref<12x128x64xf32, #tpu.memory_space<vmem>> -> memref<1x128x64xf32, #tpu.memory_space<vmem>>
    %dma_wait3A_197 = tpu.memref_squeeze %dma_wait3A_196 : memref<1x128x64xf32, #tpu.memory_space<vmem>> -> memref<128x64xf32, #tpu.memory_space<vmem>>
    %dma_wait3A_198 = arith.constant 0 : i32
    %dma_wait3A_199 = arith.constant 0 : i32
    %dma_wait3A_200 = tpu.memref_slice %arg3[%dma_wait3A_198, %dma_wait3A_199] : memref<1000000x64xf32, #tpu.memory_space<hbm>> -> memref<128x64xf32, #tpu.memory_space<hbm>>
    tpu.wait_dma2 semaphore(%dma_wait3A_193 : memref<!tpu.dma_semaphore, #tpu.memory_space<semaphore_mem>>) src(%dma_wait3A_200 : memref<128x64xf32, #tpu.memory_space<hbm>>) dst(%dma_wait3A_197 : memref<128x64xf32, #tpu.memory_space<vmem>>)
    %add3A_201 = arith.constant 0 : i32
    %add3A_202 = arith.addi %mul3A_2, %add3A_201 : i32
    %dma_start3A_203 = arith.constant 0 : i32
    %dma_start3A_204 = arith.constant 0 : i32
    %dma_start3A_205 = arith.constant 0 : i32
    %dma_start3A_206 = arith.constant 0 : i32
    %dma_start3A_207 = tpu.memref_slice %arg6[%dma_start3A_203, %dma_start3A_205, %dma_start3A_206] : memref<12x128x64xf32, #tpu.memory_space<vmem>> -> memref<1x128x64xf32, #tpu.memory_space<vmem>>
    %dma_start3A_208 = tpu.memref_squeeze %dma_start3A_207 : memref<1x128x64xf32, #tpu.memory_space<vmem>> -> memref<128x64xf32, #tpu.memory_space<vmem>>
    %dma_start3A_209 = arith.constant 0 : i32
    %dma_start3A_210 = tpu.memref_slice %arg4[%add3A_202, %dma_start3A_209] : memref<100000x64xf32, #tpu.memory_space<hbm>> -> memref<128x64xf32, #tpu.memory_space<hbm>>
    %dma_start3A_211 = tpu.memref_slice %arg8[%dma_start3A_204] : memref<12x!tpu.dma_semaphore, #tpu.memory_space<semaphore_mem>> -> memref<1x!tpu.dma_semaphore, #tpu.memory_space<semaphore_mem>>
    %dma_start3A_212 = tpu.memref_squeeze %dma_start3A_211 : memref<1x!tpu.dma_semaphore, #tpu.memory_space<semaphore_mem>> -> memref<!tpu.dma_semaphore, #tpu.memory_space<semaphore_mem>>
    %dma_start3A_213 = arith.constant 0 : i32
    %dma_start3A_214 = tpu.memref_slice %arg4[%add3A_202, %dma_start3A_213] : memref<100000x64xf32, #tpu.memory_space<hbm>> -> memref<128x64xf32, #tpu.memory_space<hbm>>
    %dma_start3A_215 = arith.constant 0 : i32
    %dma_start3A_216 = arith.constant 0 : i32
    %dma_start3A_217 = tpu.memref_slice %arg6[%dma_start3A_203, %dma_start3A_215, %dma_start3A_216] : memref<12x128x64xf32, #tpu.memory_space<vmem>> -> memref<1x128x64xf32, #tpu.memory_space<vmem>>
    %dma_start3A_218 = tpu.memref_squeeze %dma_start3A_217 : memref<1x128x64xf32, #tpu.memory_space<vmem>> -> memref<128x64xf32, #tpu.memory_space<vmem>>
    tpu.enqueue_dma source(%dma_start3A_218 : memref<128x64xf32, #tpu.memory_space<vmem>>) target(%dma_start3A_214 : memref<128x64xf32, #tpu.memory_space<hbm>>) target_semaphore(%dma_start3A_212 : memref<!tpu.dma_semaphore, #tpu.memory_space<semaphore_mem>>)
    %dma_wait3A_219 = arith.constant 0 : i32
    %dma_wait3A_220 = arith.constant 0 : i32
    %dma_wait3A_221 = arith.constant 0 : i32
    %dma_wait3A_222 = arith.constant 0 : i32
    %dma_wait3A_223 = tpu.memref_slice %arg6[%dma_wait3A_219, %dma_wait3A_221, %dma_wait3A_222] : memref<12x128x64xf32, #tpu.memory_space<vmem>> -> memref<1x128x64xf32, #tpu.memory_space<vmem>>
    %dma_wait3A_224 = tpu.memref_squeeze %dma_wait3A_223 : memref<1x128x64xf32, #tpu.memory_space<vmem>> -> memref<128x64xf32, #tpu.memory_space<vmem>>
    %dma_wait3A_225 = arith.constant 0 : i32
    %dma_wait3A_226 = tpu.memref_slice %arg4[%mul3A_2, %dma_wait3A_225] : memref<100000x64xf32, #tpu.memory_space<hbm>> -> memref<128x64xf32, #tpu.memory_space<hbm>>
    %dma_wait3A_227 = tpu.memref_slice %arg8[%dma_wait3A_220] : memref<12x!tpu.dma_semaphore, #tpu.memory_space<semaphore_mem>> -> memref<1x!tpu.dma_semaphore, #tpu.memory_space<semaphore_mem>>
    %dma_wait3A_228 = tpu.memref_squeeze %dma_wait3A_227 : memref<1x!tpu.dma_semaphore, #tpu.memory_space<semaphore_mem>> -> memref<!tpu.dma_semaphore, #tpu.memory_space<semaphore_mem>>
    %dma_wait3A_229 = arith.constant 0 : i32
    %dma_wait3A_230 = tpu.memref_slice %arg4[%mul3A_2, %dma_wait3A_229] : memref<100000x64xf32, #tpu.memory_space<hbm>> -> memref<128x64xf32, #tpu.memory_space<hbm>>
    %dma_wait3A_231 = arith.constant 0 : i32
    %dma_wait3A_232 = arith.constant 0 : i32
    %dma_wait3A_233 = tpu.memref_slice %arg6[%dma_wait3A_219, %dma_wait3A_231, %dma_wait3A_232] : memref<12x128x64xf32, #tpu.memory_space<vmem>> -> memref<1x128x64xf32, #tpu.memory_space<vmem>>
    %dma_wait3A_234 = tpu.memref_squeeze %dma_wait3A_233 : memref<1x128x64xf32, #tpu.memory_space<vmem>> -> memref<128x64xf32, #tpu.memory_space<vmem>>
    tpu.wait_dma2 semaphore(%dma_wait3A_228 : memref<!tpu.dma_semaphore, #tpu.memory_space<semaphore_mem>>) src(%dma_wait3A_234 : memref<128x64xf32, #tpu.memory_space<vmem>>) dst(%dma_wait3A_230 : memref<128x64xf32, #tpu.memory_space<hbm>>)
    %dma_start3A_235 = arith.constant 12 : i32
    %dma_start3A_236 = arith.constant 0 : i32
    %dma_start3A_237 = arith.constant 0 : i32
    %dma_start3A_238 = arith.constant 0 : i32
    %dma_start3A_239 = arith.constant 0 : i32
    %dma_start3A_240 = tpu.memref_slice %arg6[%dma_start3A_236, %dma_start3A_238, %dma_start3A_239] : memref<12x128x64xf32, #tpu.memory_space<vmem>> -> memref<1x128x64xf32, #tpu.memory_space<vmem>>
    %dma_start3A_241 = tpu.memref_squeeze %dma_start3A_240 : memref<1x128x64xf32, #tpu.memory_space<vmem>> -> memref<128x64xf32, #tpu.memory_space<vmem>>
    %dma_start3A_242 = arith.constant 0 : i32
    %dma_start3A_243 = tpu.memref_slice %arg5[%dma_start3A_235, %dma_start3A_242] : memref<25x128xi32, #tpu.memory_space<vmem>> -> memref<1x128xi32, #tpu.memory_space<vmem>>
    %dma_start3A_244 = tpu.memref_squeeze %dma_start3A_243 : memref<1x128xi32, #tpu.memory_space<vmem>> -> memref<128xi32, #tpu.memory_space<vmem>>
    %dma_start3A_245 = arith.constant 0 : i32
    %dma_start3A_246 = arith.constant 0 : i32
    %dma_start3A_247 = tpu.memref_slice %arg3[%dma_start3A_245, %dma_start3A_246] : memref<1000000x64xf32, #tpu.memory_space<hbm>> -> memref<1000000x64xf32, #tpu.memory_space<hbm>>
    %dma_start3A_248 = tpu.memref_slice %arg7[%dma_start3A_237] : memref<12x!tpu.dma_semaphore, #tpu.memory_space<semaphore_mem>> -> memref<1x!tpu.dma_semaphore, #tpu.memory_space<semaphore_mem>>
    %dma_start3A_249 = tpu.memref_squeeze %dma_start3A_248 : memref<1x!tpu.dma_semaphore, #tpu.memory_space<semaphore_mem>> -> memref<!tpu.dma_semaphore, #tpu.memory_space<semaphore_mem>>
    tpu.enqueue_indirect_dma source(%dma_start3A_247 : memref<1000000x64xf32, #tpu.memory_space<hbm>>) target(%dma_start3A_241 : memref<128x64xf32, #tpu.memory_space<vmem>>) offsets(%dma_start3A_244 : memref<128xi32, #tpu.memory_space<vmem>>) semaphore(%dma_start3A_249 : memref<!tpu.dma_semaphore, #tpu.memory_space<semaphore_mem>>)
    %dma_wait3A_250 = arith.constant 1 : i32
    %dma_wait3A_251 = arith.constant 1 : i32
    %dma_wait3A_252 = arith.constant 0 : i32
    %dma_wait3A_253 = arith.constant 0 : i32
    %dma_wait3A_254 = tpu.memref_slice %arg6[%dma_wait3A_250, %dma_wait3A_252, %dma_wait3A_253] : memref<12x128x64xf32, #tpu.memory_space<vmem>> -> memref<1x128x64xf32, #tpu.memory_space<vmem>>
    %dma_wait3A_255 = tpu.memref_squeeze %dma_wait3A_254 : memref<1x128x64xf32, #tpu.memory_space<vmem>> -> memref<128x64xf32, #tpu.memory_space<vmem>>
    %dma_wait3A_256 = arith.constant 0 : i32
    %dma_wait3A_257 = arith.constant 0 : i32
    %dma_wait3A_258 = tpu.memref_slice %arg3[%dma_wait3A_256, %dma_wait3A_257] : memref<1000000x64xf32, #tpu.memory_space<hbm>> -> memref<128x64xf32, #tpu.memory_space<hbm>>
    %dma_wait3A_259 = tpu.memref_slice %arg7[%dma_wait3A_251] : memref<12x!tpu.dma_semaphore, #tpu.memory_space<semaphore_mem>> -> memref<1x!tpu.dma_semaphore, #tpu.memory_space<semaphore_mem>>
    %dma_wait3A_260 = tpu.memref_squeeze %dma_wait3A_259 : memref<1x!tpu.dma_semaphore, #tpu.memory_space<semaphore_mem>> -> memref<!tpu.dma_semaphore, #tpu.memory_space<semaphore_mem>>
    %dma_wait3A_261 = arith.constant 0 : i32
    %dma_wait3A_262 = arith.constant 0 : i32
    %dma_wait3A_263 = tpu.memref_slice %arg6[%dma_wait3A_250, %dma_wait3A_261, %dma_wait3A_262] : memref<12x128x64xf32, #tpu.memory_space<vmem>> -> memref<1x128x64xf32, #tpu.memory_space<vmem>>
    %dma_wait3A_264 = tpu.memref_squeeze %dma_wait3A_263 : memref<1x128x64xf32, #tpu.memory_space<vmem>> -> memref<128x64xf32, #tpu.memory_space<vmem>>
    %dma_wait3A_265 = arith.constant 0 : i32
    %dma_wait3A_266 = arith.constant 0 : i32
    %dma_wait3A_267 = tpu.memref_slice %arg3[%dma_wait3A_265, %dma_wait3A_266] : memref<1000000x64xf32, #tpu.memory_space<hbm>> -> memref<128x64xf32, #tpu.memory_space<hbm>>
    tpu.wait_dma2 semaphore(%dma_wait3A_260 : memref<!tpu.dma_semaphore, #tpu.memory_space<semaphore_mem>>) src(%dma_wait3A_267 : memref<128x64xf32, #tpu.memory_space<hbm>>) dst(%dma_wait3A_264 : memref<128x64xf32, #tpu.memory_space<vmem>>)
    %add3A_268 = arith.constant 128 : i32
    %add3A_269 = arith.addi %mul3A_2, %add3A_268 : i32
    %dma_start3A_270 = arith.constant 1 : i32
    %dma_start3A_271 = arith.constant 1 : i32
    %dma_start3A_272 = arith.constant 0 : i32
    %dma_start3A_273 = arith.constant 0 : i32
    %dma_start3A_274 = tpu.memref_slice %arg6[%dma_start3A_270, %dma_start3A_272, %dma_start3A_273] : memref<12x128x64xf32, #tpu.memory_space<vmem>> -> memref<1x128x64xf32, #tpu.memory_space<vmem>>
    %dma_start3A_275 = tpu.memref_squeeze %dma_start3A_274 : memref<1x128x64xf32, #tpu.memory_space<vmem>> -> memref<128x64xf32, #tpu.memory_space<vmem>>
    %dma_start3A_276 = arith.constant 0 : i32
    %dma_start3A_277 = tpu.memref_slice %arg4[%add3A_269, %dma_start3A_276] : memref<100000x64xf32, #tpu.memory_space<hbm>> -> memref<128x64xf32, #tpu.memory_space<hbm>>
    %dma_start3A_278 = tpu.memref_slice %arg8[%dma_start3A_271] : memref<12x!tpu.dma_semaphore, #tpu.memory_space<semaphore_mem>> -> memref<1x!tpu.dma_semaphore, #tpu.memory_space<semaphore_mem>>
    %dma_start3A_279 = tpu.memref_squeeze %dma_start3A_278 : memref<1x!tpu.dma_semaphore, #tpu.memory_space<semaphore_mem>> -> memref<!tpu.dma_semaphore, #tpu.memory_space<semaphore_mem>>
    %dma_start3A_280 = arith.constant 0 : i32
    %dma_start3A_281 = tpu.memref_slice %arg4[%add3A_269, %dma_start3A_280] : memref<100000x64xf32, #tpu.memory_space<hbm>> -> memref<128x64xf32, #tpu.memory_space<hbm>>
    %dma_start3A_282 = arith.constant 0 : i32
    %dma_start3A_283 = arith.constant 0 : i32
    %dma_start3A_284 = tpu.memref_slice %arg6[%dma_start3A_270, %dma_start3A_282, %dma_start3A_283] : memref<12x128x64xf32, #tpu.memory_space<vmem>> -> memref<1x128x64xf32, #tpu.memory_space<vmem>>
    %dma_start3A_285 = tpu.memref_squeeze %dma_start3A_284 : memref<1x128x64xf32, #tpu.memory_space<vmem>> -> memref<128x64xf32, #tpu.memory_space<vmem>>
    tpu.enqueue_dma source(%dma_start3A_285 : memref<128x64xf32, #tpu.memory_space<vmem>>) target(%dma_start3A_281 : memref<128x64xf32, #tpu.memory_space<hbm>>) target_semaphore(%dma_start3A_279 : memref<!tpu.dma_semaphore, #tpu.memory_space<semaphore_mem>>)
    %dma_wait3A_286 = arith.constant 1 : i32
    %dma_wait3A_287 = arith.constant 1 : i32
    %dma_wait3A_288 = arith.constant 0 : i32
    %dma_wait3A_289 = arith.constant 0 : i32
    %dma_wait3A_290 = tpu.memref_slice %arg6[%dma_wait3A_286, %dma_wait3A_288, %dma_wait3A_289] : memref<12x128x64xf32, #tpu.memory_space<vmem>> -> memref<1x128x64xf32, #tpu.memory_space<vmem>>
    %dma_wait3A_291 = tpu.memref_squeeze %dma_wait3A_290 : memref<1x128x64xf32, #tpu.memory_space<vmem>> -> memref<128x64xf32, #tpu.memory_space<vmem>>
    %dma_wait3A_292 = arith.constant 0 : i32
    %dma_wait3A_293 = tpu.memref_slice %arg4[%mul3A_2, %dma_wait3A_292] : memref<100000x64xf32, #tpu.memory_space<hbm>> -> memref<128x64xf32, #tpu.memory_space<hbm>>
    %dma_wait3A_294 = tpu.memref_slice %arg8[%dma_wait3A_287] : memref<12x!tpu.dma_semaphore, #tpu.memory_space<semaphore_mem>> -> memref<1x!tpu.dma_semaphore, #tpu.memory_space<semaphore_mem>>
    %dma_wait3A_295 = tpu.memref_squeeze %dma_wait3A_294 : memref<1x!tpu.dma_semaphore, #tpu.memory_space<semaphore_mem>> -> memref<!tpu.dma_semaphore, #tpu.memory_space<semaphore_mem>>
    %dma_wait3A_296 = arith.constant 0 : i32
    %dma_wait3A_297 = tpu.memref_slice %arg4[%mul3A_2, %dma_wait3A_296] : memref<100000x64xf32, #tpu.memory_space<hbm>> -> memref<128x64xf32, #tpu.memory_space<hbm>>
    %dma_wait3A_298 = arith.constant 0 : i32
    %dma_wait3A_299 = arith.constant 0 : i32
    %dma_wait3A_300 = tpu.memref_slice %arg6[%dma_wait3A_286, %dma_wait3A_298, %dma_wait3A_299] : memref<12x128x64xf32, #tpu.memory_space<vmem>> -> memref<1x128x64xf32, #tpu.memory_space<vmem>>
    %dma_wait3A_301 = tpu.memref_squeeze %dma_wait3A_300 : memref<1x128x64xf32, #tpu.memory_space<vmem>> -> memref<128x64xf32, #tpu.memory_space<vmem>>
    tpu.wait_dma2 semaphore(%dma_wait3A_295 : memref<!tpu.dma_semaphore, #tpu.memory_space<semaphore_mem>>) src(%dma_wait3A_301 : memref<128x64xf32, #tpu.memory_space<vmem>>) dst(%dma_wait3A_297 : memref<128x64xf32, #tpu.memory_space<hbm>>)
    %dma_start3A_302 = arith.constant 13 : i32
    %dma_start3A_303 = arith.constant 1 : i32
    %dma_start3A_304 = arith.constant 1 : i32
    %dma_start3A_305 = arith.constant 0 : i32
    %dma_start3A_306 = arith.constant 0 : i32
    %dma_start3A_307 = tpu.memref_slice %arg6[%dma_start3A_303, %dma_start3A_305, %dma_start3A_306] : memref<12x128x64xf32, #tpu.memory_space<vmem>> -> memref<1x128x64xf32, #tpu.memory_space<vmem>>
    %dma_start3A_308 = tpu.memref_squeeze %dma_start3A_307 : memref<1x128x64xf32, #tpu.memory_space<vmem>> -> memref<128x64xf32, #tpu.memory_space<vmem>>
    %dma_start3A_309 = arith.constant 0 : i32
    %dma_start3A_310 = tpu.memref_slice %arg5[%dma_start3A_302, %dma_start3A_309] : memref<25x128xi32, #tpu.memory_space<vmem>> -> memref<1x128xi32, #tpu.memory_space<vmem>>
    %dma_start3A_311 = tpu.memref_squeeze %dma_start3A_310 : memref<1x128xi32, #tpu.memory_space<vmem>> -> memref<128xi32, #tpu.memory_space<vmem>>
    %dma_start3A_312 = arith.constant 0 : i32
    %dma_start3A_313 = arith.constant 0 : i32
    %dma_start3A_314 = tpu.memref_slice %arg3[%dma_start3A_312, %dma_start3A_313] : memref<1000000x64xf32, #tpu.memory_space<hbm>> -> memref<1000000x64xf32, #tpu.memory_space<hbm>>
    %dma_start3A_315 = tpu.memref_slice %arg7[%dma_start3A_304] : memref<12x!tpu.dma_semaphore, #tpu.memory_space<semaphore_mem>> -> memref<1x!tpu.dma_semaphore, #tpu.memory_space<semaphore_mem>>
    %dma_start3A_316 = tpu.memref_squeeze %dma_start3A_315 : memref<1x!tpu.dma_semaphore, #tpu.memory_space<semaphore_mem>> -> memref<!tpu.dma_semaphore, #tpu.memory_space<semaphore_mem>>
    tpu.enqueue_indirect_dma source(%dma_start3A_314 : memref<1000000x64xf32, #tpu.memory_space<hbm>>) target(%dma_start3A_308 : memref<128x64xf32, #tpu.memory_space<vmem>>) offsets(%dma_start3A_311 : memref<128xi32, #tpu.memory_space<vmem>>) semaphore(%dma_start3A_316 : memref<!tpu.dma_semaphore, #tpu.memory_space<semaphore_mem>>)
    %dma_wait3A_317 = arith.constant 2 : i32
    %dma_wait3A_318 = arith.constant 2 : i32
    %dma_wait3A_319 = arith.constant 0 : i32
    %dma_wait3A_320 = arith.constant 0 : i32
    %dma_wait3A_321 = tpu.memref_slice %arg6[%dma_wait3A_317, %dma_wait3A_319, %dma_wait3A_320] : memref<12x128x64xf32, #tpu.memory_space<vmem>> -> memref<1x128x64xf32, #tpu.memory_space<vmem>>
    %dma_wait3A_322 = tpu.memref_squeeze %dma_wait3A_321 : memref<1x128x64xf32, #tpu.memory_space<vmem>> -> memref<128x64xf32, #tpu.memory_space<vmem>>
    %dma_wait3A_323 = arith.constant 0 : i32
    %dma_wait3A_324 = arith.constant 0 : i32
    %dma_wait3A_325 = tpu.memref_slice %arg3[%dma_wait3A_323, %dma_wait3A_324] : memref<1000000x64xf32, #tpu.memory_space<hbm>> -> memref<128x64xf32, #tpu.memory_space<hbm>>
    %dma_wait3A_326 = tpu.memref_slice %arg7[%dma_wait3A_318] : memref<12x!tpu.dma_semaphore, #tpu.memory_space<semaphore_mem>> -> memref<1x!tpu.dma_semaphore, #tpu.memory_space<semaphore_mem>>
    %dma_wait3A_327 = tpu.memref_squeeze %dma_wait3A_326 : memref<1x!tpu.dma_semaphore, #tpu.memory_space<semaphore_mem>> -> memref<!tpu.dma_semaphore, #tpu.memory_space<semaphore_mem>>
    %dma_wait3A_328 = arith.constant 0 : i32
    %dma_wait3A_329 = arith.constant 0 : i32
    %dma_wait3A_330 = tpu.memref_slice %arg6[%dma_wait3A_317, %dma_wait3A_328, %dma_wait3A_329] : memref<12x128x64xf32, #tpu.memory_space<vmem>> -> memref<1x128x64xf32, #tpu.memory_space<vmem>>
    %dma_wait3A_331 = tpu.memref_squeeze %dma_wait3A_330 : memref<1x128x64xf32, #tpu.memory_space<vmem>> -> memref<128x64xf32, #tpu.memory_space<vmem>>
    %dma_wait3A_332 = arith.constant 0 : i32
    %dma_wait3A_333 = arith.constant 0 : i32
    %dma_wait3A_334 = tpu.memref_slice %arg3[%dma_wait3A_332, %dma_wait3A_333] : memref<1000000x64xf32, #tpu.memory_space<hbm>> -> memref<128x64xf32, #tpu.memory_space<hbm>>
    tpu.wait_dma2 semaphore(%dma_wait3A_327 : memref<!tpu.dma_semaphore, #tpu.memory_space<semaphore_mem>>) src(%dma_wait3A_334 : memref<128x64xf32, #tpu.memory_space<hbm>>) dst(%dma_wait3A_331 : memref<128x64xf32, #tpu.memory_space<vmem>>)
    %add3A_335 = arith.constant 256 : i32
    %add3A_336 = arith.addi %mul3A_2, %add3A_335 : i32
    %dma_start3A_337 = arith.constant 2 : i32
    %dma_start3A_338 = arith.constant 2 : i32
    %dma_start3A_339 = arith.constant 0 : i32
    %dma_start3A_340 = arith.constant 0 : i32
    %dma_start3A_341 = tpu.memref_slice %arg6[%dma_start3A_337, %dma_start3A_339, %dma_start3A_340] : memref<12x128x64xf32, #tpu.memory_space<vmem>> -> memref<1x128x64xf32, #tpu.memory_space<vmem>>
    %dma_start3A_342 = tpu.memref_squeeze %dma_start3A_341 : memref<1x128x64xf32, #tpu.memory_space<vmem>> -> memref<128x64xf32, #tpu.memory_space<vmem>>
    %dma_start3A_343 = arith.constant 0 : i32
    %dma_start3A_344 = tpu.memref_slice %arg4[%add3A_336, %dma_start3A_343] : memref<100000x64xf32, #tpu.memory_space<hbm>> -> memref<128x64xf32, #tpu.memory_space<hbm>>
    %dma_start3A_345 = tpu.memref_slice %arg8[%dma_start3A_338] : memref<12x!tpu.dma_semaphore, #tpu.memory_space<semaphore_mem>> -> memref<1x!tpu.dma_semaphore, #tpu.memory_space<semaphore_mem>>
    %dma_start3A_346 = tpu.memref_squeeze %dma_start3A_345 : memref<1x!tpu.dma_semaphore, #tpu.memory_space<semaphore_mem>> -> memref<!tpu.dma_semaphore, #tpu.memory_space<semaphore_mem>>
    %dma_start3A_347 = arith.constant 0 : i32
    %dma_start3A_348 = tpu.memref_slice %arg4[%add3A_336, %dma_start3A_347] : memref<100000x64xf32, #tpu.memory_space<hbm>> -> memref<128x64xf32, #tpu.memory_space<hbm>>
    %dma_start3A_349 = arith.constant 0 : i32
    %dma_start3A_350 = arith.constant 0 : i32
    %dma_start3A_351 = tpu.memref_slice %arg6[%dma_start3A_337, %dma_start3A_349, %dma_start3A_350] : memref<12x128x64xf32, #tpu.memory_space<vmem>> -> memref<1x128x64xf32, #tpu.memory_space<vmem>>
    %dma_start3A_352 = tpu.memref_squeeze %dma_start3A_351 : memref<1x128x64xf32, #tpu.memory_space<vmem>> -> memref<128x64xf32, #tpu.memory_space<vmem>>
    tpu.enqueue_dma source(%dma_start3A_352 : memref<128x64xf32, #tpu.memory_space<vmem>>) target(%dma_start3A_348 : memref<128x64xf32, #tpu.memory_space<hbm>>) target_semaphore(%dma_start3A_346 : memref<!tpu.dma_semaphore, #tpu.memory_space<semaphore_mem>>)
    %dma_wait3A_353 = arith.constant 2 : i32
    %dma_wait3A_354 = arith.constant 2 : i32
    %dma_wait3A_355 = arith.constant 0 : i32
    %dma_wait3A_356 = arith.constant 0 : i32
    %dma_wait3A_357 = tpu.memref_slice %arg6[%dma_wait3A_353, %dma_wait3A_355, %dma_wait3A_356] : memref<12x128x64xf32, #tpu.memory_space<vmem>> -> memref<1x128x64xf32, #tpu.memory_space<vmem>>
    %dma_wait3A_358 = tpu.memref_squeeze %dma_wait3A_357 : memref<1x128x64xf32, #tpu.memory_space<vmem>> -> memref<128x64xf32, #tpu.memory_space<vmem>>
    %dma_wait3A_359 = arith.constant 0 : i32
    %dma_wait3A_360 = tpu.memref_slice %arg4[%mul3A_2, %dma_wait3A_359] : memref<100000x64xf32, #tpu.memory_space<hbm>> -> memref<128x64xf32, #tpu.memory_space<hbm>>
    %dma_wait3A_361 = tpu.memref_slice %arg8[%dma_wait3A_354] : memref<12x!tpu.dma_semaphore, #tpu.memory_space<semaphore_mem>> -> memref<1x!tpu.dma_semaphore, #tpu.memory_space<semaphore_mem>>
    %dma_wait3A_362 = tpu.memref_squeeze %dma_wait3A_361 : memref<1x!tpu.dma_semaphore, #tpu.memory_space<semaphore_mem>> -> memref<!tpu.dma_semaphore, #tpu.memory_space<semaphore_mem>>
    %dma_wait3A_363 = arith.constant 0 : i32
    %dma_wait3A_364 = tpu.memref_slice %arg4[%mul3A_2, %dma_wait3A_363] : memref<100000x64xf32, #tpu.memory_space<hbm>> -> memref<128x64xf32, #tpu.memory_space<hbm>>
    %dma_wait3A_365 = arith.constant 0 : i32
    %dma_wait3A_366 = arith.constant 0 : i32
    %dma_wait3A_367 = tpu.memref_slice %arg6[%dma_wait3A_353, %dma_wait3A_365, %dma_wait3A_366] : memref<12x128x64xf32, #tpu.memory_space<vmem>> -> memref<1x128x64xf32, #tpu.memory_space<vmem>>
    %dma_wait3A_368 = tpu.memref_squeeze %dma_wait3A_367 : memref<1x128x64xf32, #tpu.memory_space<vmem>> -> memref<128x64xf32, #tpu.memory_space<vmem>>
    tpu.wait_dma2 semaphore(%dma_wait3A_362 : memref<!tpu.dma_semaphore, #tpu.memory_space<semaphore_mem>>) src(%dma_wait3A_368 : memref<128x64xf32, #tpu.memory_space<vmem>>) dst(%dma_wait3A_364 : memref<128x64xf32, #tpu.memory_space<hbm>>)
    %dma_start3A_369 = arith.constant 14 : i32
    %dma_start3A_370 = arith.constant 2 : i32
    %dma_start3A_371 = arith.constant 2 : i32
    %dma_start3A_372 = arith.constant 0 : i32
    %dma_start3A_373 = arith.constant 0 : i32
    %dma_start3A_374 = tpu.memref_slice %arg6[%dma_start3A_370, %dma_start3A_372, %dma_start3A_373] : memref<12x128x64xf32, #tpu.memory_space<vmem>> -> memref<1x128x64xf32, #tpu.memory_space<vmem>>
    %dma_start3A_375 = tpu.memref_squeeze %dma_start3A_374 : memref<1x128x64xf32, #tpu.memory_space<vmem>> -> memref<128x64xf32, #tpu.memory_space<vmem>>
    %dma_start3A_376 = arith.constant 0 : i32
    %dma_start3A_377 = tpu.memref_slice %arg5[%dma_start3A_369, %dma_start3A_376] : memref<25x128xi32, #tpu.memory_space<vmem>> -> memref<1x128xi32, #tpu.memory_space<vmem>>
    %dma_start3A_378 = tpu.memref_squeeze %dma_start3A_377 : memref<1x128xi32, #tpu.memory_space<vmem>> -> memref<128xi32, #tpu.memory_space<vmem>>
    %dma_start3A_379 = arith.constant 0 : i32
    %dma_start3A_380 = arith.constant 0 : i32
    %dma_start3A_381 = tpu.memref_slice %arg3[%dma_start3A_379, %dma_start3A_380] : memref<1000000x64xf32, #tpu.memory_space<hbm>> -> memref<1000000x64xf32, #tpu.memory_space<hbm>>
    %dma_start3A_382 = tpu.memref_slice %arg7[%dma_start3A_371] : memref<12x!tpu.dma_semaphore, #tpu.memory_space<semaphore_mem>> -> memref<1x!tpu.dma_semaphore, #tpu.memory_space<semaphore_mem>>
    %dma_start3A_383 = tpu.memref_squeeze %dma_start3A_382 : memref<1x!tpu.dma_semaphore, #tpu.memory_space<semaphore_mem>> -> memref<!tpu.dma_semaphore, #tpu.memory_space<semaphore_mem>>
    tpu.enqueue_indirect_dma source(%dma_start3A_381 : memref<1000000x64xf32, #tpu.memory_space<hbm>>) target(%dma_start3A_375 : memref<128x64xf32, #tpu.memory_space<vmem>>) offsets(%dma_start3A_378 : memref<128xi32, #tpu.memory_space<vmem>>) semaphore(%dma_start3A_383 : memref<!tpu.dma_semaphore, #tpu.memory_space<semaphore_mem>>)
    %dma_wait3A_384 = arith.constant 3 : i32
    %dma_wait3A_385 = arith.constant 3 : i32
    %dma_wait3A_386 = arith.constant 0 : i32
    %dma_wait3A_387 = arith.constant 0 : i32
    %dma_wait3A_388 = tpu.memref_slice %arg6[%dma_wait3A_384, %dma_wait3A_386, %dma_wait3A_387] : memref<12x128x64xf32, #tpu.memory_space<vmem>> -> memref<1x128x64xf32, #tpu.memory_space<vmem>>
    %dma_wait3A_389 = tpu.memref_squeeze %dma_wait3A_388 : memref<1x128x64xf32, #tpu.memory_space<vmem>> -> memref<128x64xf32, #tpu.memory_space<vmem>>
    %dma_wait3A_390 = arith.constant 0 : i32
    %dma_wait3A_391 = arith.constant 0 : i32
    %dma_wait3A_392 = tpu.memref_slice %arg3[%dma_wait3A_390, %dma_wait3A_391] : memref<1000000x64xf32, #tpu.memory_space<hbm>> -> memref<128x64xf32, #tpu.memory_space<hbm>>
    %dma_wait3A_393 = tpu.memref_slice %arg7[%dma_wait3A_385] : memref<12x!tpu.dma_semaphore, #tpu.memory_space<semaphore_mem>> -> memref<1x!tpu.dma_semaphore, #tpu.memory_space<semaphore_mem>>
    %dma_wait3A_394 = tpu.memref_squeeze %dma_wait3A_393 : memref<1x!tpu.dma_semaphore, #tpu.memory_space<semaphore_mem>> -> memref<!tpu.dma_semaphore, #tpu.memory_space<semaphore_mem>>
    %dma_wait3A_395 = arith.constant 0 : i32
    %dma_wait3A_396 = arith.constant 0 : i32
    %dma_wait3A_397 = tpu.memref_slice %arg6[%dma_wait3A_384, %dma_wait3A_395, %dma_wait3A_396] : memref<12x128x64xf32, #tpu.memory_space<vmem>> -> memref<1x128x64xf32, #tpu.memory_space<vmem>>
    %dma_wait3A_398 = tpu.memref_squeeze %dma_wait3A_397 : memref<1x128x64xf32, #tpu.memory_space<vmem>> -> memref<128x64xf32, #tpu.memory_space<vmem>>
    %dma_wait3A_399 = arith.constant 0 : i32
    %dma_wait3A_400 = arith.constant 0 : i32
    %dma_wait3A_401 = tpu.memref_slice %arg3[%dma_wait3A_399, %dma_wait3A_400] : memref<1000000x64xf32, #tpu.memory_space<hbm>> -> memref<128x64xf32, #tpu.memory_space<hbm>>
    tpu.wait_dma2 semaphore(%dma_wait3A_394 : memref<!tpu.dma_semaphore, #tpu.memory_space<semaphore_mem>>) src(%dma_wait3A_401 : memref<128x64xf32, #tpu.memory_space<hbm>>) dst(%dma_wait3A_398 : memref<128x64xf32, #tpu.memory_space<vmem>>)
    %add3A_402 = arith.constant 384 : i32
    %add3A_403 = arith.addi %mul3A_2, %add3A_402 : i32
    %dma_start3A_404 = arith.constant 3 : i32
    %dma_start3A_405 = arith.constant 3 : i32
    %dma_start3A_406 = arith.constant 0 : i32
    %dma_start3A_407 = arith.constant 0 : i32
    %dma_start3A_408 = tpu.memref_slice %arg6[%dma_start3A_404, %dma_start3A_406, %dma_start3A_407] : memref<12x128x64xf32, #tpu.memory_space<vmem>> -> memref<1x128x64xf32, #tpu.memory_space<vmem>>
    %dma_start3A_409 = tpu.memref_squeeze %dma_start3A_408 : memref<1x128x64xf32, #tpu.memory_space<vmem>> -> memref<128x64xf32, #tpu.memory_space<vmem>>
    %dma_start3A_410 = arith.constant 0 : i32
    %dma_start3A_411 = tpu.memref_slice %arg4[%add3A_403, %dma_start3A_410] : memref<100000x64xf32, #tpu.memory_space<hbm>> -> memref<128x64xf32, #tpu.memory_space<hbm>>
    %dma_start3A_412 = tpu.memref_slice %arg8[%dma_start3A_405] : memref<12x!tpu.dma_semaphore, #tpu.memory_space<semaphore_mem>> -> memref<1x!tpu.dma_semaphore, #tpu.memory_space<semaphore_mem>>
    %dma_start3A_413 = tpu.memref_squeeze %dma_start3A_412 : memref<1x!tpu.dma_semaphore, #tpu.memory_space<semaphore_mem>> -> memref<!tpu.dma_semaphore, #tpu.memory_space<semaphore_mem>>
    %dma_start3A_414 = arith.constant 0 : i32
    %dma_start3A_415 = tpu.memref_slice %arg4[%add3A_403, %dma_start3A_414] : memref<100000x64xf32, #tpu.memory_space<hbm>> -> memref<128x64xf32, #tpu.memory_space<hbm>>
    %dma_start3A_416 = arith.constant 0 : i32
    %dma_start3A_417 = arith.constant 0 : i32
    %dma_start3A_418 = tpu.memref_slice %arg6[%dma_start3A_404, %dma_start3A_416, %dma_start3A_417] : memref<12x128x64xf32, #tpu.memory_space<vmem>> -> memref<1x128x64xf32, #tpu.memory_space<vmem>>
    %dma_start3A_419 = tpu.memref_squeeze %dma_start3A_418 : memref<1x128x64xf32, #tpu.memory_space<vmem>> -> memref<128x64xf32, #tpu.memory_space<vmem>>
    tpu.enqueue_dma source(%dma_start3A_419 : memref<128x64xf32, #tpu.memory_space<vmem>>) target(%dma_start3A_415 : memref<128x64xf32, #tpu.memory_space<hbm>>) target_semaphore(%dma_start3A_413 : memref<!tpu.dma_semaphore, #tpu.memory_space<semaphore_mem>>)
    %dma_wait3A_420 = arith.constant 3 : i32
    %dma_wait3A_421 = arith.constant 3 : i32
    %dma_wait3A_422 = arith.constant 0 : i32
    %dma_wait3A_423 = arith.constant 0 : i32
    %dma_wait3A_424 = tpu.memref_slice %arg6[%dma_wait3A_420, %dma_wait3A_422, %dma_wait3A_423] : memref<12x128x64xf32, #tpu.memory_space<vmem>> -> memref<1x128x64xf32, #tpu.memory_space<vmem>>
    %dma_wait3A_425 = tpu.memref_squeeze %dma_wait3A_424 : memref<1x128x64xf32, #tpu.memory_space<vmem>> -> memref<128x64xf32, #tpu.memory_space<vmem>>
    %dma_wait3A_426 = arith.constant 0 : i32
    %dma_wait3A_427 = tpu.memref_slice %arg4[%mul3A_2, %dma_wait3A_426] : memref<100000x64xf32, #tpu.memory_space<hbm>> -> memref<128x64xf32, #tpu.memory_space<hbm>>
    %dma_wait3A_428 = tpu.memref_slice %arg8[%dma_wait3A_421] : memref<12x!tpu.dma_semaphore, #tpu.memory_space<semaphore_mem>> -> memref<1x!tpu.dma_semaphore, #tpu.memory_space<semaphore_mem>>
    %dma_wait3A_429 = tpu.memref_squeeze %dma_wait3A_428 : memref<1x!tpu.dma_semaphore, #tpu.memory_space<semaphore_mem>> -> memref<!tpu.dma_semaphore, #tpu.memory_space<semaphore_mem>>
    %dma_wait3A_430 = arith.constant 0 : i32
    %dma_wait3A_431 = tpu.memref_slice %arg4[%mul3A_2, %dma_wait3A_430] : memref<100000x64xf32, #tpu.memory_space<hbm>> -> memref<128x64xf32, #tpu.memory_space<hbm>>
    %dma_wait3A_432 = arith.constant 0 : i32
    %dma_wait3A_433 = arith.constant 0 : i32
    %dma_wait3A_434 = tpu.memref_slice %arg6[%dma_wait3A_420, %dma_wait3A_432, %dma_wait3A_433] : memref<12x128x64xf32, #tpu.memory_space<vmem>> -> memref<1x128x64xf32, #tpu.memory_space<vmem>>
    %dma_wait3A_435 = tpu.memref_squeeze %dma_wait3A_434 : memref<1x128x64xf32, #tpu.memory_space<vmem>> -> memref<128x64xf32, #tpu.memory_space<vmem>>
    tpu.wait_dma2 semaphore(%dma_wait3A_429 : memref<!tpu.dma_semaphore, #tpu.memory_space<semaphore_mem>>) src(%dma_wait3A_435 : memref<128x64xf32, #tpu.memory_space<vmem>>) dst(%dma_wait3A_431 : memref<128x64xf32, #tpu.memory_space<hbm>>)
    %dma_start3A_436 = arith.constant 15 : i32
    %dma_start3A_437 = arith.constant 3 : i32
    %dma_start3A_438 = arith.constant 3 : i32
    %dma_start3A_439 = arith.constant 0 : i32
    %dma_start3A_440 = arith.constant 0 : i32
    %dma_start3A_441 = tpu.memref_slice %arg6[%dma_start3A_437, %dma_start3A_439, %dma_start3A_440] : memref<12x128x64xf32, #tpu.memory_space<vmem>> -> memref<1x128x64xf32, #tpu.memory_space<vmem>>
    %dma_start3A_442 = tpu.memref_squeeze %dma_start3A_441 : memref<1x128x64xf32, #tpu.memory_space<vmem>> -> memref<128x64xf32, #tpu.memory_space<vmem>>
    %dma_start3A_443 = arith.constant 0 : i32
    %dma_start3A_444 = tpu.memref_slice %arg5[%dma_start3A_436, %dma_start3A_443] : memref<25x128xi32, #tpu.memory_space<vmem>> -> memref<1x128xi32, #tpu.memory_space<vmem>>
    %dma_start3A_445 = tpu.memref_squeeze %dma_start3A_444 : memref<1x128xi32, #tpu.memory_space<vmem>> -> memref<128xi32, #tpu.memory_space<vmem>>
    %dma_start3A_446 = arith.constant 0 : i32
    %dma_start3A_447 = arith.constant 0 : i32
    %dma_start3A_448 = tpu.memref_slice %arg3[%dma_start3A_446, %dma_start3A_447] : memref<1000000x64xf32, #tpu.memory_space<hbm>> -> memref<1000000x64xf32, #tpu.memory_space<hbm>>
    %dma_start3A_449 = tpu.memref_slice %arg7[%dma_start3A_438] : memref<12x!tpu.dma_semaphore, #tpu.memory_space<semaphore_mem>> -> memref<1x!tpu.dma_semaphore, #tpu.memory_space<semaphore_mem>>
    %dma_start3A_450 = tpu.memref_squeeze %dma_start3A_449 : memref<1x!tpu.dma_semaphore, #tpu.memory_space<semaphore_mem>> -> memref<!tpu.dma_semaphore, #tpu.memory_space<semaphore_mem>>
    tpu.enqueue_indirect_dma source(%dma_start3A_448 : memref<1000000x64xf32, #tpu.memory_space<hbm>>) target(%dma_start3A_442 : memref<128x64xf32, #tpu.memory_space<vmem>>) offsets(%dma_start3A_445 : memref<128xi32, #tpu.memory_space<vmem>>) semaphore(%dma_start3A_450 : memref<!tpu.dma_semaphore, #tpu.memory_space<semaphore_mem>>)
    %dma_wait3A_451 = arith.constant 4 : i32
    %dma_wait3A_452 = arith.constant 4 : i32
    %dma_wait3A_453 = arith.constant 0 : i32
    %dma_wait3A_454 = arith.constant 0 : i32
    %dma_wait3A_455 = tpu.memref_slice %arg6[%dma_wait3A_451, %dma_wait3A_453, %dma_wait3A_454] : memref<12x128x64xf32, #tpu.memory_space<vmem>> -> memref<1x128x64xf32, #tpu.memory_space<vmem>>
    %dma_wait3A_456 = tpu.memref_squeeze %dma_wait3A_455 : memref<1x128x64xf32, #tpu.memory_space<vmem>> -> memref<128x64xf32, #tpu.memory_space<vmem>>
    %dma_wait3A_457 = arith.constant 0 : i32
    %dma_wait3A_458 = arith.constant 0 : i32
    %dma_wait3A_459 = tpu.memref_slice %arg3[%dma_wait3A_457, %dma_wait3A_458] : memref<1000000x64xf32, #tpu.memory_space<hbm>> -> memref<128x64xf32, #tpu.memory_space<hbm>>
    %dma_wait3A_460 = tpu.memref_slice %arg7[%dma_wait3A_452] : memref<12x!tpu.dma_semaphore, #tpu.memory_space<semaphore_mem>> -> memref<1x!tpu.dma_semaphore, #tpu.memory_space<semaphore_mem>>
    %dma_wait3A_461 = tpu.memref_squeeze %dma_wait3A_460 : memref<1x!tpu.dma_semaphore, #tpu.memory_space<semaphore_mem>> -> memref<!tpu.dma_semaphore, #tpu.memory_space<semaphore_mem>>
    %dma_wait3A_462 = arith.constant 0 : i32
    %dma_wait3A_463 = arith.constant 0 : i32
    %dma_wait3A_464 = tpu.memref_slice %arg6[%dma_wait3A_451, %dma_wait3A_462, %dma_wait3A_463] : memref<12x128x64xf32, #tpu.memory_space<vmem>> -> memref<1x128x64xf32, #tpu.memory_space<vmem>>
    %dma_wait3A_465 = tpu.memref_squeeze %dma_wait3A_464 : memref<1x128x64xf32, #tpu.memory_space<vmem>> -> memref<128x64xf32, #tpu.memory_space<vmem>>
    %dma_wait3A_466 = arith.constant 0 : i32
    %dma_wait3A_467 = arith.constant 0 : i32
    %dma_wait3A_468 = tpu.memref_slice %arg3[%dma_wait3A_466, %dma_wait3A_467] : memref<1000000x64xf32, #tpu.memory_space<hbm>> -> memref<128x64xf32, #tpu.memory_space<hbm>>
    tpu.wait_dma2 semaphore(%dma_wait3A_461 : memref<!tpu.dma_semaphore, #tpu.memory_space<semaphore_mem>>) src(%dma_wait3A_468 : memref<128x64xf32, #tpu.memory_space<hbm>>) dst(%dma_wait3A_465 : memref<128x64xf32, #tpu.memory_space<vmem>>)
    %add3A_469 = arith.constant 512 : i32
    %add3A_470 = arith.addi %mul3A_2, %add3A_469 : i32
    %dma_start3A_471 = arith.constant 4 : i32
    %dma_start3A_472 = arith.constant 4 : i32
    %dma_start3A_473 = arith.constant 0 : i32
    %dma_start3A_474 = arith.constant 0 : i32
    %dma_start3A_475 = tpu.memref_slice %arg6[%dma_start3A_471, %dma_start3A_473, %dma_start3A_474] : memref<12x128x64xf32, #tpu.memory_space<vmem>> -> memref<1x128x64xf32, #tpu.memory_space<vmem>>
    %dma_start3A_476 = tpu.memref_squeeze %dma_start3A_475 : memref<1x128x64xf32, #tpu.memory_space<vmem>> -> memref<128x64xf32, #tpu.memory_space<vmem>>
    %dma_start3A_477 = arith.constant 0 : i32
    %dma_start3A_478 = tpu.memref_slice %arg4[%add3A_470, %dma_start3A_477] : memref<100000x64xf32, #tpu.memory_space<hbm>> -> memref<128x64xf32, #tpu.memory_space<hbm>>
    %dma_start3A_479 = tpu.memref_slice %arg8[%dma_start3A_472] : memref<12x!tpu.dma_semaphore, #tpu.memory_space<semaphore_mem>> -> memref<1x!tpu.dma_semaphore, #tpu.memory_space<semaphore_mem>>
    %dma_start3A_480 = tpu.memref_squeeze %dma_start3A_479 : memref<1x!tpu.dma_semaphore, #tpu.memory_space<semaphore_mem>> -> memref<!tpu.dma_semaphore, #tpu.memory_space<semaphore_mem>>
    %dma_start3A_481 = arith.constant 0 : i32
    %dma_start3A_482 = tpu.memref_slice %arg4[%add3A_470, %dma_start3A_481] : memref<100000x64xf32, #tpu.memory_space<hbm>> -> memref<128x64xf32, #tpu.memory_space<hbm>>
    %dma_start3A_483 = arith.constant 0 : i32
    %dma_start3A_484 = arith.constant 0 : i32
    %dma_start3A_485 = tpu.memref_slice %arg6[%dma_start3A_471, %dma_start3A_483, %dma_start3A_484] : memref<12x128x64xf32, #tpu.memory_space<vmem>> -> memref<1x128x64xf32, #tpu.memory_space<vmem>>
    %dma_start3A_486 = tpu.memref_squeeze %dma_start3A_485 : memref<1x128x64xf32, #tpu.memory_space<vmem>> -> memref<128x64xf32, #tpu.memory_space<vmem>>
    tpu.enqueue_dma source(%dma_start3A_486 : memref<128x64xf32, #tpu.memory_space<vmem>>) target(%dma_start3A_482 : memref<128x64xf32, #tpu.memory_space<hbm>>) target_semaphore(%dma_start3A_480 : memref<!tpu.dma_semaphore, #tpu.memory_space<semaphore_mem>>)
    %dma_wait3A_487 = arith.constant 4 : i32
    %dma_wait3A_488 = arith.constant 4 : i32
    %dma_wait3A_489 = arith.constant 0 : i32
    %dma_wait3A_490 = arith.constant 0 : i32
    %dma_wait3A_491 = tpu.memref_slice %arg6[%dma_wait3A_487, %dma_wait3A_489, %dma_wait3A_490] : memref<12x128x64xf32, #tpu.memory_space<vmem>> -> memref<1x128x64xf32, #tpu.memory_space<vmem>>
    %dma_wait3A_492 = tpu.memref_squeeze %dma_wait3A_491 : memref<1x128x64xf32, #tpu.memory_space<vmem>> -> memref<128x64xf32, #tpu.memory_space<vmem>>
    %dma_wait3A_493 = arith.constant 0 : i32
    %dma_wait3A_494 = tpu.memref_slice %arg4[%mul3A_2, %dma_wait3A_493] : memref<100000x64xf32, #tpu.memory_space<hbm>> -> memref<128x64xf32, #tpu.memory_space<hbm>>
    %dma_wait3A_495 = tpu.memref_slice %arg8[%dma_wait3A_488] : memref<12x!tpu.dma_semaphore, #tpu.memory_space<semaphore_mem>> -> memref<1x!tpu.dma_semaphore, #tpu.memory_space<semaphore_mem>>
    %dma_wait3A_496 = tpu.memref_squeeze %dma_wait3A_495 : memref<1x!tpu.dma_semaphore, #tpu.memory_space<semaphore_mem>> -> memref<!tpu.dma_semaphore, #tpu.memory_space<semaphore_mem>>
    %dma_wait3A_497 = arith.constant 0 : i32
    %dma_wait3A_498 = tpu.memref_slice %arg4[%mul3A_2, %dma_wait3A_497] : memref<100000x64xf32, #tpu.memory_space<hbm>> -> memref<128x64xf32, #tpu.memory_space<hbm>>
    %dma_wait3A_499 = arith.constant 0 : i32
    %dma_wait3A_500 = arith.constant 0 : i32
    %dma_wait3A_501 = tpu.memref_slice %arg6[%dma_wait3A_487, %dma_wait3A_499, %dma_wait3A_500] : memref<12x128x64xf32, #tpu.memory_space<vmem>> -> memref<1x128x64xf32, #tpu.memory_space<vmem>>
    %dma_wait3A_502 = tpu.memref_squeeze %dma_wait3A_501 : memref<1x128x64xf32, #tpu.memory_space<vmem>> -> memref<128x64xf32, #tpu.memory_space<vmem>>
    tpu.wait_dma2 semaphore(%dma_wait3A_496 : memref<!tpu.dma_semaphore, #tpu.memory_space<semaphore_mem>>) src(%dma_wait3A_502 : memref<128x64xf32, #tpu.memory_space<vmem>>) dst(%dma_wait3A_498 : memref<128x64xf32, #tpu.memory_space<hbm>>)
    %dma_start3A_503 = arith.constant 16 : i32
    %dma_start3A_504 = arith.constant 4 : i32
    %dma_start3A_505 = arith.constant 4 : i32
    %dma_start3A_506 = arith.constant 0 : i32
    %dma_start3A_507 = arith.constant 0 : i32
    %dma_start3A_508 = tpu.memref_slice %arg6[%dma_start3A_504, %dma_start3A_506, %dma_start3A_507] : memref<12x128x64xf32, #tpu.memory_space<vmem>> -> memref<1x128x64xf32, #tpu.memory_space<vmem>>
    %dma_start3A_509 = tpu.memref_squeeze %dma_start3A_508 : memref<1x128x64xf32, #tpu.memory_space<vmem>> -> memref<128x64xf32, #tpu.memory_space<vmem>>
    %dma_start3A_510 = arith.constant 0 : i32
    %dma_start3A_511 = tpu.memref_slice %arg5[%dma_start3A_503, %dma_start3A_510] : memref<25x128xi32, #tpu.memory_space<vmem>> -> memref<1x128xi32, #tpu.memory_space<vmem>>
    %dma_start3A_512 = tpu.memref_squeeze %dma_start3A_511 : memref<1x128xi32, #tpu.memory_space<vmem>> -> memref<128xi32, #tpu.memory_space<vmem>>
    %dma_start3A_513 = arith.constant 0 : i32
    %dma_start3A_514 = arith.constant 0 : i32
    %dma_start3A_515 = tpu.memref_slice %arg3[%dma_start3A_513, %dma_start3A_514] : memref<1000000x64xf32, #tpu.memory_space<hbm>> -> memref<1000000x64xf32, #tpu.memory_space<hbm>>
    %dma_start3A_516 = tpu.memref_slice %arg7[%dma_start3A_505] : memref<12x!tpu.dma_semaphore, #tpu.memory_space<semaphore_mem>> -> memref<1x!tpu.dma_semaphore, #tpu.memory_space<semaphore_mem>>
    %dma_start3A_517 = tpu.memref_squeeze %dma_start3A_516 : memref<1x!tpu.dma_semaphore, #tpu.memory_space<semaphore_mem>> -> memref<!tpu.dma_semaphore, #tpu.memory_space<semaphore_mem>>
    tpu.enqueue_indirect_dma source(%dma_start3A_515 : memref<1000000x64xf32, #tpu.memory_space<hbm>>) target(%dma_start3A_509 : memref<128x64xf32, #tpu.memory_space<vmem>>) offsets(%dma_start3A_512 : memref<128xi32, #tpu.memory_space<vmem>>) semaphore(%dma_start3A_517 : memref<!tpu.dma_semaphore, #tpu.memory_space<semaphore_mem>>)
    %dma_wait3A_518 = arith.constant 5 : i32
    %dma_wait3A_519 = arith.constant 5 : i32
    %dma_wait3A_520 = arith.constant 0 : i32
    %dma_wait3A_521 = arith.constant 0 : i32
    %dma_wait3A_522 = tpu.memref_slice %arg6[%dma_wait3A_518, %dma_wait3A_520, %dma_wait3A_521] : memref<12x128x64xf32, #tpu.memory_space<vmem>> -> memref<1x128x64xf32, #tpu.memory_space<vmem>>
    %dma_wait3A_523 = tpu.memref_squeeze %dma_wait3A_522 : memref<1x128x64xf32, #tpu.memory_space<vmem>> -> memref<128x64xf32, #tpu.memory_space<vmem>>
    %dma_wait3A_524 = arith.constant 0 : i32
    %dma_wait3A_525 = arith.constant 0 : i32
    %dma_wait3A_526 = tpu.memref_slice %arg3[%dma_wait3A_524, %dma_wait3A_525] : memref<1000000x64xf32, #tpu.memory_space<hbm>> -> memref<128x64xf32, #tpu.memory_space<hbm>>
    %dma_wait3A_527 = tpu.memref_slice %arg7[%dma_wait3A_519] : memref<12x!tpu.dma_semaphore, #tpu.memory_space<semaphore_mem>> -> memref<1x!tpu.dma_semaphore, #tpu.memory_space<semaphore_mem>>
    %dma_wait3A_528 = tpu.memref_squeeze %dma_wait3A_527 : memref<1x!tpu.dma_semaphore, #tpu.memory_space<semaphore_mem>> -> memref<!tpu.dma_semaphore, #tpu.memory_space<semaphore_mem>>
    %dma_wait3A_529 = arith.constant 0 : i32
    %dma_wait3A_530 = arith.constant 0 : i32
    %dma_wait3A_531 = tpu.memref_slice %arg6[%dma_wait3A_518, %dma_wait3A_529, %dma_wait3A_530] : memref<12x128x64xf32, #tpu.memory_space<vmem>> -> memref<1x128x64xf32, #tpu.memory_space<vmem>>
    %dma_wait3A_532 = tpu.memref_squeeze %dma_wait3A_531 : memref<1x128x64xf32, #tpu.memory_space<vmem>> -> memref<128x64xf32, #tpu.memory_space<vmem>>
    %dma_wait3A_533 = arith.constant 0 : i32
    %dma_wait3A_534 = arith.constant 0 : i32
    %dma_wait3A_535 = tpu.memref_slice %arg3[%dma_wait3A_533, %dma_wait3A_534] : memref<1000000x64xf32, #tpu.memory_space<hbm>> -> memref<128x64xf32, #tpu.memory_space<hbm>>
    tpu.wait_dma2 semaphore(%dma_wait3A_528 : memref<!tpu.dma_semaphore, #tpu.memory_space<semaphore_mem>>) src(%dma_wait3A_535 : memref<128x64xf32, #tpu.memory_space<hbm>>) dst(%dma_wait3A_532 : memref<128x64xf32, #tpu.memory_space<vmem>>)
    %add3A_536 = arith.constant 640 : i32
    %add3A_537 = arith.addi %mul3A_2, %add3A_536 : i32
    %dma_start3A_538 = arith.constant 5 : i32
    %dma_start3A_539 = arith.constant 5 : i32
    %dma_start3A_540 = arith.constant 0 : i32
    %dma_start3A_541 = arith.constant 0 : i32
    %dma_start3A_542 = tpu.memref_slice %arg6[%dma_start3A_538, %dma_start3A_540, %dma_start3A_541] : memref<12x128x64xf32, #tpu.memory_space<vmem>> -> memref<1x128x64xf32, #tpu.memory_space<vmem>>
    %dma_start3A_543 = tpu.memref_squeeze %dma_start3A_542 : memref<1x128x64xf32, #tpu.memory_space<vmem>> -> memref<128x64xf32, #tpu.memory_space<vmem>>
    %dma_start3A_544 = arith.constant 0 : i32
    %dma_start3A_545 = tpu.memref_slice %arg4[%add3A_537, %dma_start3A_544] : memref<100000x64xf32, #tpu.memory_space<hbm>> -> memref<128x64xf32, #tpu.memory_space<hbm>>
    %dma_start3A_546 = tpu.memref_slice %arg8[%dma_start3A_539] : memref<12x!tpu.dma_semaphore, #tpu.memory_space<semaphore_mem>> -> memref<1x!tpu.dma_semaphore, #tpu.memory_space<semaphore_mem>>
    %dma_start3A_547 = tpu.memref_squeeze %dma_start3A_546 : memref<1x!tpu.dma_semaphore, #tpu.memory_space<semaphore_mem>> -> memref<!tpu.dma_semaphore, #tpu.memory_space<semaphore_mem>>
    %dma_start3A_548 = arith.constant 0 : i32
    %dma_start3A_549 = tpu.memref_slice %arg4[%add3A_537, %dma_start3A_548] : memref<100000x64xf32, #tpu.memory_space<hbm>> -> memref<128x64xf32, #tpu.memory_space<hbm>>
    %dma_start3A_550 = arith.constant 0 : i32
    %dma_start3A_551 = arith.constant 0 : i32
    %dma_start3A_552 = tpu.memref_slice %arg6[%dma_start3A_538, %dma_start3A_550, %dma_start3A_551] : memref<12x128x64xf32, #tpu.memory_space<vmem>> -> memref<1x128x64xf32, #tpu.memory_space<vmem>>
    %dma_start3A_553 = tpu.memref_squeeze %dma_start3A_552 : memref<1x128x64xf32, #tpu.memory_space<vmem>> -> memref<128x64xf32, #tpu.memory_space<vmem>>
    tpu.enqueue_dma source(%dma_start3A_553 : memref<128x64xf32, #tpu.memory_space<vmem>>) target(%dma_start3A_549 : memref<128x64xf32, #tpu.memory_space<hbm>>) target_semaphore(%dma_start3A_547 : memref<!tpu.dma_semaphore, #tpu.memory_space<semaphore_mem>>)
    %dma_wait3A_554 = arith.constant 5 : i32
    %dma_wait3A_555 = arith.constant 5 : i32
    %dma_wait3A_556 = arith.constant 0 : i32
    %dma_wait3A_557 = arith.constant 0 : i32
    %dma_wait3A_558 = tpu.memref_slice %arg6[%dma_wait3A_554, %dma_wait3A_556, %dma_wait3A_557] : memref<12x128x64xf32, #tpu.memory_space<vmem>> -> memref<1x128x64xf32, #tpu.memory_space<vmem>>
    %dma_wait3A_559 = tpu.memref_squeeze %dma_wait3A_558 : memref<1x128x64xf32, #tpu.memory_space<vmem>> -> memref<128x64xf32, #tpu.memory_space<vmem>>
    %dma_wait3A_560 = arith.constant 0 : i32
    %dma_wait3A_561 = tpu.memref_slice %arg4[%mul3A_2, %dma_wait3A_560] : memref<100000x64xf32, #tpu.memory_space<hbm>> -> memref<128x64xf32, #tpu.memory_space<hbm>>
    %dma_wait3A_562 = tpu.memref_slice %arg8[%dma_wait3A_555] : memref<12x!tpu.dma_semaphore, #tpu.memory_space<semaphore_mem>> -> memref<1x!tpu.dma_semaphore, #tpu.memory_space<semaphore_mem>>
    %dma_wait3A_563 = tpu.memref_squeeze %dma_wait3A_562 : memref<1x!tpu.dma_semaphore, #tpu.memory_space<semaphore_mem>> -> memref<!tpu.dma_semaphore, #tpu.memory_space<semaphore_mem>>
    %dma_wait3A_564 = arith.constant 0 : i32
    %dma_wait3A_565 = tpu.memref_slice %arg4[%mul3A_2, %dma_wait3A_564] : memref<100000x64xf32, #tpu.memory_space<hbm>> -> memref<128x64xf32, #tpu.memory_space<hbm>>
    %dma_wait3A_566 = arith.constant 0 : i32
    %dma_wait3A_567 = arith.constant 0 : i32
    %dma_wait3A_568 = tpu.memref_slice %arg6[%dma_wait3A_554, %dma_wait3A_566, %dma_wait3A_567] : memref<12x128x64xf32, #tpu.memory_space<vmem>> -> memref<1x128x64xf32, #tpu.memory_space<vmem>>
    %dma_wait3A_569 = tpu.memref_squeeze %dma_wait3A_568 : memref<1x128x64xf32, #tpu.memory_space<vmem>> -> memref<128x64xf32, #tpu.memory_space<vmem>>
    tpu.wait_dma2 semaphore(%dma_wait3A_563 : memref<!tpu.dma_semaphore, #tpu.memory_space<semaphore_mem>>) src(%dma_wait3A_569 : memref<128x64xf32, #tpu.memory_space<vmem>>) dst(%dma_wait3A_565 : memref<128x64xf32, #tpu.memory_space<hbm>>)
    %dma_start3A_570 = arith.constant 17 : i32
    %dma_start3A_571 = arith.constant 5 : i32
    %dma_start3A_572 = arith.constant 5 : i32
    %dma_start3A_573 = arith.constant 0 : i32
    %dma_start3A_574 = arith.constant 0 : i32
    %dma_start3A_575 = tpu.memref_slice %arg6[%dma_start3A_571, %dma_start3A_573, %dma_start3A_574] : memref<12x128x64xf32, #tpu.memory_space<vmem>> -> memref<1x128x64xf32, #tpu.memory_space<vmem>>
    %dma_start3A_576 = tpu.memref_squeeze %dma_start3A_575 : memref<1x128x64xf32, #tpu.memory_space<vmem>> -> memref<128x64xf32, #tpu.memory_space<vmem>>
    %dma_start3A_577 = arith.constant 0 : i32
    %dma_start3A_578 = tpu.memref_slice %arg5[%dma_start3A_570, %dma_start3A_577] : memref<25x128xi32, #tpu.memory_space<vmem>> -> memref<1x128xi32, #tpu.memory_space<vmem>>
    %dma_start3A_579 = tpu.memref_squeeze %dma_start3A_578 : memref<1x128xi32, #tpu.memory_space<vmem>> -> memref<128xi32, #tpu.memory_space<vmem>>
    %dma_start3A_580 = arith.constant 0 : i32
    %dma_start3A_581 = arith.constant 0 : i32
    %dma_start3A_582 = tpu.memref_slice %arg3[%dma_start3A_580, %dma_start3A_581] : memref<1000000x64xf32, #tpu.memory_space<hbm>> -> memref<1000000x64xf32, #tpu.memory_space<hbm>>
    %dma_start3A_583 = tpu.memref_slice %arg7[%dma_start3A_572] : memref<12x!tpu.dma_semaphore, #tpu.memory_space<semaphore_mem>> -> memref<1x!tpu.dma_semaphore, #tpu.memory_space<semaphore_mem>>
    %dma_start3A_584 = tpu.memref_squeeze %dma_start3A_583 : memref<1x!tpu.dma_semaphore, #tpu.memory_space<semaphore_mem>> -> memref<!tpu.dma_semaphore, #tpu.memory_space<semaphore_mem>>
    tpu.enqueue_indirect_dma source(%dma_start3A_582 : memref<1000000x64xf32, #tpu.memory_space<hbm>>) target(%dma_start3A_576 : memref<128x64xf32, #tpu.memory_space<vmem>>) offsets(%dma_start3A_579 : memref<128xi32, #tpu.memory_space<vmem>>) semaphore(%dma_start3A_584 : memref<!tpu.dma_semaphore, #tpu.memory_space<semaphore_mem>>)
    %dma_wait3A_585 = arith.constant 6 : i32
    %dma_wait3A_586 = arith.constant 6 : i32
    %dma_wait3A_587 = arith.constant 0 : i32
    %dma_wait3A_588 = arith.constant 0 : i32
    %dma_wait3A_589 = tpu.memref_slice %arg6[%dma_wait3A_585, %dma_wait3A_587, %dma_wait3A_588] : memref<12x128x64xf32, #tpu.memory_space<vmem>> -> memref<1x128x64xf32, #tpu.memory_space<vmem>>
    %dma_wait3A_590 = tpu.memref_squeeze %dma_wait3A_589 : memref<1x128x64xf32, #tpu.memory_space<vmem>> -> memref<128x64xf32, #tpu.memory_space<vmem>>
    %dma_wait3A_591 = arith.constant 0 : i32
    %dma_wait3A_592 = arith.constant 0 : i32
    %dma_wait3A_593 = tpu.memref_slice %arg3[%dma_wait3A_591, %dma_wait3A_592] : memref<1000000x64xf32, #tpu.memory_space<hbm>> -> memref<128x64xf32, #tpu.memory_space<hbm>>
    %dma_wait3A_594 = tpu.memref_slice %arg7[%dma_wait3A_586] : memref<12x!tpu.dma_semaphore, #tpu.memory_space<semaphore_mem>> -> memref<1x!tpu.dma_semaphore, #tpu.memory_space<semaphore_mem>>
    %dma_wait3A_595 = tpu.memref_squeeze %dma_wait3A_594 : memref<1x!tpu.dma_semaphore, #tpu.memory_space<semaphore_mem>> -> memref<!tpu.dma_semaphore, #tpu.memory_space<semaphore_mem>>
    %dma_wait3A_596 = arith.constant 0 : i32
    %dma_wait3A_597 = arith.constant 0 : i32
    %dma_wait3A_598 = tpu.memref_slice %arg6[%dma_wait3A_585, %dma_wait3A_596, %dma_wait3A_597] : memref<12x128x64xf32, #tpu.memory_space<vmem>> -> memref<1x128x64xf32, #tpu.memory_space<vmem>>
    %dma_wait3A_599 = tpu.memref_squeeze %dma_wait3A_598 : memref<1x128x64xf32, #tpu.memory_space<vmem>> -> memref<128x64xf32, #tpu.memory_space<vmem>>
    %dma_wait3A_600 = arith.constant 0 : i32
    %dma_wait3A_601 = arith.constant 0 : i32
    %dma_wait3A_602 = tpu.memref_slice %arg3[%dma_wait3A_600, %dma_wait3A_601] : memref<1000000x64xf32, #tpu.memory_space<hbm>> -> memref<128x64xf32, #tpu.memory_space<hbm>>
    tpu.wait_dma2 semaphore(%dma_wait3A_595 : memref<!tpu.dma_semaphore, #tpu.memory_space<semaphore_mem>>) src(%dma_wait3A_602 : memref<128x64xf32, #tpu.memory_space<hbm>>) dst(%dma_wait3A_599 : memref<128x64xf32, #tpu.memory_space<vmem>>)
    %add3A_603 = arith.constant 768 : i32
    %add3A_604 = arith.addi %mul3A_2, %add3A_603 : i32
    %dma_start3A_605 = arith.constant 6 : i32
    %dma_start3A_606 = arith.constant 6 : i32
    %dma_start3A_607 = arith.constant 0 : i32
    %dma_start3A_608 = arith.constant 0 : i32
    %dma_start3A_609 = tpu.memref_slice %arg6[%dma_start3A_605, %dma_start3A_607, %dma_start3A_608] : memref<12x128x64xf32, #tpu.memory_space<vmem>> -> memref<1x128x64xf32, #tpu.memory_space<vmem>>
    %dma_start3A_610 = tpu.memref_squeeze %dma_start3A_609 : memref<1x128x64xf32, #tpu.memory_space<vmem>> -> memref<128x64xf32, #tpu.memory_space<vmem>>
    %dma_start3A_611 = arith.constant 0 : i32
    %dma_start3A_612 = tpu.memref_slice %arg4[%add3A_604, %dma_start3A_611] : memref<100000x64xf32, #tpu.memory_space<hbm>> -> memref<128x64xf32, #tpu.memory_space<hbm>>
    %dma_start3A_613 = tpu.memref_slice %arg8[%dma_start3A_606] : memref<12x!tpu.dma_semaphore, #tpu.memory_space<semaphore_mem>> -> memref<1x!tpu.dma_semaphore, #tpu.memory_space<semaphore_mem>>
    %dma_start3A_614 = tpu.memref_squeeze %dma_start3A_613 : memref<1x!tpu.dma_semaphore, #tpu.memory_space<semaphore_mem>> -> memref<!tpu.dma_semaphore, #tpu.memory_space<semaphore_mem>>
    %dma_start3A_615 = arith.constant 0 : i32
    %dma_start3A_616 = tpu.memref_slice %arg4[%add3A_604, %dma_start3A_615] : memref<100000x64xf32, #tpu.memory_space<hbm>> -> memref<128x64xf32, #tpu.memory_space<hbm>>
    %dma_start3A_617 = arith.constant 0 : i32
    %dma_start3A_618 = arith.constant 0 : i32
    %dma_start3A_619 = tpu.memref_slice %arg6[%dma_start3A_605, %dma_start3A_617, %dma_start3A_618] : memref<12x128x64xf32, #tpu.memory_space<vmem>> -> memref<1x128x64xf32, #tpu.memory_space<vmem>>
    %dma_start3A_620 = tpu.memref_squeeze %dma_start3A_619 : memref<1x128x64xf32, #tpu.memory_space<vmem>> -> memref<128x64xf32, #tpu.memory_space<vmem>>
    tpu.enqueue_dma source(%dma_start3A_620 : memref<128x64xf32, #tpu.memory_space<vmem>>) target(%dma_start3A_616 : memref<128x64xf32, #tpu.memory_space<hbm>>) target_semaphore(%dma_start3A_614 : memref<!tpu.dma_semaphore, #tpu.memory_space<semaphore_mem>>)
    %dma_wait3A_621 = arith.constant 6 : i32
    %dma_wait3A_622 = arith.constant 6 : i32
    %dma_wait3A_623 = arith.constant 0 : i32
    %dma_wait3A_624 = arith.constant 0 : i32
    %dma_wait3A_625 = tpu.memref_slice %arg6[%dma_wait3A_621, %dma_wait3A_623, %dma_wait3A_624] : memref<12x128x64xf32, #tpu.memory_space<vmem>> -> memref<1x128x64xf32, #tpu.memory_space<vmem>>
    %dma_wait3A_626 = tpu.memref_squeeze %dma_wait3A_625 : memref<1x128x64xf32, #tpu.memory_space<vmem>> -> memref<128x64xf32, #tpu.memory_space<vmem>>
    %dma_wait3A_627 = arith.constant 0 : i32
    %dma_wait3A_628 = tpu.memref_slice %arg4[%mul3A_2, %dma_wait3A_627] : memref<100000x64xf32, #tpu.memory_space<hbm>> -> memref<128x64xf32, #tpu.memory_space<hbm>>
    %dma_wait3A_629 = tpu.memref_slice %arg8[%dma_wait3A_622] : memref<12x!tpu.dma_semaphore, #tpu.memory_space<semaphore_mem>> -> memref<1x!tpu.dma_semaphore, #tpu.memory_space<semaphore_mem>>
    %dma_wait3A_630 = tpu.memref_squeeze %dma_wait3A_629 : memref<1x!tpu.dma_semaphore, #tpu.memory_space<semaphore_mem>> -> memref<!tpu.dma_semaphore, #tpu.memory_space<semaphore_mem>>
    %dma_wait3A_631 = arith.constant 0 : i32
    %dma_wait3A_632 = tpu.memref_slice %arg4[%mul3A_2, %dma_wait3A_631] : memref<100000x64xf32, #tpu.memory_space<hbm>> -> memref<128x64xf32, #tpu.memory_space<hbm>>
    %dma_wait3A_633 = arith.constant 0 : i32
    %dma_wait3A_634 = arith.constant 0 : i32
    %dma_wait3A_635 = tpu.memref_slice %arg6[%dma_wait3A_621, %dma_wait3A_633, %dma_wait3A_634] : memref<12x128x64xf32, #tpu.memory_space<vmem>> -> memref<1x128x64xf32, #tpu.memory_space<vmem>>
    %dma_wait3A_636 = tpu.memref_squeeze %dma_wait3A_635 : memref<1x128x64xf32, #tpu.memory_space<vmem>> -> memref<128x64xf32, #tpu.memory_space<vmem>>
    tpu.wait_dma2 semaphore(%dma_wait3A_630 : memref<!tpu.dma_semaphore, #tpu.memory_space<semaphore_mem>>) src(%dma_wait3A_636 : memref<128x64xf32, #tpu.memory_space<vmem>>) dst(%dma_wait3A_632 : memref<128x64xf32, #tpu.memory_space<hbm>>)
    %dma_start3A_637 = arith.constant 18 : i32
    %dma_start3A_638 = arith.constant 6 : i32
    %dma_start3A_639 = arith.constant 6 : i32
    %dma_start3A_640 = arith.constant 0 : i32
    %dma_start3A_641 = arith.constant 0 : i32
    %dma_start3A_642 = tpu.memref_slice %arg6[%dma_start3A_638, %dma_start3A_640, %dma_start3A_641] : memref<12x128x64xf32, #tpu.memory_space<vmem>> -> memref<1x128x64xf32, #tpu.memory_space<vmem>>
    %dma_start3A_643 = tpu.memref_squeeze %dma_start3A_642 : memref<1x128x64xf32, #tpu.memory_space<vmem>> -> memref<128x64xf32, #tpu.memory_space<vmem>>
    %dma_start3A_644 = arith.constant 0 : i32
    %dma_start3A_645 = tpu.memref_slice %arg5[%dma_start3A_637, %dma_start3A_644] : memref<25x128xi32, #tpu.memory_space<vmem>> -> memref<1x128xi32, #tpu.memory_space<vmem>>
    %dma_start3A_646 = tpu.memref_squeeze %dma_start3A_645 : memref<1x128xi32, #tpu.memory_space<vmem>> -> memref<128xi32, #tpu.memory_space<vmem>>
    %dma_start3A_647 = arith.constant 0 : i32
    %dma_start3A_648 = arith.constant 0 : i32
    %dma_start3A_649 = tpu.memref_slice %arg3[%dma_start3A_647, %dma_start3A_648] : memref<1000000x64xf32, #tpu.memory_space<hbm>> -> memref<1000000x64xf32, #tpu.memory_space<hbm>>
    %dma_start3A_650 = tpu.memref_slice %arg7[%dma_start3A_639] : memref<12x!tpu.dma_semaphore, #tpu.memory_space<semaphore_mem>> -> memref<1x!tpu.dma_semaphore, #tpu.memory_space<semaphore_mem>>
    %dma_start3A_651 = tpu.memref_squeeze %dma_start3A_650 : memref<1x!tpu.dma_semaphore, #tpu.memory_space<semaphore_mem>> -> memref<!tpu.dma_semaphore, #tpu.memory_space<semaphore_mem>>
    tpu.enqueue_indirect_dma source(%dma_start3A_649 : memref<1000000x64xf32, #tpu.memory_space<hbm>>) target(%dma_start3A_643 : memref<128x64xf32, #tpu.memory_space<vmem>>) offsets(%dma_start3A_646 : memref<128xi32, #tpu.memory_space<vmem>>) semaphore(%dma_start3A_651 : memref<!tpu.dma_semaphore, #tpu.memory_space<semaphore_mem>>)
    %dma_wait3A_652 = arith.constant 7 : i32
    %dma_wait3A_653 = arith.constant 7 : i32
    %dma_wait3A_654 = arith.constant 0 : i32
    %dma_wait3A_655 = arith.constant 0 : i32
    %dma_wait3A_656 = tpu.memref_slice %arg6[%dma_wait3A_652, %dma_wait3A_654, %dma_wait3A_655] : memref<12x128x64xf32, #tpu.memory_space<vmem>> -> memref<1x128x64xf32, #tpu.memory_space<vmem>>
    %dma_wait3A_657 = tpu.memref_squeeze %dma_wait3A_656 : memref<1x128x64xf32, #tpu.memory_space<vmem>> -> memref<128x64xf32, #tpu.memory_space<vmem>>
    %dma_wait3A_658 = arith.constant 0 : i32
    %dma_wait3A_659 = arith.constant 0 : i32
    %dma_wait3A_660 = tpu.memref_slice %arg3[%dma_wait3A_658, %dma_wait3A_659] : memref<1000000x64xf32, #tpu.memory_space<hbm>> -> memref<128x64xf32, #tpu.memory_space<hbm>>
    %dma_wait3A_661 = tpu.memref_slice %arg7[%dma_wait3A_653] : memref<12x!tpu.dma_semaphore, #tpu.memory_space<semaphore_mem>> -> memref<1x!tpu.dma_semaphore, #tpu.memory_space<semaphore_mem>>
    %dma_wait3A_662 = tpu.memref_squeeze %dma_wait3A_661 : memref<1x!tpu.dma_semaphore, #tpu.memory_space<semaphore_mem>> -> memref<!tpu.dma_semaphore, #tpu.memory_space<semaphore_mem>>
    %dma_wait3A_663 = arith.constant 0 : i32
    %dma_wait3A_664 = arith.constant 0 : i32
    %dma_wait3A_665 = tpu.memref_slice %arg6[%dma_wait3A_652, %dma_wait3A_663, %dma_wait3A_664] : memref<12x128x64xf32, #tpu.memory_space<vmem>> -> memref<1x128x64xf32, #tpu.memory_space<vmem>>
    %dma_wait3A_666 = tpu.memref_squeeze %dma_wait3A_665 : memref<1x128x64xf32, #tpu.memory_space<vmem>> -> memref<128x64xf32, #tpu.memory_space<vmem>>
    %dma_wait3A_667 = arith.constant 0 : i32
    %dma_wait3A_668 = arith.constant 0 : i32
    %dma_wait3A_669 = tpu.memref_slice %arg3[%dma_wait3A_667, %dma_wait3A_668] : memref<1000000x64xf32, #tpu.memory_space<hbm>> -> memref<128x64xf32, #tpu.memory_space<hbm>>
    tpu.wait_dma2 semaphore(%dma_wait3A_662 : memref<!tpu.dma_semaphore, #tpu.memory_space<semaphore_mem>>) src(%dma_wait3A_669 : memref<128x64xf32, #tpu.memory_space<hbm>>) dst(%dma_wait3A_666 : memref<128x64xf32, #tpu.memory_space<vmem>>)
    %add3A_670 = arith.constant 896 : i32
    %add3A_671 = arith.addi %mul3A_2, %add3A_670 : i32
    %dma_start3A_672 = arith.constant 7 : i32
    %dma_start3A_673 = arith.constant 7 : i32
    %dma_start3A_674 = arith.constant 0 : i32
    %dma_start3A_675 = arith.constant 0 : i32
    %dma_start3A_676 = tpu.memref_slice %arg6[%dma_start3A_672, %dma_start3A_674, %dma_start3A_675] : memref<12x128x64xf32, #tpu.memory_space<vmem>> -> memref<1x128x64xf32, #tpu.memory_space<vmem>>
    %dma_start3A_677 = tpu.memref_squeeze %dma_start3A_676 : memref<1x128x64xf32, #tpu.memory_space<vmem>> -> memref<128x64xf32, #tpu.memory_space<vmem>>
    %dma_start3A_678 = arith.constant 0 : i32
    %dma_start3A_679 = tpu.memref_slice %arg4[%add3A_671, %dma_start3A_678] : memref<100000x64xf32, #tpu.memory_space<hbm>> -> memref<128x64xf32, #tpu.memory_space<hbm>>
    %dma_start3A_680 = tpu.memref_slice %arg8[%dma_start3A_673] : memref<12x!tpu.dma_semaphore, #tpu.memory_space<semaphore_mem>> -> memref<1x!tpu.dma_semaphore, #tpu.memory_space<semaphore_mem>>
    %dma_start3A_681 = tpu.memref_squeeze %dma_start3A_680 : memref<1x!tpu.dma_semaphore, #tpu.memory_space<semaphore_mem>> -> memref<!tpu.dma_semaphore, #tpu.memory_space<semaphore_mem>>
    %dma_start3A_682 = arith.constant 0 : i32
    %dma_start3A_683 = tpu.memref_slice %arg4[%add3A_671, %dma_start3A_682] : memref<100000x64xf32, #tpu.memory_space<hbm>> -> memref<128x64xf32, #tpu.memory_space<hbm>>
    %dma_start3A_684 = arith.constant 0 : i32
    %dma_start3A_685 = arith.constant 0 : i32
    %dma_start3A_686 = tpu.memref_slice %arg6[%dma_start3A_672, %dma_start3A_684, %dma_start3A_685] : memref<12x128x64xf32, #tpu.memory_space<vmem>> -> memref<1x128x64xf32, #tpu.memory_space<vmem>>
    %dma_start3A_687 = tpu.memref_squeeze %dma_start3A_686 : memref<1x128x64xf32, #tpu.memory_space<vmem>> -> memref<128x64xf32, #tpu.memory_space<vmem>>
    tpu.enqueue_dma source(%dma_start3A_687 : memref<128x64xf32, #tpu.memory_space<vmem>>) target(%dma_start3A_683 : memref<128x64xf32, #tpu.memory_space<hbm>>) target_semaphore(%dma_start3A_681 : memref<!tpu.dma_semaphore, #tpu.memory_space<semaphore_mem>>)
    %dma_wait3A_688 = arith.constant 7 : i32
    %dma_wait3A_689 = arith.constant 7 : i32
    %dma_wait3A_690 = arith.constant 0 : i32
    %dma_wait3A_691 = arith.constant 0 : i32
    %dma_wait3A_692 = tpu.memref_slice %arg6[%dma_wait3A_688, %dma_wait3A_690, %dma_wait3A_691] : memref<12x128x64xf32, #tpu.memory_space<vmem>> -> memref<1x128x64xf32, #tpu.memory_space<vmem>>
    %dma_wait3A_693 = tpu.memref_squeeze %dma_wait3A_692 : memref<1x128x64xf32, #tpu.memory_space<vmem>> -> memref<128x64xf32, #tpu.memory_space<vmem>>
    %dma_wait3A_694 = arith.constant 0 : i32
    %dma_wait3A_695 = tpu.memref_slice %arg4[%mul3A_2, %dma_wait3A_694] : memref<100000x64xf32, #tpu.memory_space<hbm>> -> memref<128x64xf32, #tpu.memory_space<hbm>>
    %dma_wait3A_696 = tpu.memref_slice %arg8[%dma_wait3A_689] : memref<12x!tpu.dma_semaphore, #tpu.memory_space<semaphore_mem>> -> memref<1x!tpu.dma_semaphore, #tpu.memory_space<semaphore_mem>>
    %dma_wait3A_697 = tpu.memref_squeeze %dma_wait3A_696 : memref<1x!tpu.dma_semaphore, #tpu.memory_space<semaphore_mem>> -> memref<!tpu.dma_semaphore, #tpu.memory_space<semaphore_mem>>
    %dma_wait3A_698 = arith.constant 0 : i32
    %dma_wait3A_699 = tpu.memref_slice %arg4[%mul3A_2, %dma_wait3A_698] : memref<100000x64xf32, #tpu.memory_space<hbm>> -> memref<128x64xf32, #tpu.memory_space<hbm>>
    %dma_wait3A_700 = arith.constant 0 : i32
    %dma_wait3A_701 = arith.constant 0 : i32
    %dma_wait3A_702 = tpu.memref_slice %arg6[%dma_wait3A_688, %dma_wait3A_700, %dma_wait3A_701] : memref<12x128x64xf32, #tpu.memory_space<vmem>> -> memref<1x128x64xf32, #tpu.memory_space<vmem>>
    %dma_wait3A_703 = tpu.memref_squeeze %dma_wait3A_702 : memref<1x128x64xf32, #tpu.memory_space<vmem>> -> memref<128x64xf32, #tpu.memory_space<vmem>>
    tpu.wait_dma2 semaphore(%dma_wait3A_697 : memref<!tpu.dma_semaphore, #tpu.memory_space<semaphore_mem>>) src(%dma_wait3A_703 : memref<128x64xf32, #tpu.memory_space<vmem>>) dst(%dma_wait3A_699 : memref<128x64xf32, #tpu.memory_space<hbm>>)
    %dma_start3A_704 = arith.constant 19 : i32
    %dma_start3A_705 = arith.constant 7 : i32
    %dma_start3A_706 = arith.constant 7 : i32
    %dma_start3A_707 = arith.constant 0 : i32
    %dma_start3A_708 = arith.constant 0 : i32
    %dma_start3A_709 = tpu.memref_slice %arg6[%dma_start3A_705, %dma_start3A_707, %dma_start3A_708] : memref<12x128x64xf32, #tpu.memory_space<vmem>> -> memref<1x128x64xf32, #tpu.memory_space<vmem>>
    %dma_start3A_710 = tpu.memref_squeeze %dma_start3A_709 : memref<1x128x64xf32, #tpu.memory_space<vmem>> -> memref<128x64xf32, #tpu.memory_space<vmem>>
    %dma_start3A_711 = arith.constant 0 : i32
    %dma_start3A_712 = tpu.memref_slice %arg5[%dma_start3A_704, %dma_start3A_711] : memref<25x128xi32, #tpu.memory_space<vmem>> -> memref<1x128xi32, #tpu.memory_space<vmem>>
    %dma_start3A_713 = tpu.memref_squeeze %dma_start3A_712 : memref<1x128xi32, #tpu.memory_space<vmem>> -> memref<128xi32, #tpu.memory_space<vmem>>
    %dma_start3A_714 = arith.constant 0 : i32
    %dma_start3A_715 = arith.constant 0 : i32
    %dma_start3A_716 = tpu.memref_slice %arg3[%dma_start3A_714, %dma_start3A_715] : memref<1000000x64xf32, #tpu.memory_space<hbm>> -> memref<1000000x64xf32, #tpu.memory_space<hbm>>
    %dma_start3A_717 = tpu.memref_slice %arg7[%dma_start3A_706] : memref<12x!tpu.dma_semaphore, #tpu.memory_space<semaphore_mem>> -> memref<1x!tpu.dma_semaphore, #tpu.memory_space<semaphore_mem>>
    %dma_start3A_718 = tpu.memref_squeeze %dma_start3A_717 : memref<1x!tpu.dma_semaphore, #tpu.memory_space<semaphore_mem>> -> memref<!tpu.dma_semaphore, #tpu.memory_space<semaphore_mem>>
    tpu.enqueue_indirect_dma source(%dma_start3A_716 : memref<1000000x64xf32, #tpu.memory_space<hbm>>) target(%dma_start3A_710 : memref<128x64xf32, #tpu.memory_space<vmem>>) offsets(%dma_start3A_713 : memref<128xi32, #tpu.memory_space<vmem>>) semaphore(%dma_start3A_718 : memref<!tpu.dma_semaphore, #tpu.memory_space<semaphore_mem>>)
    %dma_wait3A_719 = arith.constant 8 : i32
    %dma_wait3A_720 = arith.constant 8 : i32
    %dma_wait3A_721 = arith.constant 0 : i32
    %dma_wait3A_722 = arith.constant 0 : i32
    %dma_wait3A_723 = tpu.memref_slice %arg6[%dma_wait3A_719, %dma_wait3A_721, %dma_wait3A_722] : memref<12x128x64xf32, #tpu.memory_space<vmem>> -> memref<1x128x64xf32, #tpu.memory_space<vmem>>
    %dma_wait3A_724 = tpu.memref_squeeze %dma_wait3A_723 : memref<1x128x64xf32, #tpu.memory_space<vmem>> -> memref<128x64xf32, #tpu.memory_space<vmem>>
    %dma_wait3A_725 = arith.constant 0 : i32
    %dma_wait3A_726 = arith.constant 0 : i32
    %dma_wait3A_727 = tpu.memref_slice %arg3[%dma_wait3A_725, %dma_wait3A_726] : memref<1000000x64xf32, #tpu.memory_space<hbm>> -> memref<128x64xf32, #tpu.memory_space<hbm>>
    %dma_wait3A_728 = tpu.memref_slice %arg7[%dma_wait3A_720] : memref<12x!tpu.dma_semaphore, #tpu.memory_space<semaphore_mem>> -> memref<1x!tpu.dma_semaphore, #tpu.memory_space<semaphore_mem>>
    %dma_wait3A_729 = tpu.memref_squeeze %dma_wait3A_728 : memref<1x!tpu.dma_semaphore, #tpu.memory_space<semaphore_mem>> -> memref<!tpu.dma_semaphore, #tpu.memory_space<semaphore_mem>>
    %dma_wait3A_730 = arith.constant 0 : i32
    %dma_wait3A_731 = arith.constant 0 : i32
    %dma_wait3A_732 = tpu.memref_slice %arg6[%dma_wait3A_719, %dma_wait3A_730, %dma_wait3A_731] : memref<12x128x64xf32, #tpu.memory_space<vmem>> -> memref<1x128x64xf32, #tpu.memory_space<vmem>>
    %dma_wait3A_733 = tpu.memref_squeeze %dma_wait3A_732 : memref<1x128x64xf32, #tpu.memory_space<vmem>> -> memref<128x64xf32, #tpu.memory_space<vmem>>
    %dma_wait3A_734 = arith.constant 0 : i32
    %dma_wait3A_735 = arith.constant 0 : i32
    %dma_wait3A_736 = tpu.memref_slice %arg3[%dma_wait3A_734, %dma_wait3A_735] : memref<1000000x64xf32, #tpu.memory_space<hbm>> -> memref<128x64xf32, #tpu.memory_space<hbm>>
    tpu.wait_dma2 semaphore(%dma_wait3A_729 : memref<!tpu.dma_semaphore, #tpu.memory_space<semaphore_mem>>) src(%dma_wait3A_736 : memref<128x64xf32, #tpu.memory_space<hbm>>) dst(%dma_wait3A_733 : memref<128x64xf32, #tpu.memory_space<vmem>>)
    %add3A_737 = arith.constant 1024 : i32
    %add3A_738 = arith.addi %mul3A_2, %add3A_737 : i32
    %dma_start3A_739 = arith.constant 8 : i32
    %dma_start3A_740 = arith.constant 8 : i32
    %dma_start3A_741 = arith.constant 0 : i32
    %dma_start3A_742 = arith.constant 0 : i32
    %dma_start3A_743 = tpu.memref_slice %arg6[%dma_start3A_739, %dma_start3A_741, %dma_start3A_742] : memref<12x128x64xf32, #tpu.memory_space<vmem>> -> memref<1x128x64xf32, #tpu.memory_space<vmem>>
    %dma_start3A_744 = tpu.memref_squeeze %dma_start3A_743 : memref<1x128x64xf32, #tpu.memory_space<vmem>> -> memref<128x64xf32, #tpu.memory_space<vmem>>
    %dma_start3A_745 = arith.constant 0 : i32
    %dma_start3A_746 = tpu.memref_slice %arg4[%add3A_738, %dma_start3A_745] : memref<100000x64xf32, #tpu.memory_space<hbm>> -> memref<128x64xf32, #tpu.memory_space<hbm>>
    %dma_start3A_747 = tpu.memref_slice %arg8[%dma_start3A_740] : memref<12x!tpu.dma_semaphore, #tpu.memory_space<semaphore_mem>> -> memref<1x!tpu.dma_semaphore, #tpu.memory_space<semaphore_mem>>
    %dma_start3A_748 = tpu.memref_squeeze %dma_start3A_747 : memref<1x!tpu.dma_semaphore, #tpu.memory_space<semaphore_mem>> -> memref<!tpu.dma_semaphore, #tpu.memory_space<semaphore_mem>>
    %dma_start3A_749 = arith.constant 0 : i32
    %dma_start3A_750 = tpu.memref_slice %arg4[%add3A_738, %dma_start3A_749] : memref<100000x64xf32, #tpu.memory_space<hbm>> -> memref<128x64xf32, #tpu.memory_space<hbm>>
    %dma_start3A_751 = arith.constant 0 : i32
    %dma_start3A_752 = arith.constant 0 : i32
    %dma_start3A_753 = tpu.memref_slice %arg6[%dma_start3A_739, %dma_start3A_751, %dma_start3A_752] : memref<12x128x64xf32, #tpu.memory_space<vmem>> -> memref<1x128x64xf32, #tpu.memory_space<vmem>>
    %dma_start3A_754 = tpu.memref_squeeze %dma_start3A_753 : memref<1x128x64xf32, #tpu.memory_space<vmem>> -> memref<128x64xf32, #tpu.memory_space<vmem>>
    tpu.enqueue_dma source(%dma_start3A_754 : memref<128x64xf32, #tpu.memory_space<vmem>>) target(%dma_start3A_750 : memref<128x64xf32, #tpu.memory_space<hbm>>) target_semaphore(%dma_start3A_748 : memref<!tpu.dma_semaphore, #tpu.memory_space<semaphore_mem>>)
    %dma_wait3A_755 = arith.constant 8 : i32
    %dma_wait3A_756 = arith.constant 8 : i32
    %dma_wait3A_757 = arith.constant 0 : i32
    %dma_wait3A_758 = arith.constant 0 : i32
    %dma_wait3A_759 = tpu.memref_slice %arg6[%dma_wait3A_755, %dma_wait3A_757, %dma_wait3A_758] : memref<12x128x64xf32, #tpu.memory_space<vmem>> -> memref<1x128x64xf32, #tpu.memory_space<vmem>>
    %dma_wait3A_760 = tpu.memref_squeeze %dma_wait3A_759 : memref<1x128x64xf32, #tpu.memory_space<vmem>> -> memref<128x64xf32, #tpu.memory_space<vmem>>
    %dma_wait3A_761 = arith.constant 0 : i32
    %dma_wait3A_762 = tpu.memref_slice %arg4[%mul3A_2, %dma_wait3A_761] : memref<100000x64xf32, #tpu.memory_space<hbm>> -> memref<128x64xf32, #tpu.memory_space<hbm>>
    %dma_wait3A_763 = tpu.memref_slice %arg8[%dma_wait3A_756] : memref<12x!tpu.dma_semaphore, #tpu.memory_space<semaphore_mem>> -> memref<1x!tpu.dma_semaphore, #tpu.memory_space<semaphore_mem>>
    %dma_wait3A_764 = tpu.memref_squeeze %dma_wait3A_763 : memref<1x!tpu.dma_semaphore, #tpu.memory_space<semaphore_mem>> -> memref<!tpu.dma_semaphore, #tpu.memory_space<semaphore_mem>>
    %dma_wait3A_765 = arith.constant 0 : i32
    %dma_wait3A_766 = tpu.memref_slice %arg4[%mul3A_2, %dma_wait3A_765] : memref<100000x64xf32, #tpu.memory_space<hbm>> -> memref<128x64xf32, #tpu.memory_space<hbm>>
    %dma_wait3A_767 = arith.constant 0 : i32
    %dma_wait3A_768 = arith.constant 0 : i32
    %dma_wait3A_769 = tpu.memref_slice %arg6[%dma_wait3A_755, %dma_wait3A_767, %dma_wait3A_768] : memref<12x128x64xf32, #tpu.memory_space<vmem>> -> memref<1x128x64xf32, #tpu.memory_space<vmem>>
    %dma_wait3A_770 = tpu.memref_squeeze %dma_wait3A_769 : memref<1x128x64xf32, #tpu.memory_space<vmem>> -> memref<128x64xf32, #tpu.memory_space<vmem>>
    tpu.wait_dma2 semaphore(%dma_wait3A_764 : memref<!tpu.dma_semaphore, #tpu.memory_space<semaphore_mem>>) src(%dma_wait3A_770 : memref<128x64xf32, #tpu.memory_space<vmem>>) dst(%dma_wait3A_766 : memref<128x64xf32, #tpu.memory_space<hbm>>)
    %dma_start3A_771 = arith.constant 20 : i32
    %dma_start3A_772 = arith.constant 8 : i32
    %dma_start3A_773 = arith.constant 8 : i32
    %dma_start3A_774 = arith.constant 0 : i32
    %dma_start3A_775 = arith.constant 0 : i32
    %dma_start3A_776 = tpu.memref_slice %arg6[%dma_start3A_772, %dma_start3A_774, %dma_start3A_775] : memref<12x128x64xf32, #tpu.memory_space<vmem>> -> memref<1x128x64xf32, #tpu.memory_space<vmem>>
    %dma_start3A_777 = tpu.memref_squeeze %dma_start3A_776 : memref<1x128x64xf32, #tpu.memory_space<vmem>> -> memref<128x64xf32, #tpu.memory_space<vmem>>
    %dma_start3A_778 = arith.constant 0 : i32
    %dma_start3A_779 = tpu.memref_slice %arg5[%dma_start3A_771, %dma_start3A_778] : memref<25x128xi32, #tpu.memory_space<vmem>> -> memref<1x128xi32, #tpu.memory_space<vmem>>
    %dma_start3A_780 = tpu.memref_squeeze %dma_start3A_779 : memref<1x128xi32, #tpu.memory_space<vmem>> -> memref<128xi32, #tpu.memory_space<vmem>>
    %dma_start3A_781 = arith.constant 0 : i32
    %dma_start3A_782 = arith.constant 0 : i32
    %dma_start3A_783 = tpu.memref_slice %arg3[%dma_start3A_781, %dma_start3A_782] : memref<1000000x64xf32, #tpu.memory_space<hbm>> -> memref<1000000x64xf32, #tpu.memory_space<hbm>>
    %dma_start3A_784 = tpu.memref_slice %arg7[%dma_start3A_773] : memref<12x!tpu.dma_semaphore, #tpu.memory_space<semaphore_mem>> -> memref<1x!tpu.dma_semaphore, #tpu.memory_space<semaphore_mem>>
    %dma_start3A_785 = tpu.memref_squeeze %dma_start3A_784 : memref<1x!tpu.dma_semaphore, #tpu.memory_space<semaphore_mem>> -> memref<!tpu.dma_semaphore, #tpu.memory_space<semaphore_mem>>
    tpu.enqueue_indirect_dma source(%dma_start3A_783 : memref<1000000x64xf32, #tpu.memory_space<hbm>>) target(%dma_start3A_777 : memref<128x64xf32, #tpu.memory_space<vmem>>) offsets(%dma_start3A_780 : memref<128xi32, #tpu.memory_space<vmem>>) semaphore(%dma_start3A_785 : memref<!tpu.dma_semaphore, #tpu.memory_space<semaphore_mem>>)
    %dma_wait3A_786 = arith.constant 9 : i32
    %dma_wait3A_787 = arith.constant 9 : i32
    %dma_wait3A_788 = arith.constant 0 : i32
    %dma_wait3A_789 = arith.constant 0 : i32
    %dma_wait3A_790 = tpu.memref_slice %arg6[%dma_wait3A_786, %dma_wait3A_788, %dma_wait3A_789] : memref<12x128x64xf32, #tpu.memory_space<vmem>> -> memref<1x128x64xf32, #tpu.memory_space<vmem>>
    %dma_wait3A_791 = tpu.memref_squeeze %dma_wait3A_790 : memref<1x128x64xf32, #tpu.memory_space<vmem>> -> memref<128x64xf32, #tpu.memory_space<vmem>>
    %dma_wait3A_792 = arith.constant 0 : i32
    %dma_wait3A_793 = arith.constant 0 : i32
    %dma_wait3A_794 = tpu.memref_slice %arg3[%dma_wait3A_792, %dma_wait3A_793] : memref<1000000x64xf32, #tpu.memory_space<hbm>> -> memref<128x64xf32, #tpu.memory_space<hbm>>
    %dma_wait3A_795 = tpu.memref_slice %arg7[%dma_wait3A_787] : memref<12x!tpu.dma_semaphore, #tpu.memory_space<semaphore_mem>> -> memref<1x!tpu.dma_semaphore, #tpu.memory_space<semaphore_mem>>
    %dma_wait3A_796 = tpu.memref_squeeze %dma_wait3A_795 : memref<1x!tpu.dma_semaphore, #tpu.memory_space<semaphore_mem>> -> memref<!tpu.dma_semaphore, #tpu.memory_space<semaphore_mem>>
    %dma_wait3A_797 = arith.constant 0 : i32
    %dma_wait3A_798 = arith.constant 0 : i32
    %dma_wait3A_799 = tpu.memref_slice %arg6[%dma_wait3A_786, %dma_wait3A_797, %dma_wait3A_798] : memref<12x128x64xf32, #tpu.memory_space<vmem>> -> memref<1x128x64xf32, #tpu.memory_space<vmem>>
    %dma_wait3A_800 = tpu.memref_squeeze %dma_wait3A_799 : memref<1x128x64xf32, #tpu.memory_space<vmem>> -> memref<128x64xf32, #tpu.memory_space<vmem>>
    %dma_wait3A_801 = arith.constant 0 : i32
    %dma_wait3A_802 = arith.constant 0 : i32
    %dma_wait3A_803 = tpu.memref_slice %arg3[%dma_wait3A_801, %dma_wait3A_802] : memref<1000000x64xf32, #tpu.memory_space<hbm>> -> memref<128x64xf32, #tpu.memory_space<hbm>>
    tpu.wait_dma2 semaphore(%dma_wait3A_796 : memref<!tpu.dma_semaphore, #tpu.memory_space<semaphore_mem>>) src(%dma_wait3A_803 : memref<128x64xf32, #tpu.memory_space<hbm>>) dst(%dma_wait3A_800 : memref<128x64xf32, #tpu.memory_space<vmem>>)
    %add3A_804 = arith.constant 1152 : i32
    %add3A_805 = arith.addi %mul3A_2, %add3A_804 : i32
    %dma_start3A_806 = arith.constant 9 : i32
    %dma_start3A_807 = arith.constant 9 : i32
    %dma_start3A_808 = arith.constant 0 : i32
    %dma_start3A_809 = arith.constant 0 : i32
    %dma_start3A_810 = tpu.memref_slice %arg6[%dma_start3A_806, %dma_start3A_808, %dma_start3A_809] : memref<12x128x64xf32, #tpu.memory_space<vmem>> -> memref<1x128x64xf32, #tpu.memory_space<vmem>>
    %dma_start3A_811 = tpu.memref_squeeze %dma_start3A_810 : memref<1x128x64xf32, #tpu.memory_space<vmem>> -> memref<128x64xf32, #tpu.memory_space<vmem>>
    %dma_start3A_812 = arith.constant 0 : i32
    %dma_start3A_813 = tpu.memref_slice %arg4[%add3A_805, %dma_start3A_812] : memref<100000x64xf32, #tpu.memory_space<hbm>> -> memref<128x64xf32, #tpu.memory_space<hbm>>
    %dma_start3A_814 = tpu.memref_slice %arg8[%dma_start3A_807] : memref<12x!tpu.dma_semaphore, #tpu.memory_space<semaphore_mem>> -> memref<1x!tpu.dma_semaphore, #tpu.memory_space<semaphore_mem>>
    %dma_start3A_815 = tpu.memref_squeeze %dma_start3A_814 : memref<1x!tpu.dma_semaphore, #tpu.memory_space<semaphore_mem>> -> memref<!tpu.dma_semaphore, #tpu.memory_space<semaphore_mem>>
    %dma_start3A_816 = arith.constant 0 : i32
    %dma_start3A_817 = tpu.memref_slice %arg4[%add3A_805, %dma_start3A_816] : memref<100000x64xf32, #tpu.memory_space<hbm>> -> memref<128x64xf32, #tpu.memory_space<hbm>>
    %dma_start3A_818 = arith.constant 0 : i32
    %dma_start3A_819 = arith.constant 0 : i32
    %dma_start3A_820 = tpu.memref_slice %arg6[%dma_start3A_806, %dma_start3A_818, %dma_start3A_819] : memref<12x128x64xf32, #tpu.memory_space<vmem>> -> memref<1x128x64xf32, #tpu.memory_space<vmem>>
    %dma_start3A_821 = tpu.memref_squeeze %dma_start3A_820 : memref<1x128x64xf32, #tpu.memory_space<vmem>> -> memref<128x64xf32, #tpu.memory_space<vmem>>
    tpu.enqueue_dma source(%dma_start3A_821 : memref<128x64xf32, #tpu.memory_space<vmem>>) target(%dma_start3A_817 : memref<128x64xf32, #tpu.memory_space<hbm>>) target_semaphore(%dma_start3A_815 : memref<!tpu.dma_semaphore, #tpu.memory_space<semaphore_mem>>)
    %dma_wait3A_822 = arith.constant 9 : i32
    %dma_wait3A_823 = arith.constant 9 : i32
    %dma_wait3A_824 = arith.constant 0 : i32
    %dma_wait3A_825 = arith.constant 0 : i32
    %dma_wait3A_826 = tpu.memref_slice %arg6[%dma_wait3A_822, %dma_wait3A_824, %dma_wait3A_825] : memref<12x128x64xf32, #tpu.memory_space<vmem>> -> memref<1x128x64xf32, #tpu.memory_space<vmem>>
    %dma_wait3A_827 = tpu.memref_squeeze %dma_wait3A_826 : memref<1x128x64xf32, #tpu.memory_space<vmem>> -> memref<128x64xf32, #tpu.memory_space<vmem>>
    %dma_wait3A_828 = arith.constant 0 : i32
    %dma_wait3A_829 = tpu.memref_slice %arg4[%mul3A_2, %dma_wait3A_828] : memref<100000x64xf32, #tpu.memory_space<hbm>> -> memref<128x64xf32, #tpu.memory_space<hbm>>
    %dma_wait3A_830 = tpu.memref_slice %arg8[%dma_wait3A_823] : memref<12x!tpu.dma_semaphore, #tpu.memory_space<semaphore_mem>> -> memref<1x!tpu.dma_semaphore, #tpu.memory_space<semaphore_mem>>
    %dma_wait3A_831 = tpu.memref_squeeze %dma_wait3A_830 : memref<1x!tpu.dma_semaphore, #tpu.memory_space<semaphore_mem>> -> memref<!tpu.dma_semaphore, #tpu.memory_space<semaphore_mem>>
    %dma_wait3A_832 = arith.constant 0 : i32
    %dma_wait3A_833 = tpu.memref_slice %arg4[%mul3A_2, %dma_wait3A_832] : memref<100000x64xf32, #tpu.memory_space<hbm>> -> memref<128x64xf32, #tpu.memory_space<hbm>>
    %dma_wait3A_834 = arith.constant 0 : i32
    %dma_wait3A_835 = arith.constant 0 : i32
    %dma_wait3A_836 = tpu.memref_slice %arg6[%dma_wait3A_822, %dma_wait3A_834, %dma_wait3A_835] : memref<12x128x64xf32, #tpu.memory_space<vmem>> -> memref<1x128x64xf32, #tpu.memory_space<vmem>>
    %dma_wait3A_837 = tpu.memref_squeeze %dma_wait3A_836 : memref<1x128x64xf32, #tpu.memory_space<vmem>> -> memref<128x64xf32, #tpu.memory_space<vmem>>
    tpu.wait_dma2 semaphore(%dma_wait3A_831 : memref<!tpu.dma_semaphore, #tpu.memory_space<semaphore_mem>>) src(%dma_wait3A_837 : memref<128x64xf32, #tpu.memory_space<vmem>>) dst(%dma_wait3A_833 : memref<128x64xf32, #tpu.memory_space<hbm>>)
    %dma_start3A_838 = arith.constant 21 : i32
    %dma_start3A_839 = arith.constant 9 : i32
    %dma_start3A_840 = arith.constant 9 : i32
    %dma_start3A_841 = arith.constant 0 : i32
    %dma_start3A_842 = arith.constant 0 : i32
    %dma_start3A_843 = tpu.memref_slice %arg6[%dma_start3A_839, %dma_start3A_841, %dma_start3A_842] : memref<12x128x64xf32, #tpu.memory_space<vmem>> -> memref<1x128x64xf32, #tpu.memory_space<vmem>>
    %dma_start3A_844 = tpu.memref_squeeze %dma_start3A_843 : memref<1x128x64xf32, #tpu.memory_space<vmem>> -> memref<128x64xf32, #tpu.memory_space<vmem>>
    %dma_start3A_845 = arith.constant 0 : i32
    %dma_start3A_846 = tpu.memref_slice %arg5[%dma_start3A_838, %dma_start3A_845] : memref<25x128xi32, #tpu.memory_space<vmem>> -> memref<1x128xi32, #tpu.memory_space<vmem>>
    %dma_start3A_847 = tpu.memref_squeeze %dma_start3A_846 : memref<1x128xi32, #tpu.memory_space<vmem>> -> memref<128xi32, #tpu.memory_space<vmem>>
    %dma_start3A_848 = arith.constant 0 : i32
    %dma_start3A_849 = arith.constant 0 : i32
    %dma_start3A_850 = tpu.memref_slice %arg3[%dma_start3A_848, %dma_start3A_849] : memref<1000000x64xf32, #tpu.memory_space<hbm>> -> memref<1000000x64xf32, #tpu.memory_space<hbm>>
    %dma_start3A_851 = tpu.memref_slice %arg7[%dma_start3A_840] : memref<12x!tpu.dma_semaphore, #tpu.memory_space<semaphore_mem>> -> memref<1x!tpu.dma_semaphore, #tpu.memory_space<semaphore_mem>>
    %dma_start3A_852 = tpu.memref_squeeze %dma_start3A_851 : memref<1x!tpu.dma_semaphore, #tpu.memory_space<semaphore_mem>> -> memref<!tpu.dma_semaphore, #tpu.memory_space<semaphore_mem>>
    tpu.enqueue_indirect_dma source(%dma_start3A_850 : memref<1000000x64xf32, #tpu.memory_space<hbm>>) target(%dma_start3A_844 : memref<128x64xf32, #tpu.memory_space<vmem>>) offsets(%dma_start3A_847 : memref<128xi32, #tpu.memory_space<vmem>>) semaphore(%dma_start3A_852 : memref<!tpu.dma_semaphore, #tpu.memory_space<semaphore_mem>>)
    %dma_wait3A_853 = arith.constant 10 : i32
    %dma_wait3A_854 = arith.constant 10 : i32
    %dma_wait3A_855 = arith.constant 0 : i32
    %dma_wait3A_856 = arith.constant 0 : i32
    %dma_wait3A_857 = tpu.memref_slice %arg6[%dma_wait3A_853, %dma_wait3A_855, %dma_wait3A_856] : memref<12x128x64xf32, #tpu.memory_space<vmem>> -> memref<1x128x64xf32, #tpu.memory_space<vmem>>
    %dma_wait3A_858 = tpu.memref_squeeze %dma_wait3A_857 : memref<1x128x64xf32, #tpu.memory_space<vmem>> -> memref<128x64xf32, #tpu.memory_space<vmem>>
    %dma_wait3A_859 = arith.constant 0 : i32
    %dma_wait3A_860 = arith.constant 0 : i32
    %dma_wait3A_861 = tpu.memref_slice %arg3[%dma_wait3A_859, %dma_wait3A_860] : memref<1000000x64xf32, #tpu.memory_space<hbm>> -> memref<128x64xf32, #tpu.memory_space<hbm>>
    %dma_wait3A_862 = tpu.memref_slice %arg7[%dma_wait3A_854] : memref<12x!tpu.dma_semaphore, #tpu.memory_space<semaphore_mem>> -> memref<1x!tpu.dma_semaphore, #tpu.memory_space<semaphore_mem>>
    %dma_wait3A_863 = tpu.memref_squeeze %dma_wait3A_862 : memref<1x!tpu.dma_semaphore, #tpu.memory_space<semaphore_mem>> -> memref<!tpu.dma_semaphore, #tpu.memory_space<semaphore_mem>>
    %dma_wait3A_864 = arith.constant 0 : i32
    %dma_wait3A_865 = arith.constant 0 : i32
    %dma_wait3A_866 = tpu.memref_slice %arg6[%dma_wait3A_853, %dma_wait3A_864, %dma_wait3A_865] : memref<12x128x64xf32, #tpu.memory_space<vmem>> -> memref<1x128x64xf32, #tpu.memory_space<vmem>>
    %dma_wait3A_867 = tpu.memref_squeeze %dma_wait3A_866 : memref<1x128x64xf32, #tpu.memory_space<vmem>> -> memref<128x64xf32, #tpu.memory_space<vmem>>
    %dma_wait3A_868 = arith.constant 0 : i32
    %dma_wait3A_869 = arith.constant 0 : i32
    %dma_wait3A_870 = tpu.memref_slice %arg3[%dma_wait3A_868, %dma_wait3A_869] : memref<1000000x64xf32, #tpu.memory_space<hbm>> -> memref<128x64xf32, #tpu.memory_space<hbm>>
    tpu.wait_dma2 semaphore(%dma_wait3A_863 : memref<!tpu.dma_semaphore, #tpu.memory_space<semaphore_mem>>) src(%dma_wait3A_870 : memref<128x64xf32, #tpu.memory_space<hbm>>) dst(%dma_wait3A_867 : memref<128x64xf32, #tpu.memory_space<vmem>>)
    %add3A_871 = arith.constant 1280 : i32
    %add3A_872 = arith.addi %mul3A_2, %add3A_871 : i32
    %dma_start3A_873 = arith.constant 10 : i32
    %dma_start3A_874 = arith.constant 10 : i32
    %dma_start3A_875 = arith.constant 0 : i32
    %dma_start3A_876 = arith.constant 0 : i32
    %dma_start3A_877 = tpu.memref_slice %arg6[%dma_start3A_873, %dma_start3A_875, %dma_start3A_876] : memref<12x128x64xf32, #tpu.memory_space<vmem>> -> memref<1x128x64xf32, #tpu.memory_space<vmem>>
    %dma_start3A_878 = tpu.memref_squeeze %dma_start3A_877 : memref<1x128x64xf32, #tpu.memory_space<vmem>> -> memref<128x64xf32, #tpu.memory_space<vmem>>
    %dma_start3A_879 = arith.constant 0 : i32
    %dma_start3A_880 = tpu.memref_slice %arg4[%add3A_872, %dma_start3A_879] : memref<100000x64xf32, #tpu.memory_space<hbm>> -> memref<128x64xf32, #tpu.memory_space<hbm>>
    %dma_start3A_881 = tpu.memref_slice %arg8[%dma_start3A_874] : memref<12x!tpu.dma_semaphore, #tpu.memory_space<semaphore_mem>> -> memref<1x!tpu.dma_semaphore, #tpu.memory_space<semaphore_mem>>
    %dma_start3A_882 = tpu.memref_squeeze %dma_start3A_881 : memref<1x!tpu.dma_semaphore, #tpu.memory_space<semaphore_mem>> -> memref<!tpu.dma_semaphore, #tpu.memory_space<semaphore_mem>>
    %dma_start3A_883 = arith.constant 0 : i32
    %dma_start3A_884 = tpu.memref_slice %arg4[%add3A_872, %dma_start3A_883] : memref<100000x64xf32, #tpu.memory_space<hbm>> -> memref<128x64xf32, #tpu.memory_space<hbm>>
    %dma_start3A_885 = arith.constant 0 : i32
    %dma_start3A_886 = arith.constant 0 : i32
    %dma_start3A_887 = tpu.memref_slice %arg6[%dma_start3A_873, %dma_start3A_885, %dma_start3A_886] : memref<12x128x64xf32, #tpu.memory_space<vmem>> -> memref<1x128x64xf32, #tpu.memory_space<vmem>>
    %dma_start3A_888 = tpu.memref_squeeze %dma_start3A_887 : memref<1x128x64xf32, #tpu.memory_space<vmem>> -> memref<128x64xf32, #tpu.memory_space<vmem>>
    tpu.enqueue_dma source(%dma_start3A_888 : memref<128x64xf32, #tpu.memory_space<vmem>>) target(%dma_start3A_884 : memref<128x64xf32, #tpu.memory_space<hbm>>) target_semaphore(%dma_start3A_882 : memref<!tpu.dma_semaphore, #tpu.memory_space<semaphore_mem>>)
    %dma_wait3A_889 = arith.constant 10 : i32
    %dma_wait3A_890 = arith.constant 10 : i32
    %dma_wait3A_891 = arith.constant 0 : i32
    %dma_wait3A_892 = arith.constant 0 : i32
    %dma_wait3A_893 = tpu.memref_slice %arg6[%dma_wait3A_889, %dma_wait3A_891, %dma_wait3A_892] : memref<12x128x64xf32, #tpu.memory_space<vmem>> -> memref<1x128x64xf32, #tpu.memory_space<vmem>>
    %dma_wait3A_894 = tpu.memref_squeeze %dma_wait3A_893 : memref<1x128x64xf32, #tpu.memory_space<vmem>> -> memref<128x64xf32, #tpu.memory_space<vmem>>
    %dma_wait3A_895 = arith.constant 0 : i32
    %dma_wait3A_896 = tpu.memref_slice %arg4[%mul3A_2, %dma_wait3A_895] : memref<100000x64xf32, #tpu.memory_space<hbm>> -> memref<128x64xf32, #tpu.memory_space<hbm>>
    %dma_wait3A_897 = tpu.memref_slice %arg8[%dma_wait3A_890] : memref<12x!tpu.dma_semaphore, #tpu.memory_space<semaphore_mem>> -> memref<1x!tpu.dma_semaphore, #tpu.memory_space<semaphore_mem>>
    %dma_wait3A_898 = tpu.memref_squeeze %dma_wait3A_897 : memref<1x!tpu.dma_semaphore, #tpu.memory_space<semaphore_mem>> -> memref<!tpu.dma_semaphore, #tpu.memory_space<semaphore_mem>>
    %dma_wait3A_899 = arith.constant 0 : i32
    %dma_wait3A_900 = tpu.memref_slice %arg4[%mul3A_2, %dma_wait3A_899] : memref<100000x64xf32, #tpu.memory_space<hbm>> -> memref<128x64xf32, #tpu.memory_space<hbm>>
    %dma_wait3A_901 = arith.constant 0 : i32
    %dma_wait3A_902 = arith.constant 0 : i32
    %dma_wait3A_903 = tpu.memref_slice %arg6[%dma_wait3A_889, %dma_wait3A_901, %dma_wait3A_902] : memref<12x128x64xf32, #tpu.memory_space<vmem>> -> memref<1x128x64xf32, #tpu.memory_space<vmem>>
    %dma_wait3A_904 = tpu.memref_squeeze %dma_wait3A_903 : memref<1x128x64xf32, #tpu.memory_space<vmem>> -> memref<128x64xf32, #tpu.memory_space<vmem>>
    tpu.wait_dma2 semaphore(%dma_wait3A_898 : memref<!tpu.dma_semaphore, #tpu.memory_space<semaphore_mem>>) src(%dma_wait3A_904 : memref<128x64xf32, #tpu.memory_space<vmem>>) dst(%dma_wait3A_900 : memref<128x64xf32, #tpu.memory_space<hbm>>)
    %dma_start3A_905 = arith.constant 22 : i32
    %dma_start3A_906 = arith.constant 10 : i32
    %dma_start3A_907 = arith.constant 10 : i32
    %dma_start3A_908 = arith.constant 0 : i32
    %dma_start3A_909 = arith.constant 0 : i32
    %dma_start3A_910 = tpu.memref_slice %arg6[%dma_start3A_906, %dma_start3A_908, %dma_start3A_909] : memref<12x128x64xf32, #tpu.memory_space<vmem>> -> memref<1x128x64xf32, #tpu.memory_space<vmem>>
    %dma_start3A_911 = tpu.memref_squeeze %dma_start3A_910 : memref<1x128x64xf32, #tpu.memory_space<vmem>> -> memref<128x64xf32, #tpu.memory_space<vmem>>
    %dma_start3A_912 = arith.constant 0 : i32
    %dma_start3A_913 = tpu.memref_slice %arg5[%dma_start3A_905, %dma_start3A_912] : memref<25x128xi32, #tpu.memory_space<vmem>> -> memref<1x128xi32, #tpu.memory_space<vmem>>
    %dma_start3A_914 = tpu.memref_squeeze %dma_start3A_913 : memref<1x128xi32, #tpu.memory_space<vmem>> -> memref<128xi32, #tpu.memory_space<vmem>>
    %dma_start3A_915 = arith.constant 0 : i32
    %dma_start3A_916 = arith.constant 0 : i32
    %dma_start3A_917 = tpu.memref_slice %arg3[%dma_start3A_915, %dma_start3A_916] : memref<1000000x64xf32, #tpu.memory_space<hbm>> -> memref<1000000x64xf32, #tpu.memory_space<hbm>>
    %dma_start3A_918 = tpu.memref_slice %arg7[%dma_start3A_907] : memref<12x!tpu.dma_semaphore, #tpu.memory_space<semaphore_mem>> -> memref<1x!tpu.dma_semaphore, #tpu.memory_space<semaphore_mem>>
    %dma_start3A_919 = tpu.memref_squeeze %dma_start3A_918 : memref<1x!tpu.dma_semaphore, #tpu.memory_space<semaphore_mem>> -> memref<!tpu.dma_semaphore, #tpu.memory_space<semaphore_mem>>
    tpu.enqueue_indirect_dma source(%dma_start3A_917 : memref<1000000x64xf32, #tpu.memory_space<hbm>>) target(%dma_start3A_911 : memref<128x64xf32, #tpu.memory_space<vmem>>) offsets(%dma_start3A_914 : memref<128xi32, #tpu.memory_space<vmem>>) semaphore(%dma_start3A_919 : memref<!tpu.dma_semaphore, #tpu.memory_space<semaphore_mem>>)
    %dma_wait3A_920 = arith.constant 11 : i32
    %dma_wait3A_921 = arith.constant 11 : i32
    %dma_wait3A_922 = arith.constant 0 : i32
    %dma_wait3A_923 = arith.constant 0 : i32
    %dma_wait3A_924 = tpu.memref_slice %arg6[%dma_wait3A_920, %dma_wait3A_922, %dma_wait3A_923] : memref<12x128x64xf32, #tpu.memory_space<vmem>> -> memref<1x128x64xf32, #tpu.memory_space<vmem>>
    %dma_wait3A_925 = tpu.memref_squeeze %dma_wait3A_924 : memref<1x128x64xf32, #tpu.memory_space<vmem>> -> memref<128x64xf32, #tpu.memory_space<vmem>>
    %dma_wait3A_926 = arith.constant 0 : i32
    %dma_wait3A_927 = arith.constant 0 : i32
    %dma_wait3A_928 = tpu.memref_slice %arg3[%dma_wait3A_926, %dma_wait3A_927] : memref<1000000x64xf32, #tpu.memory_space<hbm>> -> memref<128x64xf32, #tpu.memory_space<hbm>>
    %dma_wait3A_929 = tpu.memref_slice %arg7[%dma_wait3A_921] : memref<12x!tpu.dma_semaphore, #tpu.memory_space<semaphore_mem>> -> memref<1x!tpu.dma_semaphore, #tpu.memory_space<semaphore_mem>>
    %dma_wait3A_930 = tpu.memref_squeeze %dma_wait3A_929 : memref<1x!tpu.dma_semaphore, #tpu.memory_space<semaphore_mem>> -> memref<!tpu.dma_semaphore, #tpu.memory_space<semaphore_mem>>
    %dma_wait3A_931 = arith.constant 0 : i32
    %dma_wait3A_932 = arith.constant 0 : i32
    %dma_wait3A_933 = tpu.memref_slice %arg6[%dma_wait3A_920, %dma_wait3A_931, %dma_wait3A_932] : memref<12x128x64xf32, #tpu.memory_space<vmem>> -> memref<1x128x64xf32, #tpu.memory_space<vmem>>
    %dma_wait3A_934 = tpu.memref_squeeze %dma_wait3A_933 : memref<1x128x64xf32, #tpu.memory_space<vmem>> -> memref<128x64xf32, #tpu.memory_space<vmem>>
    %dma_wait3A_935 = arith.constant 0 : i32
    %dma_wait3A_936 = arith.constant 0 : i32
    %dma_wait3A_937 = tpu.memref_slice %arg3[%dma_wait3A_935, %dma_wait3A_936] : memref<1000000x64xf32, #tpu.memory_space<hbm>> -> memref<128x64xf32, #tpu.memory_space<hbm>>
    tpu.wait_dma2 semaphore(%dma_wait3A_930 : memref<!tpu.dma_semaphore, #tpu.memory_space<semaphore_mem>>) src(%dma_wait3A_937 : memref<128x64xf32, #tpu.memory_space<hbm>>) dst(%dma_wait3A_934 : memref<128x64xf32, #tpu.memory_space<vmem>>)
    %add3A_938 = arith.constant 1408 : i32
    %add3A_939 = arith.addi %mul3A_2, %add3A_938 : i32
    %dma_start3A_940 = arith.constant 11 : i32
    %dma_start3A_941 = arith.constant 11 : i32
    %dma_start3A_942 = arith.constant 0 : i32
    %dma_start3A_943 = arith.constant 0 : i32
    %dma_start3A_944 = tpu.memref_slice %arg6[%dma_start3A_940, %dma_start3A_942, %dma_start3A_943] : memref<12x128x64xf32, #tpu.memory_space<vmem>> -> memref<1x128x64xf32, #tpu.memory_space<vmem>>
    %dma_start3A_945 = tpu.memref_squeeze %dma_start3A_944 : memref<1x128x64xf32, #tpu.memory_space<vmem>> -> memref<128x64xf32, #tpu.memory_space<vmem>>
    %dma_start3A_946 = arith.constant 0 : i32
    %dma_start3A_947 = tpu.memref_slice %arg4[%add3A_939, %dma_start3A_946] : memref<100000x64xf32, #tpu.memory_space<hbm>> -> memref<128x64xf32, #tpu.memory_space<hbm>>
    %dma_start3A_948 = tpu.memref_slice %arg8[%dma_start3A_941] : memref<12x!tpu.dma_semaphore, #tpu.memory_space<semaphore_mem>> -> memref<1x!tpu.dma_semaphore, #tpu.memory_space<semaphore_mem>>
    %dma_start3A_949 = tpu.memref_squeeze %dma_start3A_948 : memref<1x!tpu.dma_semaphore, #tpu.memory_space<semaphore_mem>> -> memref<!tpu.dma_semaphore, #tpu.memory_space<semaphore_mem>>
    %dma_start3A_950 = arith.constant 0 : i32
    %dma_start3A_951 = tpu.memref_slice %arg4[%add3A_939, %dma_start3A_950] : memref<100000x64xf32, #tpu.memory_space<hbm>> -> memref<128x64xf32, #tpu.memory_space<hbm>>
    %dma_start3A_952 = arith.constant 0 : i32
    %dma_start3A_953 = arith.constant 0 : i32
    %dma_start3A_954 = tpu.memref_slice %arg6[%dma_start3A_940, %dma_start3A_952, %dma_start3A_953] : memref<12x128x64xf32, #tpu.memory_space<vmem>> -> memref<1x128x64xf32, #tpu.memory_space<vmem>>
    %dma_start3A_955 = tpu.memref_squeeze %dma_start3A_954 : memref<1x128x64xf32, #tpu.memory_space<vmem>> -> memref<128x64xf32, #tpu.memory_space<vmem>>
    tpu.enqueue_dma source(%dma_start3A_955 : memref<128x64xf32, #tpu.memory_space<vmem>>) target(%dma_start3A_951 : memref<128x64xf32, #tpu.memory_space<hbm>>) target_semaphore(%dma_start3A_949 : memref<!tpu.dma_semaphore, #tpu.memory_space<semaphore_mem>>)
    %dma_wait3A_956 = arith.constant 11 : i32
    %dma_wait3A_957 = arith.constant 11 : i32
    %dma_wait3A_958 = arith.constant 0 : i32
    %dma_wait3A_959 = arith.constant 0 : i32
    %dma_wait3A_960 = tpu.memref_slice %arg6[%dma_wait3A_956, %dma_wait3A_958, %dma_wait3A_959] : memref<12x128x64xf32, #tpu.memory_space<vmem>> -> memref<1x128x64xf32, #tpu.memory_space<vmem>>
    %dma_wait3A_961 = tpu.memref_squeeze %dma_wait3A_960 : memref<1x128x64xf32, #tpu.memory_space<vmem>> -> memref<128x64xf32, #tpu.memory_space<vmem>>
    %dma_wait3A_962 = arith.constant 0 : i32
    %dma_wait3A_963 = tpu.memref_slice %arg4[%mul3A_2, %dma_wait3A_962] : memref<100000x64xf32, #tpu.memory_space<hbm>> -> memref<128x64xf32, #tpu.memory_space<hbm>>
    %dma_wait3A_964 = tpu.memref_slice %arg8[%dma_wait3A_957] : memref<12x!tpu.dma_semaphore, #tpu.memory_space<semaphore_mem>> -> memref<1x!tpu.dma_semaphore, #tpu.memory_space<semaphore_mem>>
    %dma_wait3A_965 = tpu.memref_squeeze %dma_wait3A_964 : memref<1x!tpu.dma_semaphore, #tpu.memory_space<semaphore_mem>> -> memref<!tpu.dma_semaphore, #tpu.memory_space<semaphore_mem>>
    %dma_wait3A_966 = arith.constant 0 : i32
    %dma_wait3A_967 = tpu.memref_slice %arg4[%mul3A_2, %dma_wait3A_966] : memref<100000x64xf32, #tpu.memory_space<hbm>> -> memref<128x64xf32, #tpu.memory_space<hbm>>
    %dma_wait3A_968 = arith.constant 0 : i32
    %dma_wait3A_969 = arith.constant 0 : i32
    %dma_wait3A_970 = tpu.memref_slice %arg6[%dma_wait3A_956, %dma_wait3A_968, %dma_wait3A_969] : memref<12x128x64xf32, #tpu.memory_space<vmem>> -> memref<1x128x64xf32, #tpu.memory_space<vmem>>
    %dma_wait3A_971 = tpu.memref_squeeze %dma_wait3A_970 : memref<1x128x64xf32, #tpu.memory_space<vmem>> -> memref<128x64xf32, #tpu.memory_space<vmem>>
    tpu.wait_dma2 semaphore(%dma_wait3A_965 : memref<!tpu.dma_semaphore, #tpu.memory_space<semaphore_mem>>) src(%dma_wait3A_971 : memref<128x64xf32, #tpu.memory_space<vmem>>) dst(%dma_wait3A_967 : memref<128x64xf32, #tpu.memory_space<hbm>>)
    %dma_start3A_972 = arith.constant 23 : i32
    %dma_start3A_973 = arith.constant 11 : i32
    %dma_start3A_974 = arith.constant 11 : i32
    %dma_start3A_975 = arith.constant 0 : i32
    %dma_start3A_976 = arith.constant 0 : i32
    %dma_start3A_977 = tpu.memref_slice %arg6[%dma_start3A_973, %dma_start3A_975, %dma_start3A_976] : memref<12x128x64xf32, #tpu.memory_space<vmem>> -> memref<1x128x64xf32, #tpu.memory_space<vmem>>
    %dma_start3A_978 = tpu.memref_squeeze %dma_start3A_977 : memref<1x128x64xf32, #tpu.memory_space<vmem>> -> memref<128x64xf32, #tpu.memory_space<vmem>>
    %dma_start3A_979 = arith.constant 0 : i32
    %dma_start3A_980 = tpu.memref_slice %arg5[%dma_start3A_972, %dma_start3A_979] : memref<25x128xi32, #tpu.memory_space<vmem>> -> memref<1x128xi32, #tpu.memory_space<vmem>>
    %dma_start3A_981 = tpu.memref_squeeze %dma_start3A_980 : memref<1x128xi32, #tpu.memory_space<vmem>> -> memref<128xi32, #tpu.memory_space<vmem>>
    %dma_start3A_982 = arith.constant 0 : i32
    %dma_start3A_983 = arith.constant 0 : i32
    %dma_start3A_984 = tpu.memref_slice %arg3[%dma_start3A_982, %dma_start3A_983] : memref<1000000x64xf32, #tpu.memory_space<hbm>> -> memref<1000000x64xf32, #tpu.memory_space<hbm>>
    %dma_start3A_985 = tpu.memref_slice %arg7[%dma_start3A_974] : memref<12x!tpu.dma_semaphore, #tpu.memory_space<semaphore_mem>> -> memref<1x!tpu.dma_semaphore, #tpu.memory_space<semaphore_mem>>
    %dma_start3A_986 = tpu.memref_squeeze %dma_start3A_985 : memref<1x!tpu.dma_semaphore, #tpu.memory_space<semaphore_mem>> -> memref<!tpu.dma_semaphore, #tpu.memory_space<semaphore_mem>>
    tpu.enqueue_indirect_dma source(%dma_start3A_984 : memref<1000000x64xf32, #tpu.memory_space<hbm>>) target(%dma_start3A_978 : memref<128x64xf32, #tpu.memory_space<vmem>>) offsets(%dma_start3A_981 : memref<128xi32, #tpu.memory_space<vmem>>) semaphore(%dma_start3A_986 : memref<!tpu.dma_semaphore, #tpu.memory_space<semaphore_mem>>)
    %dma_wait3A_987 = arith.constant 0 : i32
    %dma_wait3A_988 = arith.constant 0 : i32
    %dma_wait3A_989 = arith.constant 0 : i32
    %dma_wait3A_990 = arith.constant 0 : i32
    %dma_wait3A_991 = tpu.memref_slice %arg6[%dma_wait3A_987, %dma_wait3A_989, %dma_wait3A_990] : memref<12x128x64xf32, #tpu.memory_space<vmem>> -> memref<1x128x64xf32, #tpu.memory_space<vmem>>
    %dma_wait3A_992 = tpu.memref_squeeze %dma_wait3A_991 : memref<1x128x64xf32, #tpu.memory_space<vmem>> -> memref<128x64xf32, #tpu.memory_space<vmem>>
    %dma_wait3A_993 = arith.constant 0 : i32
    %dma_wait3A_994 = arith.constant 0 : i32
    %dma_wait3A_995 = tpu.memref_slice %arg3[%dma_wait3A_993, %dma_wait3A_994] : memref<1000000x64xf32, #tpu.memory_space<hbm>> -> memref<128x64xf32, #tpu.memory_space<hbm>>
    %dma_wait3A_996 = tpu.memref_slice %arg7[%dma_wait3A_988] : memref<12x!tpu.dma_semaphore, #tpu.memory_space<semaphore_mem>> -> memref<1x!tpu.dma_semaphore, #tpu.memory_space<semaphore_mem>>
    %dma_wait3A_997 = tpu.memref_squeeze %dma_wait3A_996 : memref<1x!tpu.dma_semaphore, #tpu.memory_space<semaphore_mem>> -> memref<!tpu.dma_semaphore, #tpu.memory_space<semaphore_mem>>
    %dma_wait3A_998 = arith.constant 0 : i32
    %dma_wait3A_999 = arith.constant 0 : i32
    %dma_wait3A_1000 = tpu.memref_slice %arg6[%dma_wait3A_987, %dma_wait3A_998, %dma_wait3A_999] : memref<12x128x64xf32, #tpu.memory_space<vmem>> -> memref<1x128x64xf32, #tpu.memory_space<vmem>>
    %dma_wait3A_1001 = tpu.memref_squeeze %dma_wait3A_1000 : memref<1x128x64xf32, #tpu.memory_space<vmem>> -> memref<128x64xf32, #tpu.memory_space<vmem>>
    %dma_wait3A_1002 = arith.constant 0 : i32
    %dma_wait3A_1003 = arith.constant 0 : i32
    %dma_wait3A_1004 = tpu.memref_slice %arg3[%dma_wait3A_1002, %dma_wait3A_1003] : memref<1000000x64xf32, #tpu.memory_space<hbm>> -> memref<128x64xf32, #tpu.memory_space<hbm>>
    tpu.wait_dma2 semaphore(%dma_wait3A_997 : memref<!tpu.dma_semaphore, #tpu.memory_space<semaphore_mem>>) src(%dma_wait3A_1004 : memref<128x64xf32, #tpu.memory_space<hbm>>) dst(%dma_wait3A_1001 : memref<128x64xf32, #tpu.memory_space<vmem>>)
    %add3A_1005 = arith.constant 1536 : i32
    %add3A_1006 = arith.addi %mul3A_2, %add3A_1005 : i32
    %dma_start3A_1007 = arith.constant 0 : i32
    %dma_start3A_1008 = arith.constant 0 : i32
    %dma_start3A_1009 = arith.constant 0 : i32
    %dma_start3A_1010 = arith.constant 0 : i32
    %dma_start3A_1011 = tpu.memref_slice %arg6[%dma_start3A_1007, %dma_start3A_1009, %dma_start3A_1010] : memref<12x128x64xf32, #tpu.memory_space<vmem>> -> memref<1x128x64xf32, #tpu.memory_space<vmem>>
    %dma_start3A_1012 = tpu.memref_squeeze %dma_start3A_1011 : memref<1x128x64xf32, #tpu.memory_space<vmem>> -> memref<128x64xf32, #tpu.memory_space<vmem>>
    %dma_start3A_1013 = arith.constant 0 : i32
    %dma_start3A_1014 = tpu.memref_slice %arg4[%add3A_1006, %dma_start3A_1013] : memref<100000x64xf32, #tpu.memory_space<hbm>> -> memref<128x64xf32, #tpu.memory_space<hbm>>
    %dma_start3A_1015 = tpu.memref_slice %arg8[%dma_start3A_1008] : memref<12x!tpu.dma_semaphore, #tpu.memory_space<semaphore_mem>> -> memref<1x!tpu.dma_semaphore, #tpu.memory_space<semaphore_mem>>
    %dma_start3A_1016 = tpu.memref_squeeze %dma_start3A_1015 : memref<1x!tpu.dma_semaphore, #tpu.memory_space<semaphore_mem>> -> memref<!tpu.dma_semaphore, #tpu.memory_space<semaphore_mem>>
    %dma_start3A_1017 = arith.constant 0 : i32
    %dma_start3A_1018 = tpu.memref_slice %arg4[%add3A_1006, %dma_start3A_1017] : memref<100000x64xf32, #tpu.memory_space<hbm>> -> memref<128x64xf32, #tpu.memory_space<hbm>>
    %dma_start3A_1019 = arith.constant 0 : i32
    %dma_start3A_1020 = arith.constant 0 : i32
    %dma_start3A_1021 = tpu.memref_slice %arg6[%dma_start3A_1007, %dma_start3A_1019, %dma_start3A_1020] : memref<12x128x64xf32, #tpu.memory_space<vmem>> -> memref<1x128x64xf32, #tpu.memory_space<vmem>>
    %dma_start3A_1022 = tpu.memref_squeeze %dma_start3A_1021 : memref<1x128x64xf32, #tpu.memory_space<vmem>> -> memref<128x64xf32, #tpu.memory_space<vmem>>
    tpu.enqueue_dma source(%dma_start3A_1022 : memref<128x64xf32, #tpu.memory_space<vmem>>) target(%dma_start3A_1018 : memref<128x64xf32, #tpu.memory_space<hbm>>) target_semaphore(%dma_start3A_1016 : memref<!tpu.dma_semaphore, #tpu.memory_space<semaphore_mem>>)
    %dma_wait3A_1023 = arith.constant 0 : i32
    %dma_wait3A_1024 = arith.constant 0 : i32
    %dma_wait3A_1025 = arith.constant 0 : i32
    %dma_wait3A_1026 = arith.constant 0 : i32
    %dma_wait3A_1027 = tpu.memref_slice %arg6[%dma_wait3A_1023, %dma_wait3A_1025, %dma_wait3A_1026] : memref<12x128x64xf32, #tpu.memory_space<vmem>> -> memref<1x128x64xf32, #tpu.memory_space<vmem>>
    %dma_wait3A_1028 = tpu.memref_squeeze %dma_wait3A_1027 : memref<1x128x64xf32, #tpu.memory_space<vmem>> -> memref<128x64xf32, #tpu.memory_space<vmem>>
    %dma_wait3A_1029 = arith.constant 0 : i32
    %dma_wait3A_1030 = tpu.memref_slice %arg4[%mul3A_2, %dma_wait3A_1029] : memref<100000x64xf32, #tpu.memory_space<hbm>> -> memref<128x64xf32, #tpu.memory_space<hbm>>
    %dma_wait3A_1031 = tpu.memref_slice %arg8[%dma_wait3A_1024] : memref<12x!tpu.dma_semaphore, #tpu.memory_space<semaphore_mem>> -> memref<1x!tpu.dma_semaphore, #tpu.memory_space<semaphore_mem>>
    %dma_wait3A_1032 = tpu.memref_squeeze %dma_wait3A_1031 : memref<1x!tpu.dma_semaphore, #tpu.memory_space<semaphore_mem>> -> memref<!tpu.dma_semaphore, #tpu.memory_space<semaphore_mem>>
    %dma_wait3A_1033 = arith.constant 0 : i32
    %dma_wait3A_1034 = tpu.memref_slice %arg4[%mul3A_2, %dma_wait3A_1033] : memref<100000x64xf32, #tpu.memory_space<hbm>> -> memref<128x64xf32, #tpu.memory_space<hbm>>
    %dma_wait3A_1035 = arith.constant 0 : i32
    %dma_wait3A_1036 = arith.constant 0 : i32
    %dma_wait3A_1037 = tpu.memref_slice %arg6[%dma_wait3A_1023, %dma_wait3A_1035, %dma_wait3A_1036] : memref<12x128x64xf32, #tpu.memory_space<vmem>> -> memref<1x128x64xf32, #tpu.memory_space<vmem>>
    %dma_wait3A_1038 = tpu.memref_squeeze %dma_wait3A_1037 : memref<1x128x64xf32, #tpu.memory_space<vmem>> -> memref<128x64xf32, #tpu.memory_space<vmem>>
    tpu.wait_dma2 semaphore(%dma_wait3A_1032 : memref<!tpu.dma_semaphore, #tpu.memory_space<semaphore_mem>>) src(%dma_wait3A_1038 : memref<128x64xf32, #tpu.memory_space<vmem>>) dst(%dma_wait3A_1034 : memref<128x64xf32, #tpu.memory_space<hbm>>)
    %dma_start3A_1039 = arith.constant 24 : i32
    %dma_start3A_1040 = arith.constant 0 : i32
    %dma_start3A_1041 = arith.constant 0 : i32
    %dma_start3A_1042 = arith.constant 0 : i32
    %dma_start3A_1043 = arith.constant 0 : i32
    %dma_start3A_1044 = tpu.memref_slice %arg6[%dma_start3A_1040, %dma_start3A_1042, %dma_start3A_1043] : memref<12x128x64xf32, #tpu.memory_space<vmem>> -> memref<1x128x64xf32, #tpu.memory_space<vmem>>
    %dma_start3A_1045 = tpu.memref_squeeze %dma_start3A_1044 : memref<1x128x64xf32, #tpu.memory_space<vmem>> -> memref<128x64xf32, #tpu.memory_space<vmem>>
    %dma_start3A_1046 = arith.constant 0 : i32
    %dma_start3A_1047 = tpu.memref_slice %arg5[%dma_start3A_1039, %dma_start3A_1046] : memref<25x128xi32, #tpu.memory_space<vmem>> -> memref<1x128xi32, #tpu.memory_space<vmem>>
    %dma_start3A_1048 = tpu.memref_squeeze %dma_start3A_1047 : memref<1x128xi32, #tpu.memory_space<vmem>> -> memref<128xi32, #tpu.memory_space<vmem>>
    %dma_start3A_1049 = arith.constant 0 : i32
    %dma_start3A_1050 = arith.constant 0 : i32
    %dma_start3A_1051 = tpu.memref_slice %arg3[%dma_start3A_1049, %dma_start3A_1050] : memref<1000000x64xf32, #tpu.memory_space<hbm>> -> memref<1000000x64xf32, #tpu.memory_space<hbm>>
    %dma_start3A_1052 = tpu.memref_slice %arg7[%dma_start3A_1041] : memref<12x!tpu.dma_semaphore, #tpu.memory_space<semaphore_mem>> -> memref<1x!tpu.dma_semaphore, #tpu.memory_space<semaphore_mem>>
    %dma_start3A_1053 = tpu.memref_squeeze %dma_start3A_1052 : memref<1x!tpu.dma_semaphore, #tpu.memory_space<semaphore_mem>> -> memref<!tpu.dma_semaphore, #tpu.memory_space<semaphore_mem>>
    tpu.enqueue_indirect_dma source(%dma_start3A_1051 : memref<1000000x64xf32, #tpu.memory_space<hbm>>) target(%dma_start3A_1045 : memref<128x64xf32, #tpu.memory_space<vmem>>) offsets(%dma_start3A_1048 : memref<128xi32, #tpu.memory_space<vmem>>) semaphore(%dma_start3A_1053 : memref<!tpu.dma_semaphore, #tpu.memory_space<semaphore_mem>>)
    %dma_wait3A_1054 = arith.constant 1 : i32
    %dma_wait3A_1055 = arith.constant 1 : i32
    %dma_wait3A_1056 = arith.constant 0 : i32
    %dma_wait3A_1057 = arith.constant 0 : i32
    %dma_wait3A_1058 = tpu.memref_slice %arg6[%dma_wait3A_1054, %dma_wait3A_1056, %dma_wait3A_1057] : memref<12x128x64xf32, #tpu.memory_space<vmem>> -> memref<1x128x64xf32, #tpu.memory_space<vmem>>
    %dma_wait3A_1059 = tpu.memref_squeeze %dma_wait3A_1058 : memref<1x128x64xf32, #tpu.memory_space<vmem>> -> memref<128x64xf32, #tpu.memory_space<vmem>>
    %dma_wait3A_1060 = arith.constant 0 : i32
    %dma_wait3A_1061 = arith.constant 0 : i32
    %dma_wait3A_1062 = tpu.memref_slice %arg3[%dma_wait3A_1060, %dma_wait3A_1061] : memref<1000000x64xf32, #tpu.memory_space<hbm>> -> memref<128x64xf32, #tpu.memory_space<hbm>>
    %dma_wait3A_1063 = tpu.memref_slice %arg7[%dma_wait3A_1055] : memref<12x!tpu.dma_semaphore, #tpu.memory_space<semaphore_mem>> -> memref<1x!tpu.dma_semaphore, #tpu.memory_space<semaphore_mem>>
    %dma_wait3A_1064 = tpu.memref_squeeze %dma_wait3A_1063 : memref<1x!tpu.dma_semaphore, #tpu.memory_space<semaphore_mem>> -> memref<!tpu.dma_semaphore, #tpu.memory_space<semaphore_mem>>
    %dma_wait3A_1065 = arith.constant 0 : i32
    %dma_wait3A_1066 = arith.constant 0 : i32
    %dma_wait3A_1067 = tpu.memref_slice %arg6[%dma_wait3A_1054, %dma_wait3A_1065, %dma_wait3A_1066] : memref<12x128x64xf32, #tpu.memory_space<vmem>> -> memref<1x128x64xf32, #tpu.memory_space<vmem>>
    %dma_wait3A_1068 = tpu.memref_squeeze %dma_wait3A_1067 : memref<1x128x64xf32, #tpu.memory_space<vmem>> -> memref<128x64xf32, #tpu.memory_space<vmem>>
    %dma_wait3A_1069 = arith.constant 0 : i32
    %dma_wait3A_1070 = arith.constant 0 : i32
    %dma_wait3A_1071 = tpu.memref_slice %arg3[%dma_wait3A_1069, %dma_wait3A_1070] : memref<1000000x64xf32, #tpu.memory_space<hbm>> -> memref<128x64xf32, #tpu.memory_space<hbm>>
    tpu.wait_dma2 semaphore(%dma_wait3A_1064 : memref<!tpu.dma_semaphore, #tpu.memory_space<semaphore_mem>>) src(%dma_wait3A_1071 : memref<128x64xf32, #tpu.memory_space<hbm>>) dst(%dma_wait3A_1068 : memref<128x64xf32, #tpu.memory_space<vmem>>)
    %add3A_1072 = arith.constant 1664 : i32
    %add3A_1073 = arith.addi %mul3A_2, %add3A_1072 : i32
    %dma_start3A_1074 = arith.constant 1 : i32
    %dma_start3A_1075 = arith.constant 1 : i32
    %dma_start3A_1076 = arith.constant 0 : i32
    %dma_start3A_1077 = arith.constant 0 : i32
    %dma_start3A_1078 = tpu.memref_slice %arg6[%dma_start3A_1074, %dma_start3A_1076, %dma_start3A_1077] : memref<12x128x64xf32, #tpu.memory_space<vmem>> -> memref<1x128x64xf32, #tpu.memory_space<vmem>>
    %dma_start3A_1079 = tpu.memref_squeeze %dma_start3A_1078 : memref<1x128x64xf32, #tpu.memory_space<vmem>> -> memref<128x64xf32, #tpu.memory_space<vmem>>
    %dma_start3A_1080 = arith.constant 0 : i32
    %dma_start3A_1081 = tpu.memref_slice %arg4[%add3A_1073, %dma_start3A_1080] : memref<100000x64xf32, #tpu.memory_space<hbm>> -> memref<128x64xf32, #tpu.memory_space<hbm>>
    %dma_start3A_1082 = tpu.memref_slice %arg8[%dma_start3A_1075] : memref<12x!tpu.dma_semaphore, #tpu.memory_space<semaphore_mem>> -> memref<1x!tpu.dma_semaphore, #tpu.memory_space<semaphore_mem>>
    %dma_start3A_1083 = tpu.memref_squeeze %dma_start3A_1082 : memref<1x!tpu.dma_semaphore, #tpu.memory_space<semaphore_mem>> -> memref<!tpu.dma_semaphore, #tpu.memory_space<semaphore_mem>>
    %dma_start3A_1084 = arith.constant 0 : i32
    %dma_start3A_1085 = tpu.memref_slice %arg4[%add3A_1073, %dma_start3A_1084] : memref<100000x64xf32, #tpu.memory_space<hbm>> -> memref<128x64xf32, #tpu.memory_space<hbm>>
    %dma_start3A_1086 = arith.constant 0 : i32
    %dma_start3A_1087 = arith.constant 0 : i32
    %dma_start3A_1088 = tpu.memref_slice %arg6[%dma_start3A_1074, %dma_start3A_1086, %dma_start3A_1087] : memref<12x128x64xf32, #tpu.memory_space<vmem>> -> memref<1x128x64xf32, #tpu.memory_space<vmem>>
    %dma_start3A_1089 = tpu.memref_squeeze %dma_start3A_1088 : memref<1x128x64xf32, #tpu.memory_space<vmem>> -> memref<128x64xf32, #tpu.memory_space<vmem>>
    tpu.enqueue_dma source(%dma_start3A_1089 : memref<128x64xf32, #tpu.memory_space<vmem>>) target(%dma_start3A_1085 : memref<128x64xf32, #tpu.memory_space<hbm>>) target_semaphore(%dma_start3A_1083 : memref<!tpu.dma_semaphore, #tpu.memory_space<semaphore_mem>>)
    %dma_wait3A_1090 = arith.constant 2 : i32
    %dma_wait3A_1091 = arith.constant 2 : i32
    %dma_wait3A_1092 = arith.constant 0 : i32
    %dma_wait3A_1093 = arith.constant 0 : i32
    %dma_wait3A_1094 = tpu.memref_slice %arg6[%dma_wait3A_1090, %dma_wait3A_1092, %dma_wait3A_1093] : memref<12x128x64xf32, #tpu.memory_space<vmem>> -> memref<1x128x64xf32, #tpu.memory_space<vmem>>
    %dma_wait3A_1095 = tpu.memref_squeeze %dma_wait3A_1094 : memref<1x128x64xf32, #tpu.memory_space<vmem>> -> memref<128x64xf32, #tpu.memory_space<vmem>>
    %dma_wait3A_1096 = arith.constant 0 : i32
    %dma_wait3A_1097 = arith.constant 0 : i32
    %dma_wait3A_1098 = tpu.memref_slice %arg3[%dma_wait3A_1096, %dma_wait3A_1097] : memref<1000000x64xf32, #tpu.memory_space<hbm>> -> memref<128x64xf32, #tpu.memory_space<hbm>>
    %dma_wait3A_1099 = tpu.memref_slice %arg7[%dma_wait3A_1091] : memref<12x!tpu.dma_semaphore, #tpu.memory_space<semaphore_mem>> -> memref<1x!tpu.dma_semaphore, #tpu.memory_space<semaphore_mem>>
    %dma_wait3A_1100 = tpu.memref_squeeze %dma_wait3A_1099 : memref<1x!tpu.dma_semaphore, #tpu.memory_space<semaphore_mem>> -> memref<!tpu.dma_semaphore, #tpu.memory_space<semaphore_mem>>
    %dma_wait3A_1101 = arith.constant 0 : i32
    %dma_wait3A_1102 = arith.constant 0 : i32
    %dma_wait3A_1103 = tpu.memref_slice %arg6[%dma_wait3A_1090, %dma_wait3A_1101, %dma_wait3A_1102] : memref<12x128x64xf32, #tpu.memory_space<vmem>> -> memref<1x128x64xf32, #tpu.memory_space<vmem>>
    %dma_wait3A_1104 = tpu.memref_squeeze %dma_wait3A_1103 : memref<1x128x64xf32, #tpu.memory_space<vmem>> -> memref<128x64xf32, #tpu.memory_space<vmem>>
    %dma_wait3A_1105 = arith.constant 0 : i32
    %dma_wait3A_1106 = arith.constant 0 : i32
    %dma_wait3A_1107 = tpu.memref_slice %arg3[%dma_wait3A_1105, %dma_wait3A_1106] : memref<1000000x64xf32, #tpu.memory_space<hbm>> -> memref<128x64xf32, #tpu.memory_space<hbm>>
    tpu.wait_dma2 semaphore(%dma_wait3A_1100 : memref<!tpu.dma_semaphore, #tpu.memory_space<semaphore_mem>>) src(%dma_wait3A_1107 : memref<128x64xf32, #tpu.memory_space<hbm>>) dst(%dma_wait3A_1104 : memref<128x64xf32, #tpu.memory_space<vmem>>)
    %add3A_1108 = arith.constant 1792 : i32
    %add3A_1109 = arith.addi %mul3A_2, %add3A_1108 : i32
    %dma_start3A_1110 = arith.constant 2 : i32
    %dma_start3A_1111 = arith.constant 2 : i32
    %dma_start3A_1112 = arith.constant 0 : i32
    %dma_start3A_1113 = arith.constant 0 : i32
    %dma_start3A_1114 = tpu.memref_slice %arg6[%dma_start3A_1110, %dma_start3A_1112, %dma_start3A_1113] : memref<12x128x64xf32, #tpu.memory_space<vmem>> -> memref<1x128x64xf32, #tpu.memory_space<vmem>>
    %dma_start3A_1115 = tpu.memref_squeeze %dma_start3A_1114 : memref<1x128x64xf32, #tpu.memory_space<vmem>> -> memref<128x64xf32, #tpu.memory_space<vmem>>
    %dma_start3A_1116 = arith.constant 0 : i32
    %dma_start3A_1117 = tpu.memref_slice %arg4[%add3A_1109, %dma_start3A_1116] : memref<100000x64xf32, #tpu.memory_space<hbm>> -> memref<128x64xf32, #tpu.memory_space<hbm>>
    %dma_start3A_1118 = tpu.memref_slice %arg8[%dma_start3A_1111] : memref<12x!tpu.dma_semaphore, #tpu.memory_space<semaphore_mem>> -> memref<1x!tpu.dma_semaphore, #tpu.memory_space<semaphore_mem>>
    %dma_start3A_1119 = tpu.memref_squeeze %dma_start3A_1118 : memref<1x!tpu.dma_semaphore, #tpu.memory_space<semaphore_mem>> -> memref<!tpu.dma_semaphore, #tpu.memory_space<semaphore_mem>>
    %dma_start3A_1120 = arith.constant 0 : i32
    %dma_start3A_1121 = tpu.memref_slice %arg4[%add3A_1109, %dma_start3A_1120] : memref<100000x64xf32, #tpu.memory_space<hbm>> -> memref<128x64xf32, #tpu.memory_space<hbm>>
    %dma_start3A_1122 = arith.constant 0 : i32
    %dma_start3A_1123 = arith.constant 0 : i32
    %dma_start3A_1124 = tpu.memref_slice %arg6[%dma_start3A_1110, %dma_start3A_1122, %dma_start3A_1123] : memref<12x128x64xf32, #tpu.memory_space<vmem>> -> memref<1x128x64xf32, #tpu.memory_space<vmem>>
    %dma_start3A_1125 = tpu.memref_squeeze %dma_start3A_1124 : memref<1x128x64xf32, #tpu.memory_space<vmem>> -> memref<128x64xf32, #tpu.memory_space<vmem>>
    tpu.enqueue_dma source(%dma_start3A_1125 : memref<128x64xf32, #tpu.memory_space<vmem>>) target(%dma_start3A_1121 : memref<128x64xf32, #tpu.memory_space<hbm>>) target_semaphore(%dma_start3A_1119 : memref<!tpu.dma_semaphore, #tpu.memory_space<semaphore_mem>>)
    %dma_wait3A_1126 = arith.constant 3 : i32
    %dma_wait3A_1127 = arith.constant 3 : i32
    %dma_wait3A_1128 = arith.constant 0 : i32
    %dma_wait3A_1129 = arith.constant 0 : i32
    %dma_wait3A_1130 = tpu.memref_slice %arg6[%dma_wait3A_1126, %dma_wait3A_1128, %dma_wait3A_1129] : memref<12x128x64xf32, #tpu.memory_space<vmem>> -> memref<1x128x64xf32, #tpu.memory_space<vmem>>
    %dma_wait3A_1131 = tpu.memref_squeeze %dma_wait3A_1130 : memref<1x128x64xf32, #tpu.memory_space<vmem>> -> memref<128x64xf32, #tpu.memory_space<vmem>>
    %dma_wait3A_1132 = arith.constant 0 : i32
    %dma_wait3A_1133 = arith.constant 0 : i32
    %dma_wait3A_1134 = tpu.memref_slice %arg3[%dma_wait3A_1132, %dma_wait3A_1133] : memref<1000000x64xf32, #tpu.memory_space<hbm>> -> memref<128x64xf32, #tpu.memory_space<hbm>>
    %dma_wait3A_1135 = tpu.memref_slice %arg7[%dma_wait3A_1127] : memref<12x!tpu.dma_semaphore, #tpu.memory_space<semaphore_mem>> -> memref<1x!tpu.dma_semaphore, #tpu.memory_space<semaphore_mem>>
    %dma_wait3A_1136 = tpu.memref_squeeze %dma_wait3A_1135 : memref<1x!tpu.dma_semaphore, #tpu.memory_space<semaphore_mem>> -> memref<!tpu.dma_semaphore, #tpu.memory_space<semaphore_mem>>
    %dma_wait3A_1137 = arith.constant 0 : i32
    %dma_wait3A_1138 = arith.constant 0 : i32
    %dma_wait3A_1139 = tpu.memref_slice %arg6[%dma_wait3A_1126, %dma_wait3A_1137, %dma_wait3A_1138] : memref<12x128x64xf32, #tpu.memory_space<vmem>> -> memref<1x128x64xf32, #tpu.memory_space<vmem>>
    %dma_wait3A_1140 = tpu.memref_squeeze %dma_wait3A_1139 : memref<1x128x64xf32, #tpu.memory_space<vmem>> -> memref<128x64xf32, #tpu.memory_space<vmem>>
    %dma_wait3A_1141 = arith.constant 0 : i32
    %dma_wait3A_1142 = arith.constant 0 : i32
    %dma_wait3A_1143 = tpu.memref_slice %arg3[%dma_wait3A_1141, %dma_wait3A_1142] : memref<1000000x64xf32, #tpu.memory_space<hbm>> -> memref<128x64xf32, #tpu.memory_space<hbm>>
    tpu.wait_dma2 semaphore(%dma_wait3A_1136 : memref<!tpu.dma_semaphore, #tpu.memory_space<semaphore_mem>>) src(%dma_wait3A_1143 : memref<128x64xf32, #tpu.memory_space<hbm>>) dst(%dma_wait3A_1140 : memref<128x64xf32, #tpu.memory_space<vmem>>)
    %add3A_1144 = arith.constant 1920 : i32
    %add3A_1145 = arith.addi %mul3A_2, %add3A_1144 : i32
    %dma_start3A_1146 = arith.constant 3 : i32
    %dma_start3A_1147 = arith.constant 3 : i32
    %dma_start3A_1148 = arith.constant 0 : i32
    %dma_start3A_1149 = arith.constant 0 : i32
    %dma_start3A_1150 = tpu.memref_slice %arg6[%dma_start3A_1146, %dma_start3A_1148, %dma_start3A_1149] : memref<12x128x64xf32, #tpu.memory_space<vmem>> -> memref<1x128x64xf32, #tpu.memory_space<vmem>>
    %dma_start3A_1151 = tpu.memref_squeeze %dma_start3A_1150 : memref<1x128x64xf32, #tpu.memory_space<vmem>> -> memref<128x64xf32, #tpu.memory_space<vmem>>
    %dma_start3A_1152 = arith.constant 0 : i32
    %dma_start3A_1153 = tpu.memref_slice %arg4[%add3A_1145, %dma_start3A_1152] : memref<100000x64xf32, #tpu.memory_space<hbm>> -> memref<128x64xf32, #tpu.memory_space<hbm>>
    %dma_start3A_1154 = tpu.memref_slice %arg8[%dma_start3A_1147] : memref<12x!tpu.dma_semaphore, #tpu.memory_space<semaphore_mem>> -> memref<1x!tpu.dma_semaphore, #tpu.memory_space<semaphore_mem>>
    %dma_start3A_1155 = tpu.memref_squeeze %dma_start3A_1154 : memref<1x!tpu.dma_semaphore, #tpu.memory_space<semaphore_mem>> -> memref<!tpu.dma_semaphore, #tpu.memory_space<semaphore_mem>>
    %dma_start3A_1156 = arith.constant 0 : i32
    %dma_start3A_1157 = tpu.memref_slice %arg4[%add3A_1145, %dma_start3A_1156] : memref<100000x64xf32, #tpu.memory_space<hbm>> -> memref<128x64xf32, #tpu.memory_space<hbm>>
    %dma_start3A_1158 = arith.constant 0 : i32
    %dma_start3A_1159 = arith.constant 0 : i32
    %dma_start3A_1160 = tpu.memref_slice %arg6[%dma_start3A_1146, %dma_start3A_1158, %dma_start3A_1159] : memref<12x128x64xf32, #tpu.memory_space<vmem>> -> memref<1x128x64xf32, #tpu.memory_space<vmem>>
    %dma_start3A_1161 = tpu.memref_squeeze %dma_start3A_1160 : memref<1x128x64xf32, #tpu.memory_space<vmem>> -> memref<128x64xf32, #tpu.memory_space<vmem>>
    tpu.enqueue_dma source(%dma_start3A_1161 : memref<128x64xf32, #tpu.memory_space<vmem>>) target(%dma_start3A_1157 : memref<128x64xf32, #tpu.memory_space<hbm>>) target_semaphore(%dma_start3A_1155 : memref<!tpu.dma_semaphore, #tpu.memory_space<semaphore_mem>>)
    %dma_wait3A_1162 = arith.constant 4 : i32
    %dma_wait3A_1163 = arith.constant 4 : i32
    %dma_wait3A_1164 = arith.constant 0 : i32
    %dma_wait3A_1165 = arith.constant 0 : i32
    %dma_wait3A_1166 = tpu.memref_slice %arg6[%dma_wait3A_1162, %dma_wait3A_1164, %dma_wait3A_1165] : memref<12x128x64xf32, #tpu.memory_space<vmem>> -> memref<1x128x64xf32, #tpu.memory_space<vmem>>
    %dma_wait3A_1167 = tpu.memref_squeeze %dma_wait3A_1166 : memref<1x128x64xf32, #tpu.memory_space<vmem>> -> memref<128x64xf32, #tpu.memory_space<vmem>>
    %dma_wait3A_1168 = arith.constant 0 : i32
    %dma_wait3A_1169 = arith.constant 0 : i32
    %dma_wait3A_1170 = tpu.memref_slice %arg3[%dma_wait3A_1168, %dma_wait3A_1169] : memref<1000000x64xf32, #tpu.memory_space<hbm>> -> memref<128x64xf32, #tpu.memory_space<hbm>>
    %dma_wait3A_1171 = tpu.memref_slice %arg7[%dma_wait3A_1163] : memref<12x!tpu.dma_semaphore, #tpu.memory_space<semaphore_mem>> -> memref<1x!tpu.dma_semaphore, #tpu.memory_space<semaphore_mem>>
    %dma_wait3A_1172 = tpu.memref_squeeze %dma_wait3A_1171 : memref<1x!tpu.dma_semaphore, #tpu.memory_space<semaphore_mem>> -> memref<!tpu.dma_semaphore, #tpu.memory_space<semaphore_mem>>
    %dma_wait3A_1173 = arith.constant 0 : i32
    %dma_wait3A_1174 = arith.constant 0 : i32
    %dma_wait3A_1175 = tpu.memref_slice %arg6[%dma_wait3A_1162, %dma_wait3A_1173, %dma_wait3A_1174] : memref<12x128x64xf32, #tpu.memory_space<vmem>> -> memref<1x128x64xf32, #tpu.memory_space<vmem>>
    %dma_wait3A_1176 = tpu.memref_squeeze %dma_wait3A_1175 : memref<1x128x64xf32, #tpu.memory_space<vmem>> -> memref<128x64xf32, #tpu.memory_space<vmem>>
    %dma_wait3A_1177 = arith.constant 0 : i32
    %dma_wait3A_1178 = arith.constant 0 : i32
    %dma_wait3A_1179 = tpu.memref_slice %arg3[%dma_wait3A_1177, %dma_wait3A_1178] : memref<1000000x64xf32, #tpu.memory_space<hbm>> -> memref<128x64xf32, #tpu.memory_space<hbm>>
    tpu.wait_dma2 semaphore(%dma_wait3A_1172 : memref<!tpu.dma_semaphore, #tpu.memory_space<semaphore_mem>>) src(%dma_wait3A_1179 : memref<128x64xf32, #tpu.memory_space<hbm>>) dst(%dma_wait3A_1176 : memref<128x64xf32, #tpu.memory_space<vmem>>)
    %add3A_1180 = arith.constant 2048 : i32
    %add3A_1181 = arith.addi %mul3A_2, %add3A_1180 : i32
    %dma_start3A_1182 = arith.constant 4 : i32
    %dma_start3A_1183 = arith.constant 4 : i32
    %dma_start3A_1184 = arith.constant 0 : i32
    %dma_start3A_1185 = arith.constant 0 : i32
    %dma_start3A_1186 = tpu.memref_slice %arg6[%dma_start3A_1182, %dma_start3A_1184, %dma_start3A_1185] : memref<12x128x64xf32, #tpu.memory_space<vmem>> -> memref<1x128x64xf32, #tpu.memory_space<vmem>>
    %dma_start3A_1187 = tpu.memref_squeeze %dma_start3A_1186 : memref<1x128x64xf32, #tpu.memory_space<vmem>> -> memref<128x64xf32, #tpu.memory_space<vmem>>
    %dma_start3A_1188 = arith.constant 0 : i32
    %dma_start3A_1189 = tpu.memref_slice %arg4[%add3A_1181, %dma_start3A_1188] : memref<100000x64xf32, #tpu.memory_space<hbm>> -> memref<128x64xf32, #tpu.memory_space<hbm>>
    %dma_start3A_1190 = tpu.memref_slice %arg8[%dma_start3A_1183] : memref<12x!tpu.dma_semaphore, #tpu.memory_space<semaphore_mem>> -> memref<1x!tpu.dma_semaphore, #tpu.memory_space<semaphore_mem>>
    %dma_start3A_1191 = tpu.memref_squeeze %dma_start3A_1190 : memref<1x!tpu.dma_semaphore, #tpu.memory_space<semaphore_mem>> -> memref<!tpu.dma_semaphore, #tpu.memory_space<semaphore_mem>>
    %dma_start3A_1192 = arith.constant 0 : i32
    %dma_start3A_1193 = tpu.memref_slice %arg4[%add3A_1181, %dma_start3A_1192] : memref<100000x64xf32, #tpu.memory_space<hbm>> -> memref<128x64xf32, #tpu.memory_space<hbm>>
    %dma_start3A_1194 = arith.constant 0 : i32
    %dma_start3A_1195 = arith.constant 0 : i32
    %dma_start3A_1196 = tpu.memref_slice %arg6[%dma_start3A_1182, %dma_start3A_1194, %dma_start3A_1195] : memref<12x128x64xf32, #tpu.memory_space<vmem>> -> memref<1x128x64xf32, #tpu.memory_space<vmem>>
    %dma_start3A_1197 = tpu.memref_squeeze %dma_start3A_1196 : memref<1x128x64xf32, #tpu.memory_space<vmem>> -> memref<128x64xf32, #tpu.memory_space<vmem>>
    tpu.enqueue_dma source(%dma_start3A_1197 : memref<128x64xf32, #tpu.memory_space<vmem>>) target(%dma_start3A_1193 : memref<128x64xf32, #tpu.memory_space<hbm>>) target_semaphore(%dma_start3A_1191 : memref<!tpu.dma_semaphore, #tpu.memory_space<semaphore_mem>>)
    %dma_wait3A_1198 = arith.constant 5 : i32
    %dma_wait3A_1199 = arith.constant 5 : i32
    %dma_wait3A_1200 = arith.constant 0 : i32
    %dma_wait3A_1201 = arith.constant 0 : i32
    %dma_wait3A_1202 = tpu.memref_slice %arg6[%dma_wait3A_1198, %dma_wait3A_1200, %dma_wait3A_1201] : memref<12x128x64xf32, #tpu.memory_space<vmem>> -> memref<1x128x64xf32, #tpu.memory_space<vmem>>
    %dma_wait3A_1203 = tpu.memref_squeeze %dma_wait3A_1202 : memref<1x128x64xf32, #tpu.memory_space<vmem>> -> memref<128x64xf32, #tpu.memory_space<vmem>>
    %dma_wait3A_1204 = arith.constant 0 : i32
    %dma_wait3A_1205 = arith.constant 0 : i32
    %dma_wait3A_1206 = tpu.memref_slice %arg3[%dma_wait3A_1204, %dma_wait3A_1205] : memref<1000000x64xf32, #tpu.memory_space<hbm>> -> memref<128x64xf32, #tpu.memory_space<hbm>>
    %dma_wait3A_1207 = tpu.memref_slice %arg7[%dma_wait3A_1199] : memref<12x!tpu.dma_semaphore, #tpu.memory_space<semaphore_mem>> -> memref<1x!tpu.dma_semaphore, #tpu.memory_space<semaphore_mem>>
    %dma_wait3A_1208 = tpu.memref_squeeze %dma_wait3A_1207 : memref<1x!tpu.dma_semaphore, #tpu.memory_space<semaphore_mem>> -> memref<!tpu.dma_semaphore, #tpu.memory_space<semaphore_mem>>
    %dma_wait3A_1209 = arith.constant 0 : i32
    %dma_wait3A_1210 = arith.constant 0 : i32
    %dma_wait3A_1211 = tpu.memref_slice %arg6[%dma_wait3A_1198, %dma_wait3A_1209, %dma_wait3A_1210] : memref<12x128x64xf32, #tpu.memory_space<vmem>> -> memref<1x128x64xf32, #tpu.memory_space<vmem>>
    %dma_wait3A_1212 = tpu.memref_squeeze %dma_wait3A_1211 : memref<1x128x64xf32, #tpu.memory_space<vmem>> -> memref<128x64xf32, #tpu.memory_space<vmem>>
    %dma_wait3A_1213 = arith.constant 0 : i32
    %dma_wait3A_1214 = arith.constant 0 : i32
    %dma_wait3A_1215 = tpu.memref_slice %arg3[%dma_wait3A_1213, %dma_wait3A_1214] : memref<1000000x64xf32, #tpu.memory_space<hbm>> -> memref<128x64xf32, #tpu.memory_space<hbm>>
    tpu.wait_dma2 semaphore(%dma_wait3A_1208 : memref<!tpu.dma_semaphore, #tpu.memory_space<semaphore_mem>>) src(%dma_wait3A_1215 : memref<128x64xf32, #tpu.memory_space<hbm>>) dst(%dma_wait3A_1212 : memref<128x64xf32, #tpu.memory_space<vmem>>)
    %add3A_1216 = arith.constant 2176 : i32
    %add3A_1217 = arith.addi %mul3A_2, %add3A_1216 : i32
    %dma_start3A_1218 = arith.constant 5 : i32
    %dma_start3A_1219 = arith.constant 5 : i32
    %dma_start3A_1220 = arith.constant 0 : i32
    %dma_start3A_1221 = arith.constant 0 : i32
    %dma_start3A_1222 = tpu.memref_slice %arg6[%dma_start3A_1218, %dma_start3A_1220, %dma_start3A_1221] : memref<12x128x64xf32, #tpu.memory_space<vmem>> -> memref<1x128x64xf32, #tpu.memory_space<vmem>>
    %dma_start3A_1223 = tpu.memref_squeeze %dma_start3A_1222 : memref<1x128x64xf32, #tpu.memory_space<vmem>> -> memref<128x64xf32, #tpu.memory_space<vmem>>
    %dma_start3A_1224 = arith.constant 0 : i32
    %dma_start3A_1225 = tpu.memref_slice %arg4[%add3A_1217, %dma_start3A_1224] : memref<100000x64xf32, #tpu.memory_space<hbm>> -> memref<128x64xf32, #tpu.memory_space<hbm>>
    %dma_start3A_1226 = tpu.memref_slice %arg8[%dma_start3A_1219] : memref<12x!tpu.dma_semaphore, #tpu.memory_space<semaphore_mem>> -> memref<1x!tpu.dma_semaphore, #tpu.memory_space<semaphore_mem>>
    %dma_start3A_1227 = tpu.memref_squeeze %dma_start3A_1226 : memref<1x!tpu.dma_semaphore, #tpu.memory_space<semaphore_mem>> -> memref<!tpu.dma_semaphore, #tpu.memory_space<semaphore_mem>>
    %dma_start3A_1228 = arith.constant 0 : i32
    %dma_start3A_1229 = tpu.memref_slice %arg4[%add3A_1217, %dma_start3A_1228] : memref<100000x64xf32, #tpu.memory_space<hbm>> -> memref<128x64xf32, #tpu.memory_space<hbm>>
    %dma_start3A_1230 = arith.constant 0 : i32
    %dma_start3A_1231 = arith.constant 0 : i32
    %dma_start3A_1232 = tpu.memref_slice %arg6[%dma_start3A_1218, %dma_start3A_1230, %dma_start3A_1231] : memref<12x128x64xf32, #tpu.memory_space<vmem>> -> memref<1x128x64xf32, #tpu.memory_space<vmem>>
    %dma_start3A_1233 = tpu.memref_squeeze %dma_start3A_1232 : memref<1x128x64xf32, #tpu.memory_space<vmem>> -> memref<128x64xf32, #tpu.memory_space<vmem>>
    tpu.enqueue_dma source(%dma_start3A_1233 : memref<128x64xf32, #tpu.memory_space<vmem>>) target(%dma_start3A_1229 : memref<128x64xf32, #tpu.memory_space<hbm>>) target_semaphore(%dma_start3A_1227 : memref<!tpu.dma_semaphore, #tpu.memory_space<semaphore_mem>>)
    %dma_wait3A_1234 = arith.constant 6 : i32
    %dma_wait3A_1235 = arith.constant 6 : i32
    %dma_wait3A_1236 = arith.constant 0 : i32
    %dma_wait3A_1237 = arith.constant 0 : i32
    %dma_wait3A_1238 = tpu.memref_slice %arg6[%dma_wait3A_1234, %dma_wait3A_1236, %dma_wait3A_1237] : memref<12x128x64xf32, #tpu.memory_space<vmem>> -> memref<1x128x64xf32, #tpu.memory_space<vmem>>
    %dma_wait3A_1239 = tpu.memref_squeeze %dma_wait3A_1238 : memref<1x128x64xf32, #tpu.memory_space<vmem>> -> memref<128x64xf32, #tpu.memory_space<vmem>>
    %dma_wait3A_1240 = arith.constant 0 : i32
    %dma_wait3A_1241 = arith.constant 0 : i32
    %dma_wait3A_1242 = tpu.memref_slice %arg3[%dma_wait3A_1240, %dma_wait3A_1241] : memref<1000000x64xf32, #tpu.memory_space<hbm>> -> memref<128x64xf32, #tpu.memory_space<hbm>>
    %dma_wait3A_1243 = tpu.memref_slice %arg7[%dma_wait3A_1235] : memref<12x!tpu.dma_semaphore, #tpu.memory_space<semaphore_mem>> -> memref<1x!tpu.dma_semaphore, #tpu.memory_space<semaphore_mem>>
    %dma_wait3A_1244 = tpu.memref_squeeze %dma_wait3A_1243 : memref<1x!tpu.dma_semaphore, #tpu.memory_space<semaphore_mem>> -> memref<!tpu.dma_semaphore, #tpu.memory_space<semaphore_mem>>
    %dma_wait3A_1245 = arith.constant 0 : i32
    %dma_wait3A_1246 = arith.constant 0 : i32
    %dma_wait3A_1247 = tpu.memref_slice %arg6[%dma_wait3A_1234, %dma_wait3A_1245, %dma_wait3A_1246] : memref<12x128x64xf32, #tpu.memory_space<vmem>> -> memref<1x128x64xf32, #tpu.memory_space<vmem>>
    %dma_wait3A_1248 = tpu.memref_squeeze %dma_wait3A_1247 : memref<1x128x64xf32, #tpu.memory_space<vmem>> -> memref<128x64xf32, #tpu.memory_space<vmem>>
    %dma_wait3A_1249 = arith.constant 0 : i32
    %dma_wait3A_1250 = arith.constant 0 : i32
    %dma_wait3A_1251 = tpu.memref_slice %arg3[%dma_wait3A_1249, %dma_wait3A_1250] : memref<1000000x64xf32, #tpu.memory_space<hbm>> -> memref<128x64xf32, #tpu.memory_space<hbm>>
    tpu.wait_dma2 semaphore(%dma_wait3A_1244 : memref<!tpu.dma_semaphore, #tpu.memory_space<semaphore_mem>>) src(%dma_wait3A_1251 : memref<128x64xf32, #tpu.memory_space<hbm>>) dst(%dma_wait3A_1248 : memref<128x64xf32, #tpu.memory_space<vmem>>)
    %add3A_1252 = arith.constant 2304 : i32
    %add3A_1253 = arith.addi %mul3A_2, %add3A_1252 : i32
    %dma_start3A_1254 = arith.constant 6 : i32
    %dma_start3A_1255 = arith.constant 6 : i32
    %dma_start3A_1256 = arith.constant 0 : i32
    %dma_start3A_1257 = arith.constant 0 : i32
    %dma_start3A_1258 = tpu.memref_slice %arg6[%dma_start3A_1254, %dma_start3A_1256, %dma_start3A_1257] : memref<12x128x64xf32, #tpu.memory_space<vmem>> -> memref<1x128x64xf32, #tpu.memory_space<vmem>>
    %dma_start3A_1259 = tpu.memref_squeeze %dma_start3A_1258 : memref<1x128x64xf32, #tpu.memory_space<vmem>> -> memref<128x64xf32, #tpu.memory_space<vmem>>
    %dma_start3A_1260 = arith.constant 0 : i32
    %dma_start3A_1261 = tpu.memref_slice %arg4[%add3A_1253, %dma_start3A_1260] : memref<100000x64xf32, #tpu.memory_space<hbm>> -> memref<128x64xf32, #tpu.memory_space<hbm>>
    %dma_start3A_1262 = tpu.memref_slice %arg8[%dma_start3A_1255] : memref<12x!tpu.dma_semaphore, #tpu.memory_space<semaphore_mem>> -> memref<1x!tpu.dma_semaphore, #tpu.memory_space<semaphore_mem>>
    %dma_start3A_1263 = tpu.memref_squeeze %dma_start3A_1262 : memref<1x!tpu.dma_semaphore, #tpu.memory_space<semaphore_mem>> -> memref<!tpu.dma_semaphore, #tpu.memory_space<semaphore_mem>>
    %dma_start3A_1264 = arith.constant 0 : i32
    %dma_start3A_1265 = tpu.memref_slice %arg4[%add3A_1253, %dma_start3A_1264] : memref<100000x64xf32, #tpu.memory_space<hbm>> -> memref<128x64xf32, #tpu.memory_space<hbm>>
    %dma_start3A_1266 = arith.constant 0 : i32
    %dma_start3A_1267 = arith.constant 0 : i32
    %dma_start3A_1268 = tpu.memref_slice %arg6[%dma_start3A_1254, %dma_start3A_1266, %dma_start3A_1267] : memref<12x128x64xf32, #tpu.memory_space<vmem>> -> memref<1x128x64xf32, #tpu.memory_space<vmem>>
    %dma_start3A_1269 = tpu.memref_squeeze %dma_start3A_1268 : memref<1x128x64xf32, #tpu.memory_space<vmem>> -> memref<128x64xf32, #tpu.memory_space<vmem>>
    tpu.enqueue_dma source(%dma_start3A_1269 : memref<128x64xf32, #tpu.memory_space<vmem>>) target(%dma_start3A_1265 : memref<128x64xf32, #tpu.memory_space<hbm>>) target_semaphore(%dma_start3A_1263 : memref<!tpu.dma_semaphore, #tpu.memory_space<semaphore_mem>>)
    %dma_wait3A_1270 = arith.constant 7 : i32
    %dma_wait3A_1271 = arith.constant 7 : i32
    %dma_wait3A_1272 = arith.constant 0 : i32
    %dma_wait3A_1273 = arith.constant 0 : i32
    %dma_wait3A_1274 = tpu.memref_slice %arg6[%dma_wait3A_1270, %dma_wait3A_1272, %dma_wait3A_1273] : memref<12x128x64xf32, #tpu.memory_space<vmem>> -> memref<1x128x64xf32, #tpu.memory_space<vmem>>
    %dma_wait3A_1275 = tpu.memref_squeeze %dma_wait3A_1274 : memref<1x128x64xf32, #tpu.memory_space<vmem>> -> memref<128x64xf32, #tpu.memory_space<vmem>>
    %dma_wait3A_1276 = arith.constant 0 : i32
    %dma_wait3A_1277 = arith.constant 0 : i32
    %dma_wait3A_1278 = tpu.memref_slice %arg3[%dma_wait3A_1276, %dma_wait3A_1277] : memref<1000000x64xf32, #tpu.memory_space<hbm>> -> memref<128x64xf32, #tpu.memory_space<hbm>>
    %dma_wait3A_1279 = tpu.memref_slice %arg7[%dma_wait3A_1271] : memref<12x!tpu.dma_semaphore, #tpu.memory_space<semaphore_mem>> -> memref<1x!tpu.dma_semaphore, #tpu.memory_space<semaphore_mem>>
    %dma_wait3A_1280 = tpu.memref_squeeze %dma_wait3A_1279 : memref<1x!tpu.dma_semaphore, #tpu.memory_space<semaphore_mem>> -> memref<!tpu.dma_semaphore, #tpu.memory_space<semaphore_mem>>
    %dma_wait3A_1281 = arith.constant 0 : i32
    %dma_wait3A_1282 = arith.constant 0 : i32
    %dma_wait3A_1283 = tpu.memref_slice %arg6[%dma_wait3A_1270, %dma_wait3A_1281, %dma_wait3A_1282] : memref<12x128x64xf32, #tpu.memory_space<vmem>> -> memref<1x128x64xf32, #tpu.memory_space<vmem>>
    %dma_wait3A_1284 = tpu.memref_squeeze %dma_wait3A_1283 : memref<1x128x64xf32, #tpu.memory_space<vmem>> -> memref<128x64xf32, #tpu.memory_space<vmem>>
    %dma_wait3A_1285 = arith.constant 0 : i32
    %dma_wait3A_1286 = arith.constant 0 : i32
    %dma_wait3A_1287 = tpu.memref_slice %arg3[%dma_wait3A_1285, %dma_wait3A_1286] : memref<1000000x64xf32, #tpu.memory_space<hbm>> -> memref<128x64xf32, #tpu.memory_space<hbm>>
    tpu.wait_dma2 semaphore(%dma_wait3A_1280 : memref<!tpu.dma_semaphore, #tpu.memory_space<semaphore_mem>>) src(%dma_wait3A_1287 : memref<128x64xf32, #tpu.memory_space<hbm>>) dst(%dma_wait3A_1284 : memref<128x64xf32, #tpu.memory_space<vmem>>)
    %add3A_1288 = arith.constant 2432 : i32
    %add3A_1289 = arith.addi %mul3A_2, %add3A_1288 : i32
    %dma_start3A_1290 = arith.constant 7 : i32
    %dma_start3A_1291 = arith.constant 7 : i32
    %dma_start3A_1292 = arith.constant 0 : i32
    %dma_start3A_1293 = arith.constant 0 : i32
    %dma_start3A_1294 = tpu.memref_slice %arg6[%dma_start3A_1290, %dma_start3A_1292, %dma_start3A_1293] : memref<12x128x64xf32, #tpu.memory_space<vmem>> -> memref<1x128x64xf32, #tpu.memory_space<vmem>>
    %dma_start3A_1295 = tpu.memref_squeeze %dma_start3A_1294 : memref<1x128x64xf32, #tpu.memory_space<vmem>> -> memref<128x64xf32, #tpu.memory_space<vmem>>
    %dma_start3A_1296 = arith.constant 0 : i32
    %dma_start3A_1297 = tpu.memref_slice %arg4[%add3A_1289, %dma_start3A_1296] : memref<100000x64xf32, #tpu.memory_space<hbm>> -> memref<128x64xf32, #tpu.memory_space<hbm>>
    %dma_start3A_1298 = tpu.memref_slice %arg8[%dma_start3A_1291] : memref<12x!tpu.dma_semaphore, #tpu.memory_space<semaphore_mem>> -> memref<1x!tpu.dma_semaphore, #tpu.memory_space<semaphore_mem>>
    %dma_start3A_1299 = tpu.memref_squeeze %dma_start3A_1298 : memref<1x!tpu.dma_semaphore, #tpu.memory_space<semaphore_mem>> -> memref<!tpu.dma_semaphore, #tpu.memory_space<semaphore_mem>>
    %dma_start3A_1300 = arith.constant 0 : i32
    %dma_start3A_1301 = tpu.memref_slice %arg4[%add3A_1289, %dma_start3A_1300] : memref<100000x64xf32, #tpu.memory_space<hbm>> -> memref<128x64xf32, #tpu.memory_space<hbm>>
    %dma_start3A_1302 = arith.constant 0 : i32
    %dma_start3A_1303 = arith.constant 0 : i32
    %dma_start3A_1304 = tpu.memref_slice %arg6[%dma_start3A_1290, %dma_start3A_1302, %dma_start3A_1303] : memref<12x128x64xf32, #tpu.memory_space<vmem>> -> memref<1x128x64xf32, #tpu.memory_space<vmem>>
    %dma_start3A_1305 = tpu.memref_squeeze %dma_start3A_1304 : memref<1x128x64xf32, #tpu.memory_space<vmem>> -> memref<128x64xf32, #tpu.memory_space<vmem>>
    tpu.enqueue_dma source(%dma_start3A_1305 : memref<128x64xf32, #tpu.memory_space<vmem>>) target(%dma_start3A_1301 : memref<128x64xf32, #tpu.memory_space<hbm>>) target_semaphore(%dma_start3A_1299 : memref<!tpu.dma_semaphore, #tpu.memory_space<semaphore_mem>>)
    %dma_wait3A_1306 = arith.constant 8 : i32
    %dma_wait3A_1307 = arith.constant 8 : i32
    %dma_wait3A_1308 = arith.constant 0 : i32
    %dma_wait3A_1309 = arith.constant 0 : i32
    %dma_wait3A_1310 = tpu.memref_slice %arg6[%dma_wait3A_1306, %dma_wait3A_1308, %dma_wait3A_1309] : memref<12x128x64xf32, #tpu.memory_space<vmem>> -> memref<1x128x64xf32, #tpu.memory_space<vmem>>
    %dma_wait3A_1311 = tpu.memref_squeeze %dma_wait3A_1310 : memref<1x128x64xf32, #tpu.memory_space<vmem>> -> memref<128x64xf32, #tpu.memory_space<vmem>>
    %dma_wait3A_1312 = arith.constant 0 : i32
    %dma_wait3A_1313 = arith.constant 0 : i32
    %dma_wait3A_1314 = tpu.memref_slice %arg3[%dma_wait3A_1312, %dma_wait3A_1313] : memref<1000000x64xf32, #tpu.memory_space<hbm>> -> memref<128x64xf32, #tpu.memory_space<hbm>>
    %dma_wait3A_1315 = tpu.memref_slice %arg7[%dma_wait3A_1307] : memref<12x!tpu.dma_semaphore, #tpu.memory_space<semaphore_mem>> -> memref<1x!tpu.dma_semaphore, #tpu.memory_space<semaphore_mem>>
    %dma_wait3A_1316 = tpu.memref_squeeze %dma_wait3A_1315 : memref<1x!tpu.dma_semaphore, #tpu.memory_space<semaphore_mem>> -> memref<!tpu.dma_semaphore, #tpu.memory_space<semaphore_mem>>
    %dma_wait3A_1317 = arith.constant 0 : i32
    %dma_wait3A_1318 = arith.constant 0 : i32
    %dma_wait3A_1319 = tpu.memref_slice %arg6[%dma_wait3A_1306, %dma_wait3A_1317, %dma_wait3A_1318] : memref<12x128x64xf32, #tpu.memory_space<vmem>> -> memref<1x128x64xf32, #tpu.memory_space<vmem>>
    %dma_wait3A_1320 = tpu.memref_squeeze %dma_wait3A_1319 : memref<1x128x64xf32, #tpu.memory_space<vmem>> -> memref<128x64xf32, #tpu.memory_space<vmem>>
    %dma_wait3A_1321 = arith.constant 0 : i32
    %dma_wait3A_1322 = arith.constant 0 : i32
    %dma_wait3A_1323 = tpu.memref_slice %arg3[%dma_wait3A_1321, %dma_wait3A_1322] : memref<1000000x64xf32, #tpu.memory_space<hbm>> -> memref<128x64xf32, #tpu.memory_space<hbm>>
    tpu.wait_dma2 semaphore(%dma_wait3A_1316 : memref<!tpu.dma_semaphore, #tpu.memory_space<semaphore_mem>>) src(%dma_wait3A_1323 : memref<128x64xf32, #tpu.memory_space<hbm>>) dst(%dma_wait3A_1320 : memref<128x64xf32, #tpu.memory_space<vmem>>)
    %add3A_1324 = arith.constant 2560 : i32
    %add3A_1325 = arith.addi %mul3A_2, %add3A_1324 : i32
    %dma_start3A_1326 = arith.constant 8 : i32
    %dma_start3A_1327 = arith.constant 8 : i32
    %dma_start3A_1328 = arith.constant 0 : i32
    %dma_start3A_1329 = arith.constant 0 : i32
    %dma_start3A_1330 = tpu.memref_slice %arg6[%dma_start3A_1326, %dma_start3A_1328, %dma_start3A_1329] : memref<12x128x64xf32, #tpu.memory_space<vmem>> -> memref<1x128x64xf32, #tpu.memory_space<vmem>>
    %dma_start3A_1331 = tpu.memref_squeeze %dma_start3A_1330 : memref<1x128x64xf32, #tpu.memory_space<vmem>> -> memref<128x64xf32, #tpu.memory_space<vmem>>
    %dma_start3A_1332 = arith.constant 0 : i32
    %dma_start3A_1333 = tpu.memref_slice %arg4[%add3A_1325, %dma_start3A_1332] : memref<100000x64xf32, #tpu.memory_space<hbm>> -> memref<128x64xf32, #tpu.memory_space<hbm>>
    %dma_start3A_1334 = tpu.memref_slice %arg8[%dma_start3A_1327] : memref<12x!tpu.dma_semaphore, #tpu.memory_space<semaphore_mem>> -> memref<1x!tpu.dma_semaphore, #tpu.memory_space<semaphore_mem>>
    %dma_start3A_1335 = tpu.memref_squeeze %dma_start3A_1334 : memref<1x!tpu.dma_semaphore, #tpu.memory_space<semaphore_mem>> -> memref<!tpu.dma_semaphore, #tpu.memory_space<semaphore_mem>>
    %dma_start3A_1336 = arith.constant 0 : i32
    %dma_start3A_1337 = tpu.memref_slice %arg4[%add3A_1325, %dma_start3A_1336] : memref<100000x64xf32, #tpu.memory_space<hbm>> -> memref<128x64xf32, #tpu.memory_space<hbm>>
    %dma_start3A_1338 = arith.constant 0 : i32
    %dma_start3A_1339 = arith.constant 0 : i32
    %dma_start3A_1340 = tpu.memref_slice %arg6[%dma_start3A_1326, %dma_start3A_1338, %dma_start3A_1339] : memref<12x128x64xf32, #tpu.memory_space<vmem>> -> memref<1x128x64xf32, #tpu.memory_space<vmem>>
    %dma_start3A_1341 = tpu.memref_squeeze %dma_start3A_1340 : memref<1x128x64xf32, #tpu.memory_space<vmem>> -> memref<128x64xf32, #tpu.memory_space<vmem>>
    tpu.enqueue_dma source(%dma_start3A_1341 : memref<128x64xf32, #tpu.memory_space<vmem>>) target(%dma_start3A_1337 : memref<128x64xf32, #tpu.memory_space<hbm>>) target_semaphore(%dma_start3A_1335 : memref<!tpu.dma_semaphore, #tpu.memory_space<semaphore_mem>>)
    %dma_wait3A_1342 = arith.constant 9 : i32
    %dma_wait3A_1343 = arith.constant 9 : i32
    %dma_wait3A_1344 = arith.constant 0 : i32
    %dma_wait3A_1345 = arith.constant 0 : i32
    %dma_wait3A_1346 = tpu.memref_slice %arg6[%dma_wait3A_1342, %dma_wait3A_1344, %dma_wait3A_1345] : memref<12x128x64xf32, #tpu.memory_space<vmem>> -> memref<1x128x64xf32, #tpu.memory_space<vmem>>
    %dma_wait3A_1347 = tpu.memref_squeeze %dma_wait3A_1346 : memref<1x128x64xf32, #tpu.memory_space<vmem>> -> memref<128x64xf32, #tpu.memory_space<vmem>>
    %dma_wait3A_1348 = arith.constant 0 : i32
    %dma_wait3A_1349 = arith.constant 0 : i32
    %dma_wait3A_1350 = tpu.memref_slice %arg3[%dma_wait3A_1348, %dma_wait3A_1349] : memref<1000000x64xf32, #tpu.memory_space<hbm>> -> memref<128x64xf32, #tpu.memory_space<hbm>>
    %dma_wait3A_1351 = tpu.memref_slice %arg7[%dma_wait3A_1343] : memref<12x!tpu.dma_semaphore, #tpu.memory_space<semaphore_mem>> -> memref<1x!tpu.dma_semaphore, #tpu.memory_space<semaphore_mem>>
    %dma_wait3A_1352 = tpu.memref_squeeze %dma_wait3A_1351 : memref<1x!tpu.dma_semaphore, #tpu.memory_space<semaphore_mem>> -> memref<!tpu.dma_semaphore, #tpu.memory_space<semaphore_mem>>
    %dma_wait3A_1353 = arith.constant 0 : i32
    %dma_wait3A_1354 = arith.constant 0 : i32
    %dma_wait3A_1355 = tpu.memref_slice %arg6[%dma_wait3A_1342, %dma_wait3A_1353, %dma_wait3A_1354] : memref<12x128x64xf32, #tpu.memory_space<vmem>> -> memref<1x128x64xf32, #tpu.memory_space<vmem>>
    %dma_wait3A_1356 = tpu.memref_squeeze %dma_wait3A_1355 : memref<1x128x64xf32, #tpu.memory_space<vmem>> -> memref<128x64xf32, #tpu.memory_space<vmem>>
    %dma_wait3A_1357 = arith.constant 0 : i32
    %dma_wait3A_1358 = arith.constant 0 : i32
    %dma_wait3A_1359 = tpu.memref_slice %arg3[%dma_wait3A_1357, %dma_wait3A_1358] : memref<1000000x64xf32, #tpu.memory_space<hbm>> -> memref<128x64xf32, #tpu.memory_space<hbm>>
    tpu.wait_dma2 semaphore(%dma_wait3A_1352 : memref<!tpu.dma_semaphore, #tpu.memory_space<semaphore_mem>>) src(%dma_wait3A_1359 : memref<128x64xf32, #tpu.memory_space<hbm>>) dst(%dma_wait3A_1356 : memref<128x64xf32, #tpu.memory_space<vmem>>)
    %add3A_1360 = arith.constant 2688 : i32
    %add3A_1361 = arith.addi %mul3A_2, %add3A_1360 : i32
    %dma_start3A_1362 = arith.constant 9 : i32
    %dma_start3A_1363 = arith.constant 9 : i32
    %dma_start3A_1364 = arith.constant 0 : i32
    %dma_start3A_1365 = arith.constant 0 : i32
    %dma_start3A_1366 = tpu.memref_slice %arg6[%dma_start3A_1362, %dma_start3A_1364, %dma_start3A_1365] : memref<12x128x64xf32, #tpu.memory_space<vmem>> -> memref<1x128x64xf32, #tpu.memory_space<vmem>>
    %dma_start3A_1367 = tpu.memref_squeeze %dma_start3A_1366 : memref<1x128x64xf32, #tpu.memory_space<vmem>> -> memref<128x64xf32, #tpu.memory_space<vmem>>
    %dma_start3A_1368 = arith.constant 0 : i32
    %dma_start3A_1369 = tpu.memref_slice %arg4[%add3A_1361, %dma_start3A_1368] : memref<100000x64xf32, #tpu.memory_space<hbm>> -> memref<128x64xf32, #tpu.memory_space<hbm>>
    %dma_start3A_1370 = tpu.memref_slice %arg8[%dma_start3A_1363] : memref<12x!tpu.dma_semaphore, #tpu.memory_space<semaphore_mem>> -> memref<1x!tpu.dma_semaphore, #tpu.memory_space<semaphore_mem>>
    %dma_start3A_1371 = tpu.memref_squeeze %dma_start3A_1370 : memref<1x!tpu.dma_semaphore, #tpu.memory_space<semaphore_mem>> -> memref<!tpu.dma_semaphore, #tpu.memory_space<semaphore_mem>>
    %dma_start3A_1372 = arith.constant 0 : i32
    %dma_start3A_1373 = tpu.memref_slice %arg4[%add3A_1361, %dma_start3A_1372] : memref<100000x64xf32, #tpu.memory_space<hbm>> -> memref<128x64xf32, #tpu.memory_space<hbm>>
    %dma_start3A_1374 = arith.constant 0 : i32
    %dma_start3A_1375 = arith.constant 0 : i32
    %dma_start3A_1376 = tpu.memref_slice %arg6[%dma_start3A_1362, %dma_start3A_1374, %dma_start3A_1375] : memref<12x128x64xf32, #tpu.memory_space<vmem>> -> memref<1x128x64xf32, #tpu.memory_space<vmem>>
    %dma_start3A_1377 = tpu.memref_squeeze %dma_start3A_1376 : memref<1x128x64xf32, #tpu.memory_space<vmem>> -> memref<128x64xf32, #tpu.memory_space<vmem>>
    tpu.enqueue_dma source(%dma_start3A_1377 : memref<128x64xf32, #tpu.memory_space<vmem>>) target(%dma_start3A_1373 : memref<128x64xf32, #tpu.memory_space<hbm>>) target_semaphore(%dma_start3A_1371 : memref<!tpu.dma_semaphore, #tpu.memory_space<semaphore_mem>>)
    %dma_wait3A_1378 = arith.constant 10 : i32
    %dma_wait3A_1379 = arith.constant 10 : i32
    %dma_wait3A_1380 = arith.constant 0 : i32
    %dma_wait3A_1381 = arith.constant 0 : i32
    %dma_wait3A_1382 = tpu.memref_slice %arg6[%dma_wait3A_1378, %dma_wait3A_1380, %dma_wait3A_1381] : memref<12x128x64xf32, #tpu.memory_space<vmem>> -> memref<1x128x64xf32, #tpu.memory_space<vmem>>
    %dma_wait3A_1383 = tpu.memref_squeeze %dma_wait3A_1382 : memref<1x128x64xf32, #tpu.memory_space<vmem>> -> memref<128x64xf32, #tpu.memory_space<vmem>>
    %dma_wait3A_1384 = arith.constant 0 : i32
    %dma_wait3A_1385 = arith.constant 0 : i32
    %dma_wait3A_1386 = tpu.memref_slice %arg3[%dma_wait3A_1384, %dma_wait3A_1385] : memref<1000000x64xf32, #tpu.memory_space<hbm>> -> memref<128x64xf32, #tpu.memory_space<hbm>>
    %dma_wait3A_1387 = tpu.memref_slice %arg7[%dma_wait3A_1379] : memref<12x!tpu.dma_semaphore, #tpu.memory_space<semaphore_mem>> -> memref<1x!tpu.dma_semaphore, #tpu.memory_space<semaphore_mem>>
    %dma_wait3A_1388 = tpu.memref_squeeze %dma_wait3A_1387 : memref<1x!tpu.dma_semaphore, #tpu.memory_space<semaphore_mem>> -> memref<!tpu.dma_semaphore, #tpu.memory_space<semaphore_mem>>
    %dma_wait3A_1389 = arith.constant 0 : i32
    %dma_wait3A_1390 = arith.constant 0 : i32
    %dma_wait3A_1391 = tpu.memref_slice %arg6[%dma_wait3A_1378, %dma_wait3A_1389, %dma_wait3A_1390] : memref<12x128x64xf32, #tpu.memory_space<vmem>> -> memref<1x128x64xf32, #tpu.memory_space<vmem>>
    %dma_wait3A_1392 = tpu.memref_squeeze %dma_wait3A_1391 : memref<1x128x64xf32, #tpu.memory_space<vmem>> -> memref<128x64xf32, #tpu.memory_space<vmem>>
    %dma_wait3A_1393 = arith.constant 0 : i32
    %dma_wait3A_1394 = arith.constant 0 : i32
    %dma_wait3A_1395 = tpu.memref_slice %arg3[%dma_wait3A_1393, %dma_wait3A_1394] : memref<1000000x64xf32, #tpu.memory_space<hbm>> -> memref<128x64xf32, #tpu.memory_space<hbm>>
    tpu.wait_dma2 semaphore(%dma_wait3A_1388 : memref<!tpu.dma_semaphore, #tpu.memory_space<semaphore_mem>>) src(%dma_wait3A_1395 : memref<128x64xf32, #tpu.memory_space<hbm>>) dst(%dma_wait3A_1392 : memref<128x64xf32, #tpu.memory_space<vmem>>)
    %add3A_1396 = arith.constant 2816 : i32
    %add3A_1397 = arith.addi %mul3A_2, %add3A_1396 : i32
    %dma_start3A_1398 = arith.constant 10 : i32
    %dma_start3A_1399 = arith.constant 10 : i32
    %dma_start3A_1400 = arith.constant 0 : i32
    %dma_start3A_1401 = arith.constant 0 : i32
    %dma_start3A_1402 = tpu.memref_slice %arg6[%dma_start3A_1398, %dma_start3A_1400, %dma_start3A_1401] : memref<12x128x64xf32, #tpu.memory_space<vmem>> -> memref<1x128x64xf32, #tpu.memory_space<vmem>>
    %dma_start3A_1403 = tpu.memref_squeeze %dma_start3A_1402 : memref<1x128x64xf32, #tpu.memory_space<vmem>> -> memref<128x64xf32, #tpu.memory_space<vmem>>
    %dma_start3A_1404 = arith.constant 0 : i32
    %dma_start3A_1405 = tpu.memref_slice %arg4[%add3A_1397, %dma_start3A_1404] : memref<100000x64xf32, #tpu.memory_space<hbm>> -> memref<128x64xf32, #tpu.memory_space<hbm>>
    %dma_start3A_1406 = tpu.memref_slice %arg8[%dma_start3A_1399] : memref<12x!tpu.dma_semaphore, #tpu.memory_space<semaphore_mem>> -> memref<1x!tpu.dma_semaphore, #tpu.memory_space<semaphore_mem>>
    %dma_start3A_1407 = tpu.memref_squeeze %dma_start3A_1406 : memref<1x!tpu.dma_semaphore, #tpu.memory_space<semaphore_mem>> -> memref<!tpu.dma_semaphore, #tpu.memory_space<semaphore_mem>>
    %dma_start3A_1408 = arith.constant 0 : i32
    %dma_start3A_1409 = tpu.memref_slice %arg4[%add3A_1397, %dma_start3A_1408] : memref<100000x64xf32, #tpu.memory_space<hbm>> -> memref<128x64xf32, #tpu.memory_space<hbm>>
    %dma_start3A_1410 = arith.constant 0 : i32
    %dma_start3A_1411 = arith.constant 0 : i32
    %dma_start3A_1412 = tpu.memref_slice %arg6[%dma_start3A_1398, %dma_start3A_1410, %dma_start3A_1411] : memref<12x128x64xf32, #tpu.memory_space<vmem>> -> memref<1x128x64xf32, #tpu.memory_space<vmem>>
    %dma_start3A_1413 = tpu.memref_squeeze %dma_start3A_1412 : memref<1x128x64xf32, #tpu.memory_space<vmem>> -> memref<128x64xf32, #tpu.memory_space<vmem>>
    tpu.enqueue_dma source(%dma_start3A_1413 : memref<128x64xf32, #tpu.memory_space<vmem>>) target(%dma_start3A_1409 : memref<128x64xf32, #tpu.memory_space<hbm>>) target_semaphore(%dma_start3A_1407 : memref<!tpu.dma_semaphore, #tpu.memory_space<semaphore_mem>>)
    %dma_wait3A_1414 = arith.constant 11 : i32
    %dma_wait3A_1415 = arith.constant 11 : i32
    %dma_wait3A_1416 = arith.constant 0 : i32
    %dma_wait3A_1417 = arith.constant 0 : i32
    %dma_wait3A_1418 = tpu.memref_slice %arg6[%dma_wait3A_1414, %dma_wait3A_1416, %dma_wait3A_1417] : memref<12x128x64xf32, #tpu.memory_space<vmem>> -> memref<1x128x64xf32, #tpu.memory_space<vmem>>
    %dma_wait3A_1419 = tpu.memref_squeeze %dma_wait3A_1418 : memref<1x128x64xf32, #tpu.memory_space<vmem>> -> memref<128x64xf32, #tpu.memory_space<vmem>>
    %dma_wait3A_1420 = arith.constant 0 : i32
    %dma_wait3A_1421 = arith.constant 0 : i32
    %dma_wait3A_1422 = tpu.memref_slice %arg3[%dma_wait3A_1420, %dma_wait3A_1421] : memref<1000000x64xf32, #tpu.memory_space<hbm>> -> memref<128x64xf32, #tpu.memory_space<hbm>>
    %dma_wait3A_1423 = tpu.memref_slice %arg7[%dma_wait3A_1415] : memref<12x!tpu.dma_semaphore, #tpu.memory_space<semaphore_mem>> -> memref<1x!tpu.dma_semaphore, #tpu.memory_space<semaphore_mem>>
    %dma_wait3A_1424 = tpu.memref_squeeze %dma_wait3A_1423 : memref<1x!tpu.dma_semaphore, #tpu.memory_space<semaphore_mem>> -> memref<!tpu.dma_semaphore, #tpu.memory_space<semaphore_mem>>
    %dma_wait3A_1425 = arith.constant 0 : i32
    %dma_wait3A_1426 = arith.constant 0 : i32
    %dma_wait3A_1427 = tpu.memref_slice %arg6[%dma_wait3A_1414, %dma_wait3A_1425, %dma_wait3A_1426] : memref<12x128x64xf32, #tpu.memory_space<vmem>> -> memref<1x128x64xf32, #tpu.memory_space<vmem>>
    %dma_wait3A_1428 = tpu.memref_squeeze %dma_wait3A_1427 : memref<1x128x64xf32, #tpu.memory_space<vmem>> -> memref<128x64xf32, #tpu.memory_space<vmem>>
    %dma_wait3A_1429 = arith.constant 0 : i32
    %dma_wait3A_1430 = arith.constant 0 : i32
    %dma_wait3A_1431 = tpu.memref_slice %arg3[%dma_wait3A_1429, %dma_wait3A_1430] : memref<1000000x64xf32, #tpu.memory_space<hbm>> -> memref<128x64xf32, #tpu.memory_space<hbm>>
    tpu.wait_dma2 semaphore(%dma_wait3A_1424 : memref<!tpu.dma_semaphore, #tpu.memory_space<semaphore_mem>>) src(%dma_wait3A_1431 : memref<128x64xf32, #tpu.memory_space<hbm>>) dst(%dma_wait3A_1428 : memref<128x64xf32, #tpu.memory_space<vmem>>)
    %add3A_1432 = arith.constant 2944 : i32
    %add3A_1433 = arith.addi %mul3A_2, %add3A_1432 : i32
    %dma_start3A_1434 = arith.constant 11 : i32
    %dma_start3A_1435 = arith.constant 11 : i32
    %dma_start3A_1436 = arith.constant 0 : i32
    %dma_start3A_1437 = arith.constant 0 : i32
    %dma_start3A_1438 = tpu.memref_slice %arg6[%dma_start3A_1434, %dma_start3A_1436, %dma_start3A_1437] : memref<12x128x64xf32, #tpu.memory_space<vmem>> -> memref<1x128x64xf32, #tpu.memory_space<vmem>>
    %dma_start3A_1439 = tpu.memref_squeeze %dma_start3A_1438 : memref<1x128x64xf32, #tpu.memory_space<vmem>> -> memref<128x64xf32, #tpu.memory_space<vmem>>
    %dma_start3A_1440 = arith.constant 0 : i32
    %dma_start3A_1441 = tpu.memref_slice %arg4[%add3A_1433, %dma_start3A_1440] : memref<100000x64xf32, #tpu.memory_space<hbm>> -> memref<128x64xf32, #tpu.memory_space<hbm>>
    %dma_start3A_1442 = tpu.memref_slice %arg8[%dma_start3A_1435] : memref<12x!tpu.dma_semaphore, #tpu.memory_space<semaphore_mem>> -> memref<1x!tpu.dma_semaphore, #tpu.memory_space<semaphore_mem>>
    %dma_start3A_1443 = tpu.memref_squeeze %dma_start3A_1442 : memref<1x!tpu.dma_semaphore, #tpu.memory_space<semaphore_mem>> -> memref<!tpu.dma_semaphore, #tpu.memory_space<semaphore_mem>>
    %dma_start3A_1444 = arith.constant 0 : i32
    %dma_start3A_1445 = tpu.memref_slice %arg4[%add3A_1433, %dma_start3A_1444] : memref<100000x64xf32, #tpu.memory_space<hbm>> -> memref<128x64xf32, #tpu.memory_space<hbm>>
    %dma_start3A_1446 = arith.constant 0 : i32
    %dma_start3A_1447 = arith.constant 0 : i32
    %dma_start3A_1448 = tpu.memref_slice %arg6[%dma_start3A_1434, %dma_start3A_1446, %dma_start3A_1447] : memref<12x128x64xf32, #tpu.memory_space<vmem>> -> memref<1x128x64xf32, #tpu.memory_space<vmem>>
    %dma_start3A_1449 = tpu.memref_squeeze %dma_start3A_1448 : memref<1x128x64xf32, #tpu.memory_space<vmem>> -> memref<128x64xf32, #tpu.memory_space<vmem>>
    tpu.enqueue_dma source(%dma_start3A_1449 : memref<128x64xf32, #tpu.memory_space<vmem>>) target(%dma_start3A_1445 : memref<128x64xf32, #tpu.memory_space<hbm>>) target_semaphore(%dma_start3A_1443 : memref<!tpu.dma_semaphore, #tpu.memory_space<semaphore_mem>>)
    %dma_wait3A_1450 = arith.constant 0 : i32
    %dma_wait3A_1451 = arith.constant 0 : i32
    %dma_wait3A_1452 = arith.constant 0 : i32
    %dma_wait3A_1453 = arith.constant 0 : i32
    %dma_wait3A_1454 = tpu.memref_slice %arg6[%dma_wait3A_1450, %dma_wait3A_1452, %dma_wait3A_1453] : memref<12x128x64xf32, #tpu.memory_space<vmem>> -> memref<1x128x64xf32, #tpu.memory_space<vmem>>
    %dma_wait3A_1455 = tpu.memref_squeeze %dma_wait3A_1454 : memref<1x128x64xf32, #tpu.memory_space<vmem>> -> memref<128x64xf32, #tpu.memory_space<vmem>>
    %dma_wait3A_1456 = arith.constant 0 : i32
    %dma_wait3A_1457 = arith.constant 0 : i32
    %dma_wait3A_1458 = tpu.memref_slice %arg3[%dma_wait3A_1456, %dma_wait3A_1457] : memref<1000000x64xf32, #tpu.memory_space<hbm>> -> memref<128x64xf32, #tpu.memory_space<hbm>>
    %dma_wait3A_1459 = tpu.memref_slice %arg7[%dma_wait3A_1451] : memref<12x!tpu.dma_semaphore, #tpu.memory_space<semaphore_mem>> -> memref<1x!tpu.dma_semaphore, #tpu.memory_space<semaphore_mem>>
    %dma_wait3A_1460 = tpu.memref_squeeze %dma_wait3A_1459 : memref<1x!tpu.dma_semaphore, #tpu.memory_space<semaphore_mem>> -> memref<!tpu.dma_semaphore, #tpu.memory_space<semaphore_mem>>
    %dma_wait3A_1461 = arith.constant 0 : i32
    %dma_wait3A_1462 = arith.constant 0 : i32
    %dma_wait3A_1463 = tpu.memref_slice %arg6[%dma_wait3A_1450, %dma_wait3A_1461, %dma_wait3A_1462] : memref<12x128x64xf32, #tpu.memory_space<vmem>> -> memref<1x128x64xf32, #tpu.memory_space<vmem>>
    %dma_wait3A_1464 = tpu.memref_squeeze %dma_wait3A_1463 : memref<1x128x64xf32, #tpu.memory_space<vmem>> -> memref<128x64xf32, #tpu.memory_space<vmem>>
    %dma_wait3A_1465 = arith.constant 0 : i32
    %dma_wait3A_1466 = arith.constant 0 : i32
    %dma_wait3A_1467 = tpu.memref_slice %arg3[%dma_wait3A_1465, %dma_wait3A_1466] : memref<1000000x64xf32, #tpu.memory_space<hbm>> -> memref<128x64xf32, #tpu.memory_space<hbm>>
    tpu.wait_dma2 semaphore(%dma_wait3A_1460 : memref<!tpu.dma_semaphore, #tpu.memory_space<semaphore_mem>>) src(%dma_wait3A_1467 : memref<128x64xf32, #tpu.memory_space<hbm>>) dst(%dma_wait3A_1464 : memref<128x64xf32, #tpu.memory_space<vmem>>)
    %add3A_1468 = arith.constant 3072 : i32
    %add3A_1469 = arith.addi %mul3A_2, %add3A_1468 : i32
    %dma_start3A_1470 = arith.constant 0 : i32
    %dma_start3A_1471 = arith.constant 0 : i32
    %dma_start3A_1472 = arith.constant 0 : i32
    %dma_start3A_1473 = arith.constant 0 : i32
    %dma_start3A_1474 = tpu.memref_slice %arg6[%dma_start3A_1470, %dma_start3A_1472, %dma_start3A_1473] : memref<12x128x64xf32, #tpu.memory_space<vmem>> -> memref<1x53x64xf32, #tpu.memory_space<vmem>>
    %dma_start3A_1475 = tpu.memref_squeeze %dma_start3A_1474 : memref<1x53x64xf32, #tpu.memory_space<vmem>> -> memref<53x64xf32, #tpu.memory_space<vmem>>
    %dma_start3A_1476 = arith.constant 0 : i32
    %dma_start3A_1477 = tpu.memref_slice %arg4[%add3A_1469, %dma_start3A_1476] : memref<100000x64xf32, #tpu.memory_space<hbm>> -> memref<53x64xf32, #tpu.memory_space<hbm>>
    %dma_start3A_1478 = tpu.memref_slice %arg8[%dma_start3A_1471] : memref<12x!tpu.dma_semaphore, #tpu.memory_space<semaphore_mem>> -> memref<1x!tpu.dma_semaphore, #tpu.memory_space<semaphore_mem>>
    %dma_start3A_1479 = tpu.memref_squeeze %dma_start3A_1478 : memref<1x!tpu.dma_semaphore, #tpu.memory_space<semaphore_mem>> -> memref<!tpu.dma_semaphore, #tpu.memory_space<semaphore_mem>>
    %dma_start3A_1480 = arith.constant 0 : i32
    %dma_start3A_1481 = tpu.memref_slice %arg4[%add3A_1469, %dma_start3A_1480] : memref<100000x64xf32, #tpu.memory_space<hbm>> -> memref<53x64xf32, #tpu.memory_space<hbm>>
    %dma_start3A_1482 = arith.constant 0 : i32
    %dma_start3A_1483 = arith.constant 0 : i32
    %dma_start3A_1484 = tpu.memref_slice %arg6[%dma_start3A_1470, %dma_start3A_1482, %dma_start3A_1483] : memref<12x128x64xf32, #tpu.memory_space<vmem>> -> memref<1x53x64xf32, #tpu.memory_space<vmem>>
    %dma_start3A_1485 = tpu.memref_squeeze %dma_start3A_1484 : memref<1x53x64xf32, #tpu.memory_space<vmem>> -> memref<53x64xf32, #tpu.memory_space<vmem>>
    tpu.enqueue_dma source(%dma_start3A_1485 : memref<53x64xf32, #tpu.memory_space<vmem>>) target(%dma_start3A_1481 : memref<53x64xf32, #tpu.memory_space<hbm>>) target_semaphore(%dma_start3A_1479 : memref<!tpu.dma_semaphore, #tpu.memory_space<semaphore_mem>>)
    %dma_wait3A_1486 = arith.constant 1 : i32
    %dma_wait3A_1487 = arith.constant 1 : i32
    %dma_wait3A_1488 = arith.constant 0 : i32
    %dma_wait3A_1489 = arith.constant 0 : i32
    %dma_wait3A_1490 = tpu.memref_slice %arg6[%dma_wait3A_1486, %dma_wait3A_1488, %dma_wait3A_1489] : memref<12x128x64xf32, #tpu.memory_space<vmem>> -> memref<1x128x64xf32, #tpu.memory_space<vmem>>
    %dma_wait3A_1491 = tpu.memref_squeeze %dma_wait3A_1490 : memref<1x128x64xf32, #tpu.memory_space<vmem>> -> memref<128x64xf32, #tpu.memory_space<vmem>>
    %dma_wait3A_1492 = arith.constant 0 : i32
    %dma_wait3A_1493 = tpu.memref_slice %arg4[%mul3A_2, %dma_wait3A_1492] : memref<100000x64xf32, #tpu.memory_space<hbm>> -> memref<128x64xf32, #tpu.memory_space<hbm>>
    %dma_wait3A_1494 = tpu.memref_slice %arg8[%dma_wait3A_1487] : memref<12x!tpu.dma_semaphore, #tpu.memory_space<semaphore_mem>> -> memref<1x!tpu.dma_semaphore, #tpu.memory_space<semaphore_mem>>
    %dma_wait3A_1495 = tpu.memref_squeeze %dma_wait3A_1494 : memref<1x!tpu.dma_semaphore, #tpu.memory_space<semaphore_mem>> -> memref<!tpu.dma_semaphore, #tpu.memory_space<semaphore_mem>>
    %dma_wait3A_1496 = arith.constant 0 : i32
    %dma_wait3A_1497 = tpu.memref_slice %arg4[%mul3A_2, %dma_wait3A_1496] : memref<100000x64xf32, #tpu.memory_space<hbm>> -> memref<128x64xf32, #tpu.memory_space<hbm>>
    %dma_wait3A_1498 = arith.constant 0 : i32
    %dma_wait3A_1499 = arith.constant 0 : i32
    %dma_wait3A_1500 = tpu.memref_slice %arg6[%dma_wait3A_1486, %dma_wait3A_1498, %dma_wait3A_1499] : memref<12x128x64xf32, #tpu.memory_space<vmem>> -> memref<1x128x64xf32, #tpu.memory_space<vmem>>
    %dma_wait3A_1501 = tpu.memref_squeeze %dma_wait3A_1500 : memref<1x128x64xf32, #tpu.memory_space<vmem>> -> memref<128x64xf32, #tpu.memory_space<vmem>>
    tpu.wait_dma2 semaphore(%dma_wait3A_1495 : memref<!tpu.dma_semaphore, #tpu.memory_space<semaphore_mem>>) src(%dma_wait3A_1501 : memref<128x64xf32, #tpu.memory_space<vmem>>) dst(%dma_wait3A_1497 : memref<128x64xf32, #tpu.memory_space<hbm>>)
    %dma_wait3A_1502 = arith.constant 2 : i32
    %dma_wait3A_1503 = arith.constant 2 : i32
    %dma_wait3A_1504 = arith.constant 0 : i32
    %dma_wait3A_1505 = arith.constant 0 : i32
    %dma_wait3A_1506 = tpu.memref_slice %arg6[%dma_wait3A_1502, %dma_wait3A_1504, %dma_wait3A_1505] : memref<12x128x64xf32, #tpu.memory_space<vmem>> -> memref<1x128x64xf32, #tpu.memory_space<vmem>>
    %dma_wait3A_1507 = tpu.memref_squeeze %dma_wait3A_1506 : memref<1x128x64xf32, #tpu.memory_space<vmem>> -> memref<128x64xf32, #tpu.memory_space<vmem>>
    %dma_wait3A_1508 = arith.constant 0 : i32
    %dma_wait3A_1509 = tpu.memref_slice %arg4[%mul3A_2, %dma_wait3A_1508] : memref<100000x64xf32, #tpu.memory_space<hbm>> -> memref<128x64xf32, #tpu.memory_space<hbm>>
    %dma_wait3A_1510 = tpu.memref_slice %arg8[%dma_wait3A_1503] : memref<12x!tpu.dma_semaphore, #tpu.memory_space<semaphore_mem>> -> memref<1x!tpu.dma_semaphore, #tpu.memory_space<semaphore_mem>>
    %dma_wait3A_1511 = tpu.memref_squeeze %dma_wait3A_1510 : memref<1x!tpu.dma_semaphore, #tpu.memory_space<semaphore_mem>> -> memref<!tpu.dma_semaphore, #tpu.memory_space<semaphore_mem>>
    %dma_wait3A_1512 = arith.constant 0 : i32
    %dma_wait3A_1513 = tpu.memref_slice %arg4[%mul3A_2, %dma_wait3A_1512] : memref<100000x64xf32, #tpu.memory_space<hbm>> -> memref<128x64xf32, #tpu.memory_space<hbm>>
    %dma_wait3A_1514 = arith.constant 0 : i32
    %dma_wait3A_1515 = arith.constant 0 : i32
    %dma_wait3A_1516 = tpu.memref_slice %arg6[%dma_wait3A_1502, %dma_wait3A_1514, %dma_wait3A_1515] : memref<12x128x64xf32, #tpu.memory_space<vmem>> -> memref<1x128x64xf32, #tpu.memory_space<vmem>>
    %dma_wait3A_1517 = tpu.memref_squeeze %dma_wait3A_1516 : memref<1x128x64xf32, #tpu.memory_space<vmem>> -> memref<128x64xf32, #tpu.memory_space<vmem>>
    tpu.wait_dma2 semaphore(%dma_wait3A_1511 : memref<!tpu.dma_semaphore, #tpu.memory_space<semaphore_mem>>) src(%dma_wait3A_1517 : memref<128x64xf32, #tpu.memory_space<vmem>>) dst(%dma_wait3A_1513 : memref<128x64xf32, #tpu.memory_space<hbm>>)
    %dma_wait3A_1518 = arith.constant 3 : i32
    %dma_wait3A_1519 = arith.constant 3 : i32
    %dma_wait3A_1520 = arith.constant 0 : i32
    %dma_wait3A_1521 = arith.constant 0 : i32
    %dma_wait3A_1522 = tpu.memref_slice %arg6[%dma_wait3A_1518, %dma_wait3A_1520, %dma_wait3A_1521] : memref<12x128x64xf32, #tpu.memory_space<vmem>> -> memref<1x128x64xf32, #tpu.memory_space<vmem>>
    %dma_wait3A_1523 = tpu.memref_squeeze %dma_wait3A_1522 : memref<1x128x64xf32, #tpu.memory_space<vmem>> -> memref<128x64xf32, #tpu.memory_space<vmem>>
    %dma_wait3A_1524 = arith.constant 0 : i32
    %dma_wait3A_1525 = tpu.memref_slice %arg4[%mul3A_2, %dma_wait3A_1524] : memref<100000x64xf32, #tpu.memory_space<hbm>> -> memref<128x64xf32, #tpu.memory_space<hbm>>
    %dma_wait3A_1526 = tpu.memref_slice %arg8[%dma_wait3A_1519] : memref<12x!tpu.dma_semaphore, #tpu.memory_space<semaphore_mem>> -> memref<1x!tpu.dma_semaphore, #tpu.memory_space<semaphore_mem>>
    %dma_wait3A_1527 = tpu.memref_squeeze %dma_wait3A_1526 : memref<1x!tpu.dma_semaphore, #tpu.memory_space<semaphore_mem>> -> memref<!tpu.dma_semaphore, #tpu.memory_space<semaphore_mem>>
    %dma_wait3A_1528 = arith.constant 0 : i32
    %dma_wait3A_1529 = tpu.memref_slice %arg4[%mul3A_2, %dma_wait3A_1528] : memref<100000x64xf32, #tpu.memory_space<hbm>> -> memref<128x64xf32, #tpu.memory_space<hbm>>
    %dma_wait3A_1530 = arith.constant 0 : i32
    %dma_wait3A_1531 = arith.constant 0 : i32
    %dma_wait3A_1532 = tpu.memref_slice %arg6[%dma_wait3A_1518, %dma_wait3A_1530, %dma_wait3A_1531] : memref<12x128x64xf32, #tpu.memory_space<vmem>> -> memref<1x128x64xf32, #tpu.memory_space<vmem>>
    %dma_wait3A_1533 = tpu.memref_squeeze %dma_wait3A_1532 : memref<1x128x64xf32, #tpu.memory_space<vmem>> -> memref<128x64xf32, #tpu.memory_space<vmem>>
    tpu.wait_dma2 semaphore(%dma_wait3A_1527 : memref<!tpu.dma_semaphore, #tpu.memory_space<semaphore_mem>>) src(%dma_wait3A_1533 : memref<128x64xf32, #tpu.memory_space<vmem>>) dst(%dma_wait3A_1529 : memref<128x64xf32, #tpu.memory_space<hbm>>)
    %dma_wait3A_1534 = arith.constant 4 : i32
    %dma_wait3A_1535 = arith.constant 4 : i32
    %dma_wait3A_1536 = arith.constant 0 : i32
    %dma_wait3A_1537 = arith.constant 0 : i32
    %dma_wait3A_1538 = tpu.memref_slice %arg6[%dma_wait3A_1534, %dma_wait3A_1536, %dma_wait3A_1537] : memref<12x128x64xf32, #tpu.memory_space<vmem>> -> memref<1x128x64xf32, #tpu.memory_space<vmem>>
    %dma_wait3A_1539 = tpu.memref_squeeze %dma_wait3A_1538 : memref<1x128x64xf32, #tpu.memory_space<vmem>> -> memref<128x64xf32, #tpu.memory_space<vmem>>
    %dma_wait3A_1540 = arith.constant 0 : i32
    %dma_wait3A_1541 = tpu.memref_slice %arg4[%mul3A_2, %dma_wait3A_1540] : memref<100000x64xf32, #tpu.memory_space<hbm>> -> memref<128x64xf32, #tpu.memory_space<hbm>>
    %dma_wait3A_1542 = tpu.memref_slice %arg8[%dma_wait3A_1535] : memref<12x!tpu.dma_semaphore, #tpu.memory_space<semaphore_mem>> -> memref<1x!tpu.dma_semaphore, #tpu.memory_space<semaphore_mem>>
    %dma_wait3A_1543 = tpu.memref_squeeze %dma_wait3A_1542 : memref<1x!tpu.dma_semaphore, #tpu.memory_space<semaphore_mem>> -> memref<!tpu.dma_semaphore, #tpu.memory_space<semaphore_mem>>
    %dma_wait3A_1544 = arith.constant 0 : i32
    %dma_wait3A_1545 = tpu.memref_slice %arg4[%mul3A_2, %dma_wait3A_1544] : memref<100000x64xf32, #tpu.memory_space<hbm>> -> memref<128x64xf32, #tpu.memory_space<hbm>>
    %dma_wait3A_1546 = arith.constant 0 : i32
    %dma_wait3A_1547 = arith.constant 0 : i32
    %dma_wait3A_1548 = tpu.memref_slice %arg6[%dma_wait3A_1534, %dma_wait3A_1546, %dma_wait3A_1547] : memref<12x128x64xf32, #tpu.memory_space<vmem>> -> memref<1x128x64xf32, #tpu.memory_space<vmem>>
    %dma_wait3A_1549 = tpu.memref_squeeze %dma_wait3A_1548 : memref<1x128x64xf32, #tpu.memory_space<vmem>> -> memref<128x64xf32, #tpu.memory_space<vmem>>
    tpu.wait_dma2 semaphore(%dma_wait3A_1543 : memref<!tpu.dma_semaphore, #tpu.memory_space<semaphore_mem>>) src(%dma_wait3A_1549 : memref<128x64xf32, #tpu.memory_space<vmem>>) dst(%dma_wait3A_1545 : memref<128x64xf32, #tpu.memory_space<hbm>>)
    %dma_wait3A_1550 = arith.constant 5 : i32
    %dma_wait3A_1551 = arith.constant 5 : i32
    %dma_wait3A_1552 = arith.constant 0 : i32
    %dma_wait3A_1553 = arith.constant 0 : i32
    %dma_wait3A_1554 = tpu.memref_slice %arg6[%dma_wait3A_1550, %dma_wait3A_1552, %dma_wait3A_1553] : memref<12x128x64xf32, #tpu.memory_space<vmem>> -> memref<1x128x64xf32, #tpu.memory_space<vmem>>
    %dma_wait3A_1555 = tpu.memref_squeeze %dma_wait3A_1554 : memref<1x128x64xf32, #tpu.memory_space<vmem>> -> memref<128x64xf32, #tpu.memory_space<vmem>>
    %dma_wait3A_1556 = arith.constant 0 : i32
    %dma_wait3A_1557 = tpu.memref_slice %arg4[%mul3A_2, %dma_wait3A_1556] : memref<100000x64xf32, #tpu.memory_space<hbm>> -> memref<128x64xf32, #tpu.memory_space<hbm>>
    %dma_wait3A_1558 = tpu.memref_slice %arg8[%dma_wait3A_1551] : memref<12x!tpu.dma_semaphore, #tpu.memory_space<semaphore_mem>> -> memref<1x!tpu.dma_semaphore, #tpu.memory_space<semaphore_mem>>
    %dma_wait3A_1559 = tpu.memref_squeeze %dma_wait3A_1558 : memref<1x!tpu.dma_semaphore, #tpu.memory_space<semaphore_mem>> -> memref<!tpu.dma_semaphore, #tpu.memory_space<semaphore_mem>>
    %dma_wait3A_1560 = arith.constant 0 : i32
    %dma_wait3A_1561 = tpu.memref_slice %arg4[%mul3A_2, %dma_wait3A_1560] : memref<100000x64xf32, #tpu.memory_space<hbm>> -> memref<128x64xf32, #tpu.memory_space<hbm>>
    %dma_wait3A_1562 = arith.constant 0 : i32
    %dma_wait3A_1563 = arith.constant 0 : i32
    %dma_wait3A_1564 = tpu.memref_slice %arg6[%dma_wait3A_1550, %dma_wait3A_1562, %dma_wait3A_1563] : memref<12x128x64xf32, #tpu.memory_space<vmem>> -> memref<1x128x64xf32, #tpu.memory_space<vmem>>
    %dma_wait3A_1565 = tpu.memref_squeeze %dma_wait3A_1564 : memref<1x128x64xf32, #tpu.memory_space<vmem>> -> memref<128x64xf32, #tpu.memory_space<vmem>>
    tpu.wait_dma2 semaphore(%dma_wait3A_1559 : memref<!tpu.dma_semaphore, #tpu.memory_space<semaphore_mem>>) src(%dma_wait3A_1565 : memref<128x64xf32, #tpu.memory_space<vmem>>) dst(%dma_wait3A_1561 : memref<128x64xf32, #tpu.memory_space<hbm>>)
    %dma_wait3A_1566 = arith.constant 6 : i32
    %dma_wait3A_1567 = arith.constant 6 : i32
    %dma_wait3A_1568 = arith.constant 0 : i32
    %dma_wait3A_1569 = arith.constant 0 : i32
    %dma_wait3A_1570 = tpu.memref_slice %arg6[%dma_wait3A_1566, %dma_wait3A_1568, %dma_wait3A_1569] : memref<12x128x64xf32, #tpu.memory_space<vmem>> -> memref<1x128x64xf32, #tpu.memory_space<vmem>>
    %dma_wait3A_1571 = tpu.memref_squeeze %dma_wait3A_1570 : memref<1x128x64xf32, #tpu.memory_space<vmem>> -> memref<128x64xf32, #tpu.memory_space<vmem>>
    %dma_wait3A_1572 = arith.constant 0 : i32
    %dma_wait3A_1573 = tpu.memref_slice %arg4[%mul3A_2, %dma_wait3A_1572] : memref<100000x64xf32, #tpu.memory_space<hbm>> -> memref<128x64xf32, #tpu.memory_space<hbm>>
    %dma_wait3A_1574 = tpu.memref_slice %arg8[%dma_wait3A_1567] : memref<12x!tpu.dma_semaphore, #tpu.memory_space<semaphore_mem>> -> memref<1x!tpu.dma_semaphore, #tpu.memory_space<semaphore_mem>>
    %dma_wait3A_1575 = tpu.memref_squeeze %dma_wait3A_1574 : memref<1x!tpu.dma_semaphore, #tpu.memory_space<semaphore_mem>> -> memref<!tpu.dma_semaphore, #tpu.memory_space<semaphore_mem>>
    %dma_wait3A_1576 = arith.constant 0 : i32
    %dma_wait3A_1577 = tpu.memref_slice %arg4[%mul3A_2, %dma_wait3A_1576] : memref<100000x64xf32, #tpu.memory_space<hbm>> -> memref<128x64xf32, #tpu.memory_space<hbm>>
    %dma_wait3A_1578 = arith.constant 0 : i32
    %dma_wait3A_1579 = arith.constant 0 : i32
    %dma_wait3A_1580 = tpu.memref_slice %arg6[%dma_wait3A_1566, %dma_wait3A_1578, %dma_wait3A_1579] : memref<12x128x64xf32, #tpu.memory_space<vmem>> -> memref<1x128x64xf32, #tpu.memory_space<vmem>>
    %dma_wait3A_1581 = tpu.memref_squeeze %dma_wait3A_1580 : memref<1x128x64xf32, #tpu.memory_space<vmem>> -> memref<128x64xf32, #tpu.memory_space<vmem>>
    tpu.wait_dma2 semaphore(%dma_wait3A_1575 : memref<!tpu.dma_semaphore, #tpu.memory_space<semaphore_mem>>) src(%dma_wait3A_1581 : memref<128x64xf32, #tpu.memory_space<vmem>>) dst(%dma_wait3A_1577 : memref<128x64xf32, #tpu.memory_space<hbm>>)
    %dma_wait3A_1582 = arith.constant 7 : i32
    %dma_wait3A_1583 = arith.constant 7 : i32
    %dma_wait3A_1584 = arith.constant 0 : i32
    %dma_wait3A_1585 = arith.constant 0 : i32
    %dma_wait3A_1586 = tpu.memref_slice %arg6[%dma_wait3A_1582, %dma_wait3A_1584, %dma_wait3A_1585] : memref<12x128x64xf32, #tpu.memory_space<vmem>> -> memref<1x128x64xf32, #tpu.memory_space<vmem>>
    %dma_wait3A_1587 = tpu.memref_squeeze %dma_wait3A_1586 : memref<1x128x64xf32, #tpu.memory_space<vmem>> -> memref<128x64xf32, #tpu.memory_space<vmem>>
    %dma_wait3A_1588 = arith.constant 0 : i32
    %dma_wait3A_1589 = tpu.memref_slice %arg4[%mul3A_2, %dma_wait3A_1588] : memref<100000x64xf32, #tpu.memory_space<hbm>> -> memref<128x64xf32, #tpu.memory_space<hbm>>
    %dma_wait3A_1590 = tpu.memref_slice %arg8[%dma_wait3A_1583] : memref<12x!tpu.dma_semaphore, #tpu.memory_space<semaphore_mem>> -> memref<1x!tpu.dma_semaphore, #tpu.memory_space<semaphore_mem>>
    %dma_wait3A_1591 = tpu.memref_squeeze %dma_wait3A_1590 : memref<1x!tpu.dma_semaphore, #tpu.memory_space<semaphore_mem>> -> memref<!tpu.dma_semaphore, #tpu.memory_space<semaphore_mem>>
    %dma_wait3A_1592 = arith.constant 0 : i32
    %dma_wait3A_1593 = tpu.memref_slice %arg4[%mul3A_2, %dma_wait3A_1592] : memref<100000x64xf32, #tpu.memory_space<hbm>> -> memref<128x64xf32, #tpu.memory_space<hbm>>
    %dma_wait3A_1594 = arith.constant 0 : i32
    %dma_wait3A_1595 = arith.constant 0 : i32
    %dma_wait3A_1596 = tpu.memref_slice %arg6[%dma_wait3A_1582, %dma_wait3A_1594, %dma_wait3A_1595] : memref<12x128x64xf32, #tpu.memory_space<vmem>> -> memref<1x128x64xf32, #tpu.memory_space<vmem>>
    %dma_wait3A_1597 = tpu.memref_squeeze %dma_wait3A_1596 : memref<1x128x64xf32, #tpu.memory_space<vmem>> -> memref<128x64xf32, #tpu.memory_space<vmem>>
    tpu.wait_dma2 semaphore(%dma_wait3A_1591 : memref<!tpu.dma_semaphore, #tpu.memory_space<semaphore_mem>>) src(%dma_wait3A_1597 : memref<128x64xf32, #tpu.memory_space<vmem>>) dst(%dma_wait3A_1593 : memref<128x64xf32, #tpu.memory_space<hbm>>)
    %dma_wait3A_1598 = arith.constant 8 : i32
    %dma_wait3A_1599 = arith.constant 8 : i32
    %dma_wait3A_1600 = arith.constant 0 : i32
    %dma_wait3A_1601 = arith.constant 0 : i32
    %dma_wait3A_1602 = tpu.memref_slice %arg6[%dma_wait3A_1598, %dma_wait3A_1600, %dma_wait3A_1601] : memref<12x128x64xf32, #tpu.memory_space<vmem>> -> memref<1x128x64xf32, #tpu.memory_space<vmem>>
    %dma_wait3A_1603 = tpu.memref_squeeze %dma_wait3A_1602 : memref<1x128x64xf32, #tpu.memory_space<vmem>> -> memref<128x64xf32, #tpu.memory_space<vmem>>
    %dma_wait3A_1604 = arith.constant 0 : i32
    %dma_wait3A_1605 = tpu.memref_slice %arg4[%mul3A_2, %dma_wait3A_1604] : memref<100000x64xf32, #tpu.memory_space<hbm>> -> memref<128x64xf32, #tpu.memory_space<hbm>>
    %dma_wait3A_1606 = tpu.memref_slice %arg8[%dma_wait3A_1599] : memref<12x!tpu.dma_semaphore, #tpu.memory_space<semaphore_mem>> -> memref<1x!tpu.dma_semaphore, #tpu.memory_space<semaphore_mem>>
    %dma_wait3A_1607 = tpu.memref_squeeze %dma_wait3A_1606 : memref<1x!tpu.dma_semaphore, #tpu.memory_space<semaphore_mem>> -> memref<!tpu.dma_semaphore, #tpu.memory_space<semaphore_mem>>
    %dma_wait3A_1608 = arith.constant 0 : i32
    %dma_wait3A_1609 = tpu.memref_slice %arg4[%mul3A_2, %dma_wait3A_1608] : memref<100000x64xf32, #tpu.memory_space<hbm>> -> memref<128x64xf32, #tpu.memory_space<hbm>>
    %dma_wait3A_1610 = arith.constant 0 : i32
    %dma_wait3A_1611 = arith.constant 0 : i32
    %dma_wait3A_1612 = tpu.memref_slice %arg6[%dma_wait3A_1598, %dma_wait3A_1610, %dma_wait3A_1611] : memref<12x128x64xf32, #tpu.memory_space<vmem>> -> memref<1x128x64xf32, #tpu.memory_space<vmem>>
    %dma_wait3A_1613 = tpu.memref_squeeze %dma_wait3A_1612 : memref<1x128x64xf32, #tpu.memory_space<vmem>> -> memref<128x64xf32, #tpu.memory_space<vmem>>
    tpu.wait_dma2 semaphore(%dma_wait3A_1607 : memref<!tpu.dma_semaphore, #tpu.memory_space<semaphore_mem>>) src(%dma_wait3A_1613 : memref<128x64xf32, #tpu.memory_space<vmem>>) dst(%dma_wait3A_1609 : memref<128x64xf32, #tpu.memory_space<hbm>>)
    %dma_wait3A_1614 = arith.constant 9 : i32
    %dma_wait3A_1615 = arith.constant 9 : i32
    %dma_wait3A_1616 = arith.constant 0 : i32
    %dma_wait3A_1617 = arith.constant 0 : i32
    %dma_wait3A_1618 = tpu.memref_slice %arg6[%dma_wait3A_1614, %dma_wait3A_1616, %dma_wait3A_1617] : memref<12x128x64xf32, #tpu.memory_space<vmem>> -> memref<1x128x64xf32, #tpu.memory_space<vmem>>
    %dma_wait3A_1619 = tpu.memref_squeeze %dma_wait3A_1618 : memref<1x128x64xf32, #tpu.memory_space<vmem>> -> memref<128x64xf32, #tpu.memory_space<vmem>>
    %dma_wait3A_1620 = arith.constant 0 : i32
    %dma_wait3A_1621 = tpu.memref_slice %arg4[%mul3A_2, %dma_wait3A_1620] : memref<100000x64xf32, #tpu.memory_space<hbm>> -> memref<128x64xf32, #tpu.memory_space<hbm>>
    %dma_wait3A_1622 = tpu.memref_slice %arg8[%dma_wait3A_1615] : memref<12x!tpu.dma_semaphore, #tpu.memory_space<semaphore_mem>> -> memref<1x!tpu.dma_semaphore, #tpu.memory_space<semaphore_mem>>
    %dma_wait3A_1623 = tpu.memref_squeeze %dma_wait3A_1622 : memref<1x!tpu.dma_semaphore, #tpu.memory_space<semaphore_mem>> -> memref<!tpu.dma_semaphore, #tpu.memory_space<semaphore_mem>>
    %dma_wait3A_1624 = arith.constant 0 : i32
    %dma_wait3A_1625 = tpu.memref_slice %arg4[%mul3A_2, %dma_wait3A_1624] : memref<100000x64xf32, #tpu.memory_space<hbm>> -> memref<128x64xf32, #tpu.memory_space<hbm>>
    %dma_wait3A_1626 = arith.constant 0 : i32
    %dma_wait3A_1627 = arith.constant 0 : i32
    %dma_wait3A_1628 = tpu.memref_slice %arg6[%dma_wait3A_1614, %dma_wait3A_1626, %dma_wait3A_1627] : memref<12x128x64xf32, #tpu.memory_space<vmem>> -> memref<1x128x64xf32, #tpu.memory_space<vmem>>
    %dma_wait3A_1629 = tpu.memref_squeeze %dma_wait3A_1628 : memref<1x128x64xf32, #tpu.memory_space<vmem>> -> memref<128x64xf32, #tpu.memory_space<vmem>>
    tpu.wait_dma2 semaphore(%dma_wait3A_1623 : memref<!tpu.dma_semaphore, #tpu.memory_space<semaphore_mem>>) src(%dma_wait3A_1629 : memref<128x64xf32, #tpu.memory_space<vmem>>) dst(%dma_wait3A_1625 : memref<128x64xf32, #tpu.memory_space<hbm>>)
    %dma_wait3A_1630 = arith.constant 10 : i32
    %dma_wait3A_1631 = arith.constant 10 : i32
    %dma_wait3A_1632 = arith.constant 0 : i32
    %dma_wait3A_1633 = arith.constant 0 : i32
    %dma_wait3A_1634 = tpu.memref_slice %arg6[%dma_wait3A_1630, %dma_wait3A_1632, %dma_wait3A_1633] : memref<12x128x64xf32, #tpu.memory_space<vmem>> -> memref<1x128x64xf32, #tpu.memory_space<vmem>>
    %dma_wait3A_1635 = tpu.memref_squeeze %dma_wait3A_1634 : memref<1x128x64xf32, #tpu.memory_space<vmem>> -> memref<128x64xf32, #tpu.memory_space<vmem>>
    %dma_wait3A_1636 = arith.constant 0 : i32
    %dma_wait3A_1637 = tpu.memref_slice %arg4[%mul3A_2, %dma_wait3A_1636] : memref<100000x64xf32, #tpu.memory_space<hbm>> -> memref<128x64xf32, #tpu.memory_space<hbm>>
    %dma_wait3A_1638 = tpu.memref_slice %arg8[%dma_wait3A_1631] : memref<12x!tpu.dma_semaphore, #tpu.memory_space<semaphore_mem>> -> memref<1x!tpu.dma_semaphore, #tpu.memory_space<semaphore_mem>>
    %dma_wait3A_1639 = tpu.memref_squeeze %dma_wait3A_1638 : memref<1x!tpu.dma_semaphore, #tpu.memory_space<semaphore_mem>> -> memref<!tpu.dma_semaphore, #tpu.memory_space<semaphore_mem>>
    %dma_wait3A_1640 = arith.constant 0 : i32
    %dma_wait3A_1641 = tpu.memref_slice %arg4[%mul3A_2, %dma_wait3A_1640] : memref<100000x64xf32, #tpu.memory_space<hbm>> -> memref<128x64xf32, #tpu.memory_space<hbm>>
    %dma_wait3A_1642 = arith.constant 0 : i32
    %dma_wait3A_1643 = arith.constant 0 : i32
    %dma_wait3A_1644 = tpu.memref_slice %arg6[%dma_wait3A_1630, %dma_wait3A_1642, %dma_wait3A_1643] : memref<12x128x64xf32, #tpu.memory_space<vmem>> -> memref<1x128x64xf32, #tpu.memory_space<vmem>>
    %dma_wait3A_1645 = tpu.memref_squeeze %dma_wait3A_1644 : memref<1x128x64xf32, #tpu.memory_space<vmem>> -> memref<128x64xf32, #tpu.memory_space<vmem>>
    tpu.wait_dma2 semaphore(%dma_wait3A_1639 : memref<!tpu.dma_semaphore, #tpu.memory_space<semaphore_mem>>) src(%dma_wait3A_1645 : memref<128x64xf32, #tpu.memory_space<vmem>>) dst(%dma_wait3A_1641 : memref<128x64xf32, #tpu.memory_space<hbm>>)
    %dma_wait3A_1646 = arith.constant 11 : i32
    %dma_wait3A_1647 = arith.constant 11 : i32
    %dma_wait3A_1648 = arith.constant 0 : i32
    %dma_wait3A_1649 = arith.constant 0 : i32
    %dma_wait3A_1650 = tpu.memref_slice %arg6[%dma_wait3A_1646, %dma_wait3A_1648, %dma_wait3A_1649] : memref<12x128x64xf32, #tpu.memory_space<vmem>> -> memref<1x128x64xf32, #tpu.memory_space<vmem>>
    %dma_wait3A_1651 = tpu.memref_squeeze %dma_wait3A_1650 : memref<1x128x64xf32, #tpu.memory_space<vmem>> -> memref<128x64xf32, #tpu.memory_space<vmem>>
    %dma_wait3A_1652 = arith.constant 0 : i32
    %dma_wait3A_1653 = tpu.memref_slice %arg4[%mul3A_2, %dma_wait3A_1652] : memref<100000x64xf32, #tpu.memory_space<hbm>> -> memref<128x64xf32, #tpu.memory_space<hbm>>
    %dma_wait3A_1654 = tpu.memref_slice %arg8[%dma_wait3A_1647] : memref<12x!tpu.dma_semaphore, #tpu.memory_space<semaphore_mem>> -> memref<1x!tpu.dma_semaphore, #tpu.memory_space<semaphore_mem>>
    %dma_wait3A_1655 = tpu.memref_squeeze %dma_wait3A_1654 : memref<1x!tpu.dma_semaphore, #tpu.memory_space<semaphore_mem>> -> memref<!tpu.dma_semaphore, #tpu.memory_space<semaphore_mem>>
    %dma_wait3A_1656 = arith.constant 0 : i32
    %dma_wait3A_1657 = tpu.memref_slice %arg4[%mul3A_2, %dma_wait3A_1656] : memref<100000x64xf32, #tpu.memory_space<hbm>> -> memref<128x64xf32, #tpu.memory_space<hbm>>
    %dma_wait3A_1658 = arith.constant 0 : i32
    %dma_wait3A_1659 = arith.constant 0 : i32
    %dma_wait3A_1660 = tpu.memref_slice %arg6[%dma_wait3A_1646, %dma_wait3A_1658, %dma_wait3A_1659] : memref<12x128x64xf32, #tpu.memory_space<vmem>> -> memref<1x128x64xf32, #tpu.memory_space<vmem>>
    %dma_wait3A_1661 = tpu.memref_squeeze %dma_wait3A_1660 : memref<1x128x64xf32, #tpu.memory_space<vmem>> -> memref<128x64xf32, #tpu.memory_space<vmem>>
    tpu.wait_dma2 semaphore(%dma_wait3A_1655 : memref<!tpu.dma_semaphore, #tpu.memory_space<semaphore_mem>>) src(%dma_wait3A_1661 : memref<128x64xf32, #tpu.memory_space<vmem>>) dst(%dma_wait3A_1657 : memref<128x64xf32, #tpu.memory_space<hbm>>)
    %dma_wait3A_1662 = arith.constant 0 : i32
    %dma_wait3A_1663 = arith.constant 0 : i32
    %dma_wait3A_1664 = arith.constant 0 : i32
    %dma_wait3A_1665 = arith.constant 0 : i32
    %dma_wait3A_1666 = tpu.memref_slice %arg6[%dma_wait3A_1662, %dma_wait3A_1664, %dma_wait3A_1665] : memref<12x128x64xf32, #tpu.memory_space<vmem>> -> memref<1x53x64xf32, #tpu.memory_space<vmem>>
    %dma_wait3A_1667 = tpu.memref_squeeze %dma_wait3A_1666 : memref<1x53x64xf32, #tpu.memory_space<vmem>> -> memref<53x64xf32, #tpu.memory_space<vmem>>
    %dma_wait3A_1668 = arith.constant 0 : i32
    %dma_wait3A_1669 = tpu.memref_slice %arg4[%mul3A_2, %dma_wait3A_1668] : memref<100000x64xf32, #tpu.memory_space<hbm>> -> memref<53x64xf32, #tpu.memory_space<hbm>>
    %dma_wait3A_1670 = tpu.memref_slice %arg8[%dma_wait3A_1663] : memref<12x!tpu.dma_semaphore, #tpu.memory_space<semaphore_mem>> -> memref<1x!tpu.dma_semaphore, #tpu.memory_space<semaphore_mem>>
    %dma_wait3A_1671 = tpu.memref_squeeze %dma_wait3A_1670 : memref<1x!tpu.dma_semaphore, #tpu.memory_space<semaphore_mem>> -> memref<!tpu.dma_semaphore, #tpu.memory_space<semaphore_mem>>
    %dma_wait3A_1672 = arith.constant 0 : i32
    %dma_wait3A_1673 = tpu.memref_slice %arg4[%mul3A_2, %dma_wait3A_1672] : memref<100000x64xf32, #tpu.memory_space<hbm>> -> memref<53x64xf32, #tpu.memory_space<hbm>>
    %dma_wait3A_1674 = arith.constant 0 : i32
    %dma_wait3A_1675 = arith.constant 0 : i32
    %dma_wait3A_1676 = tpu.memref_slice %arg6[%dma_wait3A_1662, %dma_wait3A_1674, %dma_wait3A_1675] : memref<12x128x64xf32, #tpu.memory_space<vmem>> -> memref<1x53x64xf32, #tpu.memory_space<vmem>>
    %dma_wait3A_1677 = tpu.memref_squeeze %dma_wait3A_1676 : memref<1x53x64xf32, #tpu.memory_space<vmem>> -> memref<53x64xf32, #tpu.memory_space<vmem>>
    tpu.wait_dma2 semaphore(%dma_wait3A_1671 : memref<!tpu.dma_semaphore, #tpu.memory_space<semaphore_mem>>) src(%dma_wait3A_1677 : memref<53x64xf32, #tpu.memory_space<vmem>>) dst(%dma_wait3A_1673 : memref<53x64xf32, #tpu.memory_space<hbm>>)
    return
  }
}

</mosaic_0001>

<sc_bundles>
// kernel: _embed_gather.3.cloned.1.call-start
scs
__scs_entry_jumppad:
0x0: {  	(pc) =	sbr.rel $0x88, $3  }
0x1: {  	(tag) =	ssettag $0x0;
	lr =	simm.s32 $0x1  }
0x2: {  	[smem:$0x3F9F] =	sst lr;
	_ =	strace $0xD0000000  }
0x3: {  	_ = 	snop  }
0x4: {  	_ = 	snop  }
0x5: {  	_ = 	snop  }
0x6: {  	_ = 	snop  }
0x7: {  	_ = 	snop  }
__scs_overlays_trampoline_lowered:
0x8: {  	[smem:$0x3FAE] =	sst s0  }
0x9: {  	[smem:$0x3FAF] =	sst s1  }
0xa: {  	[smem:$0x3FB0] =	sst s2  }
0xb: {  	[smem:$0x3FB1] =	sst s3  }
0xc: {  	[smem:$0x3FB2] =	sst s4  }
0xd: {  	[smem:$0x3FB3] =	sst s5  }
0xe: {  	[smem:$0x3FB4] =	sst s6  }
0xf: {  	[smem:$0x3FB5] =	sst s7  }
0x10: {  	[smem:$0x3FB6] =	sst s8  }
0x11: {  	[smem:$0x3FB7] =	sst s9;
	s0 =	simm.s32 @!p0 $0x0  }
0x12: {  	s1 =	sld [smem:$0x3F9D];
	s0 =	simm.s32 @p0 $0x1  }
0x13: {  	[smem:$0x3FB8] =	sst s0;
	s0 =	simm.s32 @!p1 $0x0  }
0x14: {  	s2 =	sld [smem:$0x3F9C];
	s0 =	simm.s32 @p1 $0x1  }
0x15: {  	[smem:$0x3FB9] =	sst s0;
	s0 =	simm.s32 @!p2 $0x0  }
0x16: {  	s3 =	sld [smem:$0x3FDB];
	s0 =	simm.s32 @p2 $0x1  }
0x17: {  	s4 =	simm.s32 $0x1BF5;
	[smem:$0x3FBB] =	sst s0  }
0x18: {  	s0 =	sld [smem:$0x3F9E];
	_ =	swait.ge [sflag:s4], $0x0  }
0x19: {  	s7 =	sld [smem:$0x3F9F]  }
0x1a: {  	s8 =	sadd.s32 $0xFFFFE003, lr  }
0x1b: {  	s9 =	sadd.s32 $0xFFFFFEF7, lr;
	s5 =	simm.s32 $0xFFFFFFFF;
	p2 =	slt.u32 s8, $0xFFFFF086  }
0x1c: {  	p1 =	slt.u32 s9, $0xF7A;
	s5 =	simm.s32 @!p2 $0x0  }
0x1d: {  	s5 =	simm.s32 @p1 $0x1;
	p0 =	seq.s32 s7, s2  }
0x1e: {  	s7 =	smul.u32 @!p0 $0xF7A, s2;
	p2 =	seq.s32 @!p0 s5, $0x0  }
0x1f: {  	s9 =	smul.u32 $0xF7A, s1;
	s8 =	simm.s32 @!p0 $0x1BF5;
	p2 =	por !p2, p0  }
0x20: {  	[sflag:s8] =	ssyncset.s32 @!p0 $0xFFFFF086;
	s6 =	sadd.s32 @!p0 s3, s7;
	s7 =	simm.s32 @!p0 $0x108  }
0x21: {  	s3 =	sadd.s32 s3, s9;
	s6 =	sadd.s32 @!p0 $0x88, s6;
	s7 =	simm.s32 @p2 $0x1082  }
0x22: {  	[simem:s7], [sflag:s8] =	dma.local @!p0 [hbm:s6], $0xF7A  }
0x23: {  	s9 =	sor.u32 $0xD0000000, s2;
	s6 =	simm.s32 $0x108;
	_ =	swait.ge @!p0 [sflag:s8], $0x0  }
0x24: {  	s3 =	sadd.s32 $0x88, s3;
	s6 =	simm.s32 @!p1 $0x1082;
	[sflag:s4] =	ssyncset.s32 $0xFFFFF086  }
0x25: {  	[simem:s6], [sflag:s4] =	dma.local [hbm:s3], $0xF7A  }
0x26: {  	[smem:$0x3F9F] =	sst s1;
	(tag) =	ssettag s2;
	_ =	strace s9  }
0x27: {  	s1 =	sld [smem:$0x3FAF]  }
0x28: {  	s2 =	sld [smem:$0x3FB0]  }
0x29: {  	s4 =	sld [smem:$0x3FB2]  }
0x2a: {  	p0 =	seq.s32 s5, $0x0;
	s5 =	sld [smem:$0x3FB3]  }
0x2b: {  	s6 =	sld [smem:$0x3FB4]  }
0x2c: {  	s7 =	sld [smem:$0x3FB5]  }
0x2d: {  	s3 =	simm.s32 $0x108;
	s8 =	sld [smem:$0x3FB6]  }
0x2e: {  	s3 =	simm.s32 @!p0 $0x1082;
	s9 =	sld [smem:$0x3FB7]  }
0x2f: {  	lr =	sadd.s32 s0, s3;
	s0 =	sld [smem:$0x3FAE]  }
0x30: {  	s3 =	sld [smem:$0x3FB1]  }
0x31: {  	[smem:$0x3FBA] =	sst s10  }
0x32: {  	s10 =	sld [smem:$0x3FB8];
	_ =	sdelay $0x3  }
0x33: {  	p0 =	seq.s32 s10, $0x1;
	s10 =	sld [smem:$0x3FBA];
	_ =	sdelay $0x3  }
0x34: {  	[smem:$0x3FBA] =	sst s10  }
0x35: {  	s10 =	sld [smem:$0x3FB9];
	_ =	sdelay $0x3  }
0x36: {  	p1 =	seq.s32 s10, $0x1;
	s10 =	sld [smem:$0x3FBA];
	_ =	sdelay $0x3  }
0x37: {  	[smem:$0x3FBA] =	sst s10  }
0x38: {  	s10 =	sld [smem:$0x3FBB]  }
0x39: {  	_ = 	snop;
	(pc) =	sbr.ind lr, $3  }
0x3a: {  	_ = 	snop  }
0x3b: {  	_ = 	snop  }
0x3c: {  	p2 =	seq.s32 s10, $0x1;
	s10 =	sld [smem:$0x3FBA]  }
0x3d: {  	_ =	shalt  }
0x3e: {  	_ =	shalt  }
0x3f: {  	_ =	shalt  }
0x40: {  	_ =	shalt  }
0x41: {  	_ =	shalt  }
0x42: {  	_ =	shalt  }
0x43: {  	_ =	shalt  }
0x44: {  	_ =	shalt  }
0x45: {  	_ =	shalt  }
0x46: {  	_ =	shalt  }
0x47: {  	_ =	shalt  }
0x48: {  	_ =	shalt  }
0x49: {  	_ =	shalt  }
0x4a: {  	_ =	shalt  }
0x4b: {  	_ =	shalt  }
0x4c: {  	_ =	shalt  }
0x4d: {  	_ =	shalt  }
0x4e: {  	_ =	shalt  }
0x4f: {  	_ =	shalt  }
0x50: {  	_ =	shalt  }
0x51: {  	_ =	shalt  }
0x52: {  	_ =	shalt  }
0x53: {  	_ =	shalt  }
0x54: {  	_ =	shalt  }
0x55: {  	_ =	shalt  }
0x56: {  	_ =	shalt  }
0x57: {  	_ =	shalt  }
0x58: {  	_ =	shalt  }
0x59: {  	_ =	shalt  }
0x5a: {  	_ =	shalt  }
0x5b: {  	_ =	shalt  }
0x5c: {  	_ =	shalt  }
0x5d: {  	_ =	shalt  }
0x5e: {  	_ =	shalt  }
0x5f: {  	_ =	shalt  }
0x60: {  	_ =	shalt  }
0x61: {  	_ =	shalt  }
0x62: {  	_ =	shalt  }
0x63: {  	_ =	shalt  }
0x64: {  	_ =	shalt  }
0x65: {  	_ =	shalt  }
0x66: {  	_ =	shalt  }
0x67: {  	_ =	shalt  }
0x68: {  	_ =	shalt  }
0x69: {  	_ =	shalt  }
0x6a: {  	_ =	shalt  }
0x6b: {  	_ =	shalt  }
0x6c: {  	_ =	shalt  }
0x6d: {  	_ =	shalt  }
0x6e: {  	_ =	shalt  }
0x6f: {  	_ =	shalt  }
0x70: {  	_ =	shalt  }
0x71: {  	_ =	shalt  }
0x72: {  	_ =	shalt  }
0x73: {  	_ =	shalt  }
0x74: {  	_ =	shalt  }
0x75: {  	_ =	shalt  }
0x76: {  	_ =	shalt  }
0x77: {  	_ =	shalt  }
0x78: {  	_ =	shalt  }
0x79: {  	_ =	shalt  }
0x7a: {  	_ =	shalt  }
0x7b: {  	_ =	shalt  }
0x7c: {  	_ =	shalt  }
0x7d: {  	_ =	shalt  }
0x7e: {  	_ =	shalt  }
0x7f: {  	_ =	shalt  }
0x80: {  	_ =	shalt  }
0x81: {  	_ =	shalt  }
0x82: {  	_ =	shalt  }
0x83: {  	_ =	shalt  }
0x84: {  	_ =	shalt  }
0x85: {  	_ =	shalt  }
0x86: {  	_ =	shalt  }
0x87: {  	_ =	shalt  }
.Lfunc_end0:
.L_simem_size_0:
called_computation_lowered:
.L_overlay_start_0:
0x88: {  	s2 =	sld [smem:$0x3FD9]  }
0x89: {  	s3 =	sld [smem:$0x3FFE];
	_ =	sdelay $0x1  }
0x8a: {  	s1 =	srdreg.scid  }
0x8b: {  	s0 =	sand.u32 $0x1, s1  }
0x8c: {  	s17 =	sshll.u32 s0, $0xA;
	s2 =	sadd.s32 s3, s2  }
0x8d: {  	s2 =	sadd.s32 s2, s17  }
0x8e: {  	[smem:$0x3FC6] =	sst s2  }
0x8f: {  	_ = 	snop  }
0x90: {  	s2 =	sld [smem:$0x3FC9]  }
0x91: {  	s18 =	sld [smem:$0x3FD0];
	(tm) =	ssettm $0x1  }
0x92: {  	s4 =	sld [smem:$0x3FFB];
	_ =	sdelay $0x3  }
0x93: {  	_ =	strace s4  }
0x94: {  	s4 =	sld [smem:$0x3FFC];
	_ =	sdelay $0x3  }
0x95: {  	_ =	strace s4  }
0x96: {  	s4 =	sld [smem:$0x3FFD];
	_ =	sdelay $0x3  }
0x97: {  	_ =	strace s4  }
0x98: {  	_ =	strace $0x8FFFFFFF  }
0x99: {  	s19 =	sld [smem:$0x3FDB];
	_ =	sdelay $0x1  }
0x9a: {  	s5 =	simm.s32 $_scs_section_size  }
0x9b: {  	s6 =	simm.s32 $_size__tile_overlayer_lowered;
	s7 =	simm.s32 $_tile_overlayer_lowered  }
0x9c: {  	s22 =	simm.s32 $0x1BFF;
	s21 =	sshll.u32 s7, $0x1;
	s4 =	sadd.s32 s5, s19  }
0x9d: {  	s8 =	simm.s32 $0x0;
	s20 =	sshll.u32 s6, $0x1;
	s6 =	sadd.s32 s21, s4  }
0x9e: {  	[timem:s8], [sflag:s22] =	dma.local [hbm:s6], s20  }
0x9f: {  	_ =	swait.ge [sflag:s22], s20  }
0xa0: {  	s5 =	ssub.s32 $0x0, s20;
	[sflag:s22] =	ssyncset.done $0x0  }
0xa1: {  	[sflag:s22] =	ssyncadd.s32 s5;
	_ =	sdelay $0x1  }
0xa2: {  	s23 =	simm.s32 $0x1B8B  }
0xa3: {  	_ =	swait.ge [sflag:s23], $0x1  }
0xa4: {  	[sflag:s23] =	ssyncset.done $0x0  }
0xa5: {  	s25 =	simm.s32 $0x1B8E;
	s24 =	sld [smem:$0x3FFE];
	[sflag:s23] =	ssyncadd.s32 $0xFFFFFFFF  }
0xa6: {  	s26 =	simm.s32 $execute0_lowered;
	[smem:$0x3FD2] =	sst s25  }
0xa7: {  	s6 =	sshll.u32 s26, $0x1;
	_ =	strace $0x80000046;
	[dreg:$0x1] =	wrdreg $0xFFFFFFFF  }
0xa8: {  	s28 =	simm.s32 $_size_execute0_lowered;
	s4 =	sadd.s32 s4, s6;
	[dreg:$0x0] =	wrdreg $0x0  }
0xa9: {  	s6 =	sshll.u32 s28, $0x1;
	[dreg:$0x2] =	wrdreg s4  }
0xaa: {  	[dreg:$0x3] =	wrdreg s6  }
0xab: {  	[dreg:$0x4] =	wrdreg $0xC0  }
0xac: {  	_ =	task [dreg:s8], $0x5FFFF  }
0xad: {  	[dreg:$0x1] =	wrdreg $0xFFFFFFFF  }
0xae: {  	[dreg:$0x0] =	wrdreg $0x60  }
0xaf: {  	[dreg:$0x2] =	wrdreg s2  }
0xb0: {  	[dreg:$0x3] =	wrdreg s24  }
0xb1: {  	[dreg:$0x4] =	wrdreg s18  }
0xb2: {  	[dreg:$0x5] =	wrdreg $0x9  }
0xb3: {  	_ =	task.clear_ibuf [dreg:s8], $0x6FFFF;
	_ =	strace $0x90000046  }
0xb4: {  	s29 =	simm.s32 $0x9;
	_ =	strace $0x80000048  }
0xb5: {  	_ =	swait.ge [sflag:s29], $0x1  }
0xb6: {  	[sflag:s29] =	ssyncadd.s32 $0xFFFFFFFF  }
0xb7: {  	_ =	strace $0x90000048  }
0xb8: {  	_ =	sfence  }
0xb9: {  	s30 =	sld [smem:$0x0];
	_ =	sdelay $0x2  }
0xba: {  	s31 =	sshll.u32 s1, $0xD;
	s1 =	sshrl.u32 s1, $0x2  }
0xbb: {  	s3 =	sand.u32 $0x4000, s31;
	s1 =	sadd.s32 s1, s30  }
0xbc: {  	s0 =	sor.u32 s3, s0;
	s1 =	sshll.u32 s1, $0x11  }
0xbd: {  	s0 =	sor.u32 s1, s0  }
0xbe: {  	s0 =	sadd.s32 $0x8F2B, s0  }
0xbf: {  	[sflag:s0] =	ssyncadd.remote.s32 $0x1  }
0xc0: {  	_ =	sfence.sel $0xFFFF  }
0xc1: {  	[dreg:$0x0] =	wrdreg $0xFFFFFFFF;
	(pc) =	sbr.abs _section_cstart, $3  }
0xc2: {  	[dreg:$0x1] =	wrdreg $0xFFFFFFFF  }
0xc3: {  	_ =	task.clear_ibuf [dreg:s8], $0x2FFFF;
	_ =	strace $0x9FFFFFFF  }
0xc4: {  	(tm) =	ssettm $0x7FFFFFFF  }
0xc5: {  	_ =	shalt  }
tec
execute0_lowered:
.L_overlay_start_1:
0x0: {  	(tag) =	ssettag $0x1  }
0x1: {  	s0 =	srdreg.scid;
	s2 =	stileid.u32  }
0x2: {  	s0 =	sand.u32 $0x1, s0;
	s2 =	sshll.u32 s2, $0x1  }
0x3: {  	s4 =	sor.u32 s0, s2  }
0x4: {  	s1 =	rddreg [dreg:$0x0];
	s6 =	smul.u32 $0x190, s4  }
0x5: {  	s3 =	rddreg [dreg:$0x1];
	s2 =	simm.s32 $0x0;
	s7 =	smul.u32 $0x30D40, s4  }
0x6: {  	[smem:$0x7FF] =	sst s2;
	s4 =	smul.u32 $0x61A8, s4  }
0x7: {  	s5 =	rddreg [dreg:$0x2];
	_ =	strace $0x80000047;
	s1 =	sadd.s32 s1, s6  }
0x8: {  	s20 =	sshrl.u32 s7, $0x3;
	s21 =	sadd.s32 s5, s4;
	[dreg:$0x4] =	wrdreg s1  }
0x9: {  	s4 =	sadd.s32 s5, s20;
	[dreg:$0x5] =	wrdreg s21  }
0xa: {  	s22 =	sadd.s32 $0x400, s4;
	s28 =	rddreg [dreg:$0x4]  }
0xb: {  	s23 =	sadd.s32 $0x800, s4;
	[dreg:$0x6] =	wrdreg s22  }
0xc: {  	s24 =	sadd.s32 $0xC00, s4;
	[dreg:$0x7] =	wrdreg s23  }
0xd: {  	s25 =	sadd.s32 $0x1000, s4;
	[dreg:$0x8] =	wrdreg s24  }
0xe: {  	s26 =	sadd.s32 $0x1400, s4;
	[dreg:$0x9] =	wrdreg s25  }
0xf: {  	s5 =	sadd.s32 $0x1800, s4;
	[dreg:$0xa] =	wrdreg s26  }
0x10: {  	s6 =	sadd.s32 $0x1C00, s4;
	[dreg:$0xb] =	wrdreg s5  }
0x11: {  	s7 =	sadd.s32 $0x2000, s4;
	[dreg:$0xc] =	wrdreg s6  }
0x12: {  	s8 =	sadd.s32 $0x2400, s4;
	[dreg:$0xd] =	wrdreg s7  }
0x13: {  	s9 =	sadd.s32 $0x2800, s4;
	[dreg:$0xe] =	wrdreg s8  }
0x14: {  	s10 =	sadd.s32 $0x2C00, s4;
	[dreg:$0xf] =	wrdreg s9  }
0x15: {  	s11 =	sadd.s32 $0x3000, s4;
	[dreg:$0x10] =	wrdreg s10  }
0x16: {  	s12 =	sadd.s32 $0x3400, s4;
	[dreg:$0x11] =	wrdreg s11  }
0x17: {  	s13 =	sadd.s32 $0x3800, s4;
	[dreg:$0x12] =	wrdreg s12  }
0x18: {  	s14 =	sadd.s32 $0x3C00, s4;
	[dreg:$0x13] =	wrdreg s13  }
0x19: {  	s15 =	sadd.s32 $0x4000, s4;
	[dreg:$0x14] =	wrdreg s14  }
0x1a: {  	s16 =	sadd.s32 $0x4400, s4;
	[dreg:$0x15] =	wrdreg s15  }
0x1b: {  	s17 =	sadd.s32 $0x4800, s4;
	[dreg:$0x16] =	wrdreg s16  }
0x1c: {  	s18 =	sadd.s32 $0x4C00, s4;
	[dreg:$0x17] =	wrdreg s17  }
0x1d: {  	s19 =	sadd.s32 $0x5000, s4;
	[dreg:$0x18] =	wrdreg s18  }
0x1e: {  	s20 =	sadd.s32 $0x5400, s4;
	[dreg:$0x19] =	wrdreg s19  }
0x1f: {  	s21 =	sadd.s32 $0x5800, s4;
	[dreg:$0x1a] =	wrdreg s20  }
0x20: {  	[dreg:$0x1b] =	wrdreg s21;
	s22 =	sadd.s32 $0x5C00, s4  }
0x21: {  	s23 =	sadd.s32 $0x6000, s4;
	[dreg:$0x1c] =	wrdreg s22  }
0x22: {  	s24 =	simm.s32 $0x100;
	[dreg:$0x1d] =	wrdreg s23  }
0x23: {  	s26 =	simm.s32 $0x180;
	[dreg:$0x1e] =	wrdreg s24  }
0x24: {  	s7 =	sadd.s32 $0xF42800, s3;
	s3 =	simm.s32 $0x200;
	[dreg:$0x1f] =	wrdreg s26  }
0x25: {  	s4 =	simm.s32 $0x280;
	[smem:$0x7E9] =	sst s3  }
0x26: {  	s5 =	simm.s32 $0x300;
	[smem:$0x7EA] =	sst s4  }
0x27: {  	s6 =	simm.s32 $0x380;
	[smem:$0x7EB] =	sst s5  }
0x28: {  	s8 =	simm.s32 $0x400;
	[smem:$0x7EC] =	sst s6  }
0x29: {  	s9 =	simm.s32 $0x480;
	[smem:$0x7ED] =	sst s8  }
0x2a: {  	s29 =	simm.s32 $0x80;
	s10 =	simm.s32 $0x500;
	[smem:$0x7EE] =	sst s9  }
0x2b: {  	s30 =	simm.s32 $0x4;
	s11 =	simm.s32 $0x580;
	[smem:$0x7EF] =	sst s10  }
0x2c: {  	p0 =	por $0x0, $0x0;
	s12 =	simm.s32 $0x600;
	[smem:$0x7F0] =	sst s11  }
0x2d: {  	s31 =	simm.s32 $0xC;
	s13 =	simm.s32 $0x680;
	[smem:$0x7F1] =	sst s12  }
0x2e: {  	s0 =	ssub.s32 $0x2, s0;
	s14 =	simm.s32 $0x700;
	[smem:$0x7F2] =	sst s13  }
0x2f: {  	s1 =	simm.s32 $0xB;
	s15 =	simm.s32 $0x780;
	[smem:$0x7F3] =	sst s14  }
0x30: {  	s25 =	sshrl.u32 s0, $0x1;
	s16 =	simm.s32 $0x800;
	[smem:$0x7F4] =	sst s15  }
0x31: {  	s17 =	simm.s32 $0x880;
	s18 =	simm.s32 $0x900;
	[smem:$0x7F5] =	sst s16  }
0x32: {  	s19 =	simm.s32 $0x980;
	s20 =	simm.s32 $0xA00;
	[smem:$0x7F6] =	sst s17  }
0x33: {  	s21 =	simm.s32 $0xA80;
	s0 =	ssub.s32 s0, s25;
	[smem:$0x7F7] =	sst s18  }
0x34: {  	s3 =	simm.s32 $0xC80;
	s26 =	simm.s32 $0x2C80;
	[smem:$0x7F8] =	sst s19  }
0x35: {  	s24 =	simm.s32 $0x14C80;
	s5 =	simm.s32 $0x1;
	[smem:$0x7F9] =	sst s20  }
0x36: {  	s4 =	simm.s32 $0xD;
	s19 =	simm.s32 $0x2;
	[smem:$0x7FA] =	sst s21  }
0x37: {  	s22 =	simm.s32 $0xB00;
	s12 =	simm.s32 $0xE;
	s23 =	simm.s32 $0xB80  }
0x38: {  	s25 =	simm.s32 $0xC00;
	s17 =	simm.s32 $0xF;
	s21 =	simm.s32 $0x11  }
0x39: {  	s15 =	simm.s32 $0x6;
	s20 =	simm.s32 $0x12;
	s0 =	smax.u32 s0, $0x1  }
0x3a: {  	s11 =	simm.s32 $0x7;
	s18 =	simm.s32 $0x13;
	p1 =	sne.s32 s0, $0x1  }
.Ltmp0:
0x3b: {  	s8 =	simm.s32 $0x8;
	s16 =	simm.s32 $0x14;
	(pc) =	sbr.rel @!p1 .LBB2_5-.Ltmp0, $4  }
0x3c: {  	s6 =	simm.s32 $0x9;
	s14 =	simm.s32 $0x15;
	[smem:$0x7FB] =	sst s22  }
0x3d: {  	s13 =	simm.s32 $0x16;
	s10 =	simm.s32 $0x17;
	[smem:$0x7FC] =	sst s23  }
0x3e: {  	s9 =	simm.s32 $0x18;
	s22 =	simm.s32 $0x3;
	[smem:$0x7FD] =	sst s25  }
0x3f: {  	s25 =	simm.s32 $0xA;
	s23 =	sadd.s32 $0xFFFFFFFF, s0;
	s0 =	simm.s32 $0x5  }
0x40: {  	[tilespmem:s2], [sflag:$0x19] =	stream.linear.gather [hbm4b:s28+s2], $0xC80, $0x38;
	[tilespmem:$0x18C80] =	vst v63  }
0x41: {  	s28 =	simm.s32 $0x19  }
0x42: {  	_ =	swait.ge [sflag:s28], $0xC80  }
0x43: {  	[sflag:s28] =	ssyncset.done $0x0  }
0x44: {  	[sflag:s28] =	ssyncadd.s32 $0xFFFFF380  }
0x45: {  	[tilespmem:s3], [sflag:$0x1] =	stream.indirect.gather [hbm4b:s7+s29], $0x40, s2, s29, $0xb8;
	[tilespmem:$0x18C80] =	vst v63  }
0x46: {  	s0 =	rddreg [dreg:$0x1f]  }
0x47: {  	[tilespmem:s26], [sflag:$0x2] =	stream.indirect.gather [hbm4b:s7+s29], $0x40, s29, s29, $0xb8;
	[tilespmem:$0x18C80] =	vst v63  }
0x48: {  	s9 =	simm.s32 $0x4C80;
	s28 =	rddreg [dreg:$0x1e]  }
0x49: {  	[tilespmem:s9], [sflag:$0x3] =	stream.indirect.gather [hbm4b:s7+s29], $0x40, s28, s29, $0xb8;
	[tilespmem:$0x18C80] =	vst v63  }
0x4a: {  	s14 =	simm.s32 $0x6C80;
	s28 =	sld [smem:$0x7E9]  }
0x4b: {  	[tilespmem:s14], [sflag:$0x4] =	stream.indirect.gather [hbm4b:s7+s29], $0x40, s0, s29, $0xb8;
	[tilespmem:$0x18C80] =	vst v63  }
0x4c: {  	s20 =	simm.s32 $0x8C80;
	s1 =	sld [smem:$0x7EA]  }
0x4d: {  	[tilespmem:s20], [sflag:$0x5] =	stream.indirect.gather [hbm4b:s7+s29], $0x40, s28, s29, $0xb8;
	[tilespmem:$0x18C80] =	vst v63  }
0x4e: {  	s4 =	simm.s32 $0xAC80;
	s28 =	sld [smem:$0x7EB]  }
0x4f: {  	[tilespmem:s4], [sflag:$0x6] =	stream.indirect.gather [hbm4b:s7+s29], $0x40, s1, s29, $0xb8;
	[tilespmem:$0x18C80] =	vst v63  }
0x50: {  	s30 =	simm.s32 $0xCC80;
	s5 =	sld [smem:$0x7EC]  }
0x51: {  	[tilespmem:s30], [sflag:$0x7] =	stream.indirect.gather [hbm4b:s7+s29], $0x40, s28, s29, $0xb8;
	[tilespmem:$0x18C80] =	vst v63  }
0x52: {  	s0 =	simm.s32 $0xEC80;
	s28 =	sld [smem:$0x7ED]  }
0x53: {  	[tilespmem:s0], [sflag:$0x8] =	stream.indirect.gather [hbm4b:s7+s29], $0x40, s5, s29, $0xb8;
	[tilespmem:$0x18C80] =	vst v63  }
0x54: {  	s10 =	simm.s32 $0x10C80;
	s26 =	sld [smem:$0x7EE]  }
0x55: {  	[tilespmem:s10], [sflag:$0x9] =	stream.indirect.gather [hbm4b:s7+s29], $0x40, s28, s29, $0xb8;
	[tilespmem:$0x18C80] =	vst v63  }
0x56: {  	s28 =	sld [smem:$0x7EF];
	s10 =	simm.s32 $0x12C80  }
0x57: {  	[tilespmem:s10], [sflag:$0xA] =	stream.indirect.gather [hbm4b:s7+s29], $0x40, s26, s29, $0xb8;
	[tilespmem:$0x18C80] =	vst v63  }
0x58: {  	s26 =	sld [smem:$0x7F0];
	s10 =	simm.s32 $0x14C80  }
0x59: {  	[tilespmem:s10], [sflag:$0xB] =	stream.indirect.gather [hbm4b:s7+s29], $0x40, s28, s29, $0xb8;
	[tilespmem:$0x18C80] =	vst v63  }
0x5a: {  	[smem:$0x7E8] =	sst s23;
	s0 =	simm.s32 $0x1;
	s28 =	simm.s32 $0x16C80  }
0x5b: {  	[tilespmem:s28], [sflag:$0xC] =	stream.indirect.gather [hbm4b:s7+s29], $0x40, s26, s29, $0xb8;
	[tilespmem:$0x18C80] =	vst v63  }
0x5c: {  	_ =	swait.ge [sflag:s0], $0x2000  }
0x5d: {  	[sflag:s0] =	ssyncset.done $0x0  }
0x5e: {  	s5 =	simm.s32 $0xD;
	s10 =	rddreg [dreg:$0x5];
	[sflag:s0] =	ssyncadd.s32 $0xFFFFE000  }
0x5f: {  	[hbm4b:s10+s2] =	stream.linear.scatter [tilespmem:s3], [sflag:$0xD], $0x2000, $0x38;
	[tilespmem:$0x18C80] =	vst v63  }
0x60: {  	_ =	swait.ge [sflag:s5], $0x2000  }
0x61: {  	s10 =	sld [smem:$0x7F1]  }
0x62: {  	[sflag:s5] =	ssyncset.done $0x0  }
0x63: {  	s22 =	simm.s32 $0x2;
	[sflag:s5] =	ssyncadd.s32 $0xFFFFE000  }
0x64: {  	[tilespmem:s3], [sflag:$0x1] =	stream.indirect.gather [hbm4b:s7+s29], $0x40, s10, s29, $0xb8;
	[tilespmem:$0x18C80] =	vst v63  }
0x65: {  	_ =	swait.ge [sflag:s22], $0x2000  }
0x66: {  	s13 =	simm.s32 $0xE;
	[sflag:s22] =	ssyncset.done $0x0  }
0x67: {  	s10 =	simm.s32 $0x2C80;
	s26 =	rddreg [dreg:$0x6];
	[sflag:s22] =	ssyncadd.s32 $0xFFFFE000  }
0x68: {  	[hbm4b:s26+s2] =	stream.linear.scatter [tilespmem:s10], [sflag:$0xE], $0x2000, $0x38;
	[tilespmem:$0x18C80] =	vst v63  }
0x69: {  	_ =	swait.ge [sflag:s13], $0x2000  }
0x6a: {  	s26 =	sld [smem:$0x7F2]  }
0x6b: {  	[sflag:s13] =	ssyncset.done $0x0  }
0x6c: {  	s22 =	simm.s32 $0x3;
	[sflag:s13] =	ssyncadd.s32 $0xFFFFE000  }
0x6d: {  	[tilespmem:s10], [sflag:$0x2] =	stream.indirect.gather [hbm4b:s7+s29], $0x40, s26, s29, $0xb8;
	[tilespmem:$0x18C80] =	vst v63  }
0x6e: {  	_ =	swait.ge [sflag:s22], $0x2000  }
0x6f: {  	[sflag:s22] =	ssyncset.done $0x0  }
0x70: {  	s18 =	simm.s32 $0xF;
	s10 =	rddreg [dreg:$0x7];
	[sflag:s22] =	ssyncadd.s32 $0xFFFFE000  }
0x71: {  	[hbm4b:s10+s2] =	stream.linear.scatter [tilespmem:s9], [sflag:$0xF], $0x2000, $0x38;
	[tilespmem:$0x18C80] =	vst v63  }
0x72: {  	_ =	swait.ge [sflag:s18], $0x2000  }
0x73: {  	s10 =	sld [smem:$0x7F3]  }
0x74: {  	[sflag:s18] =	ssyncset.done $0x0  }
0x75: {  	s24 =	simm.s32 $0x4;
	[sflag:s18] =	ssyncadd.s32 $0xFFFFE000  }
0x76: {  	[tilespmem:s9], [sflag:$0x3] =	stream.indirect.gather [hbm4b:s7+s29], $0x40, s10, s29, $0xb8;
	[tilespmem:$0x18C80] =	vst v63  }
0x77: {  	_ =	swait.ge [sflag:s24], $0x2000  }
0x78: {  	[sflag:s24] =	ssyncset.done $0x0  }
0x79: {  	s31 =	simm.s32 $0x10;
	s10 =	rddreg [dreg:$0x8];
	[sflag:s24] =	ssyncadd.s32 $0xFFFFE000  }
0x7a: {  	[hbm4b:s10+s2] =	stream.linear.scatter [tilespmem:s14], [sflag:$0x10], $0x2000, $0x38;
	[tilespmem:$0x18C80] =	vst v63  }
0x7b: {  	_ =	swait.ge [sflag:s31], $0x2000  }
0x7c: {  	s10 =	sld [smem:$0x7F4]  }
0x7d: {  	[sflag:s31] =	ssyncset.done $0x0  }
0x7e: {  	s1 =	simm.s32 $0x5;
	[sflag:s31] =	ssyncadd.s32 $0xFFFFE000  }
0x7f: {  	[tilespmem:s14], [sflag:$0x4] =	stream.indirect.gather [hbm4b:s7+s29], $0x40, s10, s29, $0xb8;
	[tilespmem:$0x18C80] =	vst v63  }
0x80: {  	_ =	swait.ge [sflag:s1], $0x2000  }
0x81: {  	[sflag:s1] =	ssyncset.done $0x0  }
0x82: {  	s23 =	simm.s32 $0x11;
	s10 =	rddreg [dreg:$0x9];
	[sflag:s1] =	ssyncadd.s32 $0xFFFFE000  }
0x83: {  	[hbm4b:s10+s2] =	stream.linear.scatter [tilespmem:s20], [sflag:$0x11], $0x2000, $0x38;
	[tilespmem:$0x18C80] =	vst v63  }
0x84: {  	_ =	swait.ge [sflag:s23], $0x2000  }
0x85: {  	s10 =	sld [smem:$0x7F5]  }
0x86: {  	[sflag:s23] =	ssyncset.done $0x0  }
0x87: {  	s19 =	simm.s32 $0x6;
	[sflag:s23] =	ssyncadd.s32 $0xFFFFE000  }
0x88: {  	[tilespmem:s20], [sflag:$0x5] =	stream.indirect.gather [hbm4b:s7+s29], $0x40, s10, s29, $0xb8;
	[tilespmem:$0x18C80] =	vst v63  }
0x89: {  	_ =	swait.ge [sflag:s19], $0x2000  }
0x8a: {  	[sflag:s19] =	ssyncset.done $0x0  }
0x8b: {  	s21 =	simm.s32 $0x12;
	s10 =	rddreg [dreg:$0xa];
	[sflag:s19] =	ssyncadd.s32 $0xFFFFE000  }
0x8c: {  	[hbm4b:s10+s2] =	stream.linear.scatter [tilespmem:s4], [sflag:$0x12], $0x2000, $0x38;
	[tilespmem:$0x18C80] =	vst v63  }
0x8d: {  	_ =	swait.ge [sflag:s21], $0x2000  }
0x8e: {  	s10 =	sld [smem:$0x7F6]  }
0x8f: {  	[sflag:s21] =	ssyncset.done $0x0  }
0x90: {  	s15 =	simm.s32 $0x7;
	[sflag:s21] =	ssyncadd.s32 $0xFFFFE000  }
0x91: {  	[tilespmem:s4], [sflag:$0x6] =	stream.indirect.gather [hbm4b:s7+s29], $0x40, s10, s29, $0xb8;
	[tilespmem:$0x18C80] =	vst v63  }
0x92: {  	_ =	swait.ge [sflag:s15], $0x2000  }
0x93: {  	[sflag:s15] =	ssyncset.done $0x0  }
0x94: {  	s18 =	simm.s32 $0x13;
	s10 =	rddreg [dreg:$0xb];
	[sflag:s15] =	ssyncadd.s32 $0xFFFFE000  }
0x95: {  	[hbm4b:s10+s2] =	stream.linear.scatter [tilespmem:s30], [sflag:$0x13], $0x2000, $0x38;
	[tilespmem:$0x18C80] =	vst v63  }
0x96: {  	_ =	swait.ge [sflag:s18], $0x2000  }
0x97: {  	s10 =	sld [smem:$0x7F7]  }
0x98: {  	[sflag:s18] =	ssyncset.done $0x0  }
0x99: {  	s11 =	simm.s32 $0x8;
	[sflag:s18] =	ssyncadd.s32 $0xFFFFE000  }
0x9a: {  	[tilespmem:s30], [sflag:$0x7] =	stream.indirect.gather [hbm4b:s7+s29], $0x40, s10, s29, $0xb8;
	[tilespmem:$0x18C80] =	vst v63  }
0x9b: {  	_ =	swait.ge [sflag:s11], $0x2000  }
0x9c: {  	s17 =	simm.s32 $0x14;
	[sflag:s11] =	ssyncset.done $0x0  }
0x9d: {  	s10 =	simm.s32 $0xEC80;
	s26 =	rddreg [dreg:$0xc];
	[sflag:s11] =	ssyncadd.s32 $0xFFFFE000  }
0x9e: {  	[hbm4b:s26+s2] =	stream.linear.scatter [tilespmem:s10], [sflag:$0x14], $0x2000, $0x38;
	[tilespmem:$0x18C80] =	vst v63  }
0x9f: {  	_ =	swait.ge [sflag:s17], $0x2000  }
0xa0: {  	s26 =	sld [smem:$0x7F8]  }
0xa1: {  	[sflag:s17] =	ssyncset.done $0x0  }
0xa2: {  	s8 =	simm.s32 $0x9;
	[sflag:s17] =	ssyncadd.s32 $0xFFFFE000  }
0xa3: {  	[tilespmem:s10], [sflag:$0x8] =	stream.indirect.gather [hbm4b:s7+s29], $0x40, s26, s29, $0xb8;
	[tilespmem:$0x18C80] =	vst v63  }
0xa4: {  	_ =	swait.ge [sflag:s8], $0x2000  }
0xa5: {  	s16 =	simm.s32 $0x15;
	[sflag:s8] =	ssyncset.done $0x0  }
0xa6: {  	s10 =	simm.s32 $0x10C80;
	s26 =	rddreg [dreg:$0xd];
	[sflag:s8] =	ssyncadd.s32 $0xFFFFE000  }
0xa7: {  	[hbm4b:s26+s2] =	stream.linear.scatter [tilespmem:s10], [sflag:$0x15], $0x2000, $0x38;
	[tilespmem:$0x18C80] =	vst v63  }
0xa8: {  	_ =	swait.ge [sflag:s16], $0x2000  }
0xa9: {  	s26 =	sld [smem:$0x7F9]  }
0xaa: {  	[sflag:s16] =	ssyncset.done $0x0  }
0xab: {  	s6 =	simm.s32 $0xA;
	[sflag:s16] =	ssyncadd.s32 $0xFFFFE000  }
0xac: {  	[tilespmem:s10], [sflag:$0x9] =	stream.indirect.gather [hbm4b:s7+s29], $0x40, s26, s29, $0xb8;
	[tilespmem:$0x18C80] =	vst v63  }
0xad: {  	_ =	swait.ge [sflag:s6], $0x2000  }
0xae: {  	s13 =	simm.s32 $0x16;
	[sflag:s6] =	ssyncset.done $0x0  }
0xaf: {  	s10 =	simm.s32 $0x12C80;
	s26 =	rddreg [dreg:$0xe];
	[sflag:s6] =	ssyncadd.s32 $0xFFFFE000  }
0xb0: {  	[hbm4b:s26+s2] =	stream.linear.scatter [tilespmem:s10], [sflag:$0x16], $0x2000, $0x38;
	[tilespmem:$0x18C80] =	vst v63  }
0xb1: {  	_ =	swait.ge [sflag:s13], $0x2000  }
0xb2: {  	s26 =	sld [smem:$0x7FA]  }
0xb3: {  	[sflag:s13] =	ssyncset.done $0x0  }
0xb4: {  	s25 =	simm.s32 $0xB;
	[sflag:s13] =	ssyncadd.s32 $0xFFFFE000  }
0xb5: {  	[tilespmem:s10], [sflag:$0xA] =	stream.indirect.gather [hbm4b:s7+s29], $0x40, s26, s29, $0xb8;
	[tilespmem:$0x18C80] =	vst v63  }
0xb6: {  	_ =	swait.ge [sflag:s25], $0x2000  }
0xb7: {  	s12 =	simm.s32 $0x17;
	[sflag:s25] =	ssyncset.done $0x0  }
0xb8: {  	s10 =	simm.s32 $0x14C80;
	s26 =	rddreg [dreg:$0xf];
	[sflag:s25] =	ssyncadd.s32 $0xFFFFE000  }
0xb9: {  	[hbm4b:s26+s2] =	stream.linear.scatter [tilespmem:s10], [sflag:$0x17], $0x2000, $0x38;
	[tilespmem:$0x18C80] =	vst v63  }
0xba: {  	_ =	swait.ge [sflag:s12], $0x2000  }
0xbb: {  	s26 =	sld [smem:$0x7FB]  }
0xbc: {  	[sflag:s12] =	ssyncset.done $0x0  }
0xbd: {  	s31 =	simm.s32 $0xC;
	[sflag:s12] =	ssyncadd.s32 $0xFFFFE000  }
0xbe: {  	[tilespmem:s10], [sflag:$0xB] =	stream.indirect.gather [hbm4b:s7+s29], $0x40, s26, s29, $0xb8;
	[tilespmem:$0x18C80] =	vst v63  }
0xbf: {  	_ =	swait.ge [sflag:s31], $0x2000  }
0xc0: {  	[sflag:s31] =	ssyncset.done $0x0  }
0xc1: {  	s26 =	simm.s32 $0x18;
	s10 =	rddreg [dreg:$0x10];
	[sflag:s31] =	ssyncadd.s32 $0xFFFFE000  }
0xc2: {  	[hbm4b:s10+s2] =	stream.linear.scatter [tilespmem:s28], [sflag:$0x18], $0x2000, $0x38;
	[tilespmem:$0x18C80] =	vst v63  }
0xc3: {  	_ =	swait.ge [sflag:s26], $0x2000  }
0xc4: {  	s10 =	simm.s32 $0x18;
	s26 =	sld [smem:$0x7FC]  }
0xc5: {  	[sflag:s10] =	ssyncset.done $0x0;
	s10 =	simm.s32 $0x18  }
0xc6: {  	[sflag:s10] =	ssyncadd.s32 $0xFFFFE000  }
0xc7: {  	[tilespmem:s28], [sflag:$0xC] =	stream.indirect.gather [hbm4b:s7+s29], $0x40, s26, s29, $0xb8;
	[tilespmem:$0x18C80] =	vst v63  }
0xc8: {  	_ =	swait.ge [sflag:s0], $0x2000  }
0xc9: {  	[sflag:s0] =	ssyncset.done $0x0  }
0xca: {  	s26 =	rddreg [dreg:$0x11];
	[sflag:s0] =	ssyncadd.s32 $0xFFFFE000  }
0xcb: {  	[hbm4b:s26+s2] =	stream.linear.scatter [tilespmem:s3], [sflag:$0xD], $0x2000, $0x38;
	[tilespmem:$0x18C80] =	vst v63  }
0xcc: {  	_ =	swait.ge [sflag:s5], $0x2000  }
0xcd: {  	s0 =	sld [smem:$0x7FD]  }
0xce: {  	[sflag:s5] =	ssyncset.done $0x0  }
0xcf: {  	s19 =	simm.s32 $0x2;
	[sflag:s5] =	ssyncadd.s32 $0xFFFFE000  }
0xd0: {  	[tilespmem:s3], [sflag:$0x1] =	stream.indirect.gather [hbm4b:s7+s29], $0x40, s0, s29, $0xb8;
	[tilespmem:$0x18C80] =	vst v63  }
0xd1: {  	_ =	swait.ge [sflag:s19], $0x2000  }
0xd2: {  	[sflag:s19] =	ssyncset.done $0x0  }
0xd3: {  	s0 =	simm.s32 $0x2C80;
	s26 =	rddreg [dreg:$0x12];
	[sflag:s19] =	ssyncadd.s32 $0xFFFFE000  }
0xd4: {  	[hbm4b:s26+s2] =	stream.linear.scatter [tilespmem:s0], [sflag:$0xE], $0x2000, $0x38;
	[tilespmem:$0x18C80] =	vst v63  }
0xd5: {  	_ =	swait.ge [sflag:s22], $0x2000  }
0xd6: {  	[sflag:s22] =	ssyncset.done $0x0  }
0xd7: {  	s0 =	rddreg [dreg:$0x13];
	[sflag:s22] =	ssyncadd.s32 $0xFFFFE000  }
0xd8: {  	[hbm4b:s0+s2] =	stream.linear.scatter [tilespmem:s9], [sflag:$0xF], $0x2000, $0x38;
	[tilespmem:$0x18C80] =	vst v63  }
0xd9: {  	_ =	swait.ge [sflag:s24], $0x2000  }
0xda: {  	[sflag:s24] =	ssyncset.done $0x0  }
0xdb: {  	s0 =	rddreg [dreg:$0x14];
	[sflag:s24] =	ssyncadd.s32 $0xFFFFE000  }
0xdc: {  	[hbm4b:s0+s2] =	stream.linear.scatter [tilespmem:s14], [sflag:$0x10], $0x2000, $0x38;
	[tilespmem:$0x18C80] =	vst v63  }
0xdd: {  	_ =	swait.ge [sflag:s1], $0x2000  }
0xde: {  	[sflag:s1] =	ssyncset.done $0x0  }
0xdf: {  	s15 =	simm.s32 $0x6;
	s0 =	rddreg [dreg:$0x15];
	[sflag:s1] =	ssyncadd.s32 $0xFFFFE000  }
0xe0: {  	[hbm4b:s0+s2] =	stream.linear.scatter [tilespmem:s20], [sflag:$0x11], $0x2000, $0x38;
	[tilespmem:$0x18C80] =	vst v63  }
0xe1: {  	_ =	swait.ge [sflag:s15], $0x2000  }
0xe2: {  	[sflag:s15] =	ssyncset.done $0x0  }
0xe3: {  	s11 =	simm.s32 $0x7;
	s1 =	rddreg [dreg:$0x16];
	[sflag:s15] =	ssyncadd.s32 $0xFFFFE000  }
0xe4: {  	[hbm4b:s1+s2] =	stream.linear.scatter [tilespmem:s4], [sflag:$0x12], $0x2000, $0x38;
	[tilespmem:$0x18C80] =	vst v63  }
0xe5: {  	_ =	swait.ge [sflag:s11], $0x2000  }
0xe6: {  	[sflag:s11] =	ssyncset.done $0x0  }
0xe7: {  	s8 =	simm.s32 $0x8;
	s4 =	rddreg [dreg:$0x17];
	[sflag:s11] =	ssyncadd.s32 $0xFFFFE000  }
0xe8: {  	[hbm4b:s4+s2] =	stream.linear.scatter [tilespmem:s30], [sflag:$0x13], $0x2000, $0x38;
	[tilespmem:$0x18C80] =	vst v63  }
0xe9: {  	_ =	swait.ge [sflag:s8], $0x2000  }
0xea: {  	s6 =	simm.s32 $0x9;
	[sflag:s8] =	ssyncset.done $0x0  }
0xeb: {  	s30 =	simm.s32 $0xEC80;
	s24 =	rddreg [dreg:$0x18];
	[sflag:s8] =	ssyncadd.s32 $0xFFFFE000  }
0xec: {  	[hbm4b:s24+s2] =	stream.linear.scatter [tilespmem:s30], [sflag:$0x14], $0x2000, $0x38;
	[tilespmem:$0x18C80] =	vst v63  }
0xed: {  	_ =	swait.ge [sflag:s6], $0x2000  }
0xee: {  	s25 =	simm.s32 $0xA;
	[sflag:s6] =	ssyncset.done $0x0  }
0xef: {  	s4 =	simm.s32 $0x10C80;
	s0 =	rddreg [dreg:$0x19];
	[sflag:s6] =	ssyncadd.s32 $0xFFFFE000  }
0xf0: {  	[hbm4b:s0+s2] =	stream.linear.scatter [tilespmem:s4], [sflag:$0x15], $0x2000, $0x38;
	[tilespmem:$0x18C80] =	vst v63  }
0xf1: {  	_ =	swait.ge [sflag:s25], $0x2000  }
0xf2: {  	s1 =	simm.s32 $0xB;
	[sflag:s25] =	ssyncset.done $0x0  }
0xf3: {  	s30 =	simm.s32 $0x12C80;
	s24 =	rddreg [dreg:$0x1a];
	[sflag:s25] =	ssyncadd.s32 $0xFFFFE000  }
0xf4: {  	[hbm4b:s24+s2] =	stream.linear.scatter [tilespmem:s30], [sflag:$0x16], $0x2000, $0x38;
	[tilespmem:$0x18C80] =	vst v63  }
0xf5: {  	_ =	swait.ge [sflag:s1], $0x2000  }
0xf6: {  	[sflag:s1] =	ssyncset.done $0x0  }
0xf7: {  	s30 =	simm.s32 $0x14C80;
	s0 =	rddreg [dreg:$0x1b];
	[sflag:s1] =	ssyncadd.s32 $0xFFFFE000  }
0xf8: {  	[hbm4b:s0+s2] =	stream.linear.scatter [tilespmem:s30], [sflag:$0x17], $0x2000, $0x38;
	[tilespmem:$0x18C80] =	vst v63  }
0xf9: {  	_ =	swait.ge [sflag:s31], $0x2000  }
0xfa: {  	[sflag:s31] =	ssyncset.done $0x0  }
0xfb: {  	s5 =	simm.s32 $0x1;
	s30 =	rddreg [dreg:$0x1c];
	[sflag:s31] =	ssyncadd.s32 $0xFFFFE000  }
0xfc: {  	[hbm4b:s30+s2] =	stream.linear.scatter [tilespmem:s28], [sflag:$0x18], $0x2000, $0x38;
	[tilespmem:$0x18C80] =	vst v63  }
0xfd: {  	_ =	swait.ge [sflag:s5], $0x2000  }
0xfe: {  	[sflag:s5] =	ssyncset.done $0x0  }
0xff: {  	s12 =	simm.s32 $0xE;
	s0 =	rddreg [dreg:$0x1d];
	[sflag:s5] =	ssyncadd.s32 $0xFFFFE000  }
0x100: {  	[hbm4b:s0+s2] =	stream.linear.scatter [tilespmem:s3], [sflag:$0xD], $0xD40, $0x38;
	[tilespmem:$0x18C80] =	vst v63  }
0x101: {  	_ =	swait.ge [sflag:s12], $0x2000  }
0x102: {  	[sflag:s12] =	ssyncset.done $0x0  }
0x103: {  	s17 =	simm.s32 $0xF;
	[sflag:s12] =	ssyncadd.s32 $0xFFFFE000  }
0x104: {  	_ =	swait.ge [sflag:s17], $0x2000  }
0x105: {  	[sflag:s17] =	ssyncset.done $0x0  }
0x106: {  	s23 =	simm.s32 $0x10;
	[sflag:s17] =	ssyncadd.s32 $0xFFFFE000  }
0x107: {  	_ =	swait.ge [sflag:s23], $0x2000  }
0x108: {  	[sflag:s23] =	ssyncset.done $0x0  }
0x109: {  	s21 =	simm.s32 $0x11;
	[sflag:s23] =	ssyncadd.s32 $0xFFFFE000  }
0x10a: {  	_ =	swait.ge [sflag:s21], $0x2000  }
0x10b: {  	[sflag:s21] =	ssyncset.done $0x0  }
0x10c: {  	s20 =	simm.s32 $0x12;
	[sflag:s21] =	ssyncadd.s32 $0xFFFFE000  }
0x10d: {  	_ =	swait.ge [sflag:s20], $0x2000  }
0x10e: {  	[sflag:s20] =	ssyncset.done $0x0  }
0x10f: {  	[sflag:s20] =	ssyncadd.s32 $0xFFFFE000  }
0x110: {  	_ =	swait.ge [sflag:s18], $0x2000  }
0x111: {  	[sflag:s18] =	ssyncset.done $0x0  }
0x112: {  	s16 =	simm.s32 $0x14;
	[sflag:s18] =	ssyncadd.s32 $0xFFFFE000  }
0x113: {  	_ =	swait.ge [sflag:s16], $0x2000  }
0x114: {  	[sflag:s16] =	ssyncset.done $0x0  }
0x115: {  	s14 =	simm.s32 $0x15;
	[sflag:s16] =	ssyncadd.s32 $0xFFFFE000  }
0x116: {  	_ =	swait.ge [sflag:s14], $0x2000  }
0x117: {  	[sflag:s14] =	ssyncset.done $0x0  }
0x118: {  	[sflag:s14] =	ssyncadd.s32 $0xFFFFE000  }
0x119: {  	_ =	swait.ge [sflag:s13], $0x2000  }
0x11a: {  	[sflag:s13] =	ssyncset.done $0x0  }
0x11b: {  	s10 =	simm.s32 $0x17;
	[sflag:s13] =	ssyncadd.s32 $0xFFFFE000  }
0x11c: {  	_ =	swait.ge [sflag:s10], $0x2000  }
0x11d: {  	[sflag:s10] =	ssyncset.done $0x0  }
0x11e: {  	s9 =	simm.s32 $0x18;
	[sflag:s10] =	ssyncadd.s32 $0xFFFFE000  }
0x11f: {  	_ =	swait.ge [sflag:s9], $0x2000  }
0x120: {  	s30 =	sld [smem:$0x7E8];
	_ =	sdelay $0x2  }
0x121: {  	p1 =	sne.s32 s30, $0x1  }
.Ltmp1:
0x122: {  	_ = 	snop;
	(pc) =	sbr.rel @!p1 .LBB2_2-.Ltmp1, $4  }
0x123: {  	[sflag:s9] =	ssyncset.done $0x0  }
0x124: {  	s4 =	simm.s32 $0xD;
	[sflag:s9] =	ssyncadd.s32 $0xFFFFE000  }
0x125: {  	p0 =	por $0x1, $0x1;
	s24 =	simm.s32 $0x14C80;
	_ =	swait.ge [sflag:s4], $0xD40  }
0x126: {  	s26 =	sadd.s32 $0xFFFFFFFF, s30;
	s28 =	rddreg [dreg:$0x4];
	[sflag:s4] =	ssyncset.done $0x0  }
.LBB2_3:
0x127: {  	[sflag:s4] =	ssyncadd.s32 $0xFFFFF2C0  }
0x128: {  	[tilespmem:s2], [sflag:$0x19] =	stream.linear.gather [hbm4b:s28+s2], $0xC80, $0x38;
	[tilespmem:$0x18C80] =	vst v63  }
0x129: {  	s28 =	simm.s32 $0x19  }
0x12a: {  	_ =	swait.ge [sflag:s28], $0xC80  }
0x12b: {  	[sflag:s28] =	ssyncset.done $0x0  }
0x12c: {  	[sflag:s28] =	ssyncadd.s32 $0xFFFFF380  }
0x12d: {  	[tilespmem:s3], [sflag:$0x1] =	stream.indirect.gather [hbm4b:s7+s29], $0x40, s2, s29, $0xb8;
	[tilespmem:$0x18C80] =	vst v63  }
0x12e: {  	s1 =	simm.s32 $0x2C80;
	s30 =	rddreg [dreg:$0x1f]  }
0x12f: {  	[tilespmem:s1], [sflag:$0x2] =	stream.indirect.gather [hbm4b:s7+s29], $0x40, s29, s29, $0xb8;
	[tilespmem:$0x18C80] =	vst v63  }
0x130: {  	s9 =	simm.s32 $0x4C80;
	s28 =	rddreg [dreg:$0x1e]  }
0x131: {  	[tilespmem:s9], [sflag:$0x3] =	stream.indirect.gather [hbm4b:s7+s29], $0x40, s28, s29, $0xb8;
	[tilespmem:$0x18C80] =	vst v63  }
0x132: {  	s14 =	simm.s32 $0x6C80;
	s28 =	sld [smem:$0x7E9]  }
0x133: {  	[tilespmem:s14], [sflag:$0x4] =	stream.indirect.gather [hbm4b:s7+s29], $0x40, s30, s29, $0xb8;
	[tilespmem:$0x18C80] =	vst v63  }
0x134: {  	s20 =	simm.s32 $0x8C80;
	s5 =	sld [smem:$0x7EA]  }
0x135: {  	[tilespmem:s20], [sflag:$0x5] =	stream.indirect.gather [hbm4b:s7+s29], $0x40, s28, s29, $0xb8;
	[tilespmem:$0x18C80] =	vst v63  }
0x136: {  	s4 =	simm.s32 $0xAC80;
	s28 =	sld [smem:$0x7EB]  }
0x137: {  	[tilespmem:s4], [sflag:$0x6] =	stream.indirect.gather [hbm4b:s7+s29], $0x40, s5, s29, $0xb8;
	[tilespmem:$0x18C80] =	vst v63  }
0x138: {  	s0 =	simm.s32 $0xCC80;
	s24 =	sld [smem:$0x7EC]  }
0x139: {  	[tilespmem:s0], [sflag:$0x7] =	stream.indirect.gather [hbm4b:s7+s29], $0x40, s28, s29, $0xb8;
	[tilespmem:$0x18C80] =	vst v63  }
0x13a: {  	s5 =	simm.s32 $0xEC80;
	s28 =	sld [smem:$0x7ED]  }
0x13b: {  	[tilespmem:s5], [sflag:$0x8] =	stream.indirect.gather [hbm4b:s7+s29], $0x40, s24, s29, $0xb8;
	[tilespmem:$0x18C80] =	vst v63  }
0x13c: {  	s30 =	sld [smem:$0x7EE];
	s24 =	simm.s32 $0x10C80  }
0x13d: {  	[tilespmem:s24], [sflag:$0x9] =	stream.indirect.gather [hbm4b:s7+s29], $0x40, s28, s29, $0xb8;
	[tilespmem:$0x18C80] =	vst v63  }
0x13e: {  	s28 =	sld [smem:$0x7EF];
	s24 =	simm.s32 $0x12C80  }
0x13f: {  	[tilespmem:s24], [sflag:$0xA] =	stream.indirect.gather [hbm4b:s7+s29], $0x40, s30, s29, $0xb8;
	[tilespmem:$0x18C80] =	vst v63  }
0x140: {  	s3 =	simm.s32 $0x14C80;
	s30 =	sld [smem:$0x7F0]  }
0x141: {  	[tilespmem:s3], [sflag:$0xB] =	stream.indirect.gather [hbm4b:s7+s29], $0x40, s28, s29, $0xb8;
	[tilespmem:$0x18C80] =	vst v63  }
0x142: {  	s0 =	simm.s32 $0x1;
	s24 =	simm.s32 $0x16C80  }
0x143: {  	[tilespmem:s24], [sflag:$0xC] =	stream.indirect.gather [hbm4b:s7+s29], $0x40, s30, s29, $0xb8;
	[tilespmem:$0x18C80] =	vst v63  }
0x144: {  	_ =	swait.ge [sflag:s0], $0x2000  }
0x145: {  	s5 =	simm.s32 $0xD;
	[sflag:s0] =	ssyncset.done $0x0  }
0x146: {  	s3 =	simm.s32 $0xC80;
	s28 =	rddreg [dreg:$0x5];
	[sflag:s0] =	ssyncadd.s32 $0xFFFFE000  }
0x147: {  	[hbm4b:s28+s2] =	stream.linear.scatter [tilespmem:s3], [sflag:$0xD], $0x2000, $0x38;
	[tilespmem:$0x18C80] =	vst v63  }
0x148: {  	_ =	swait.ge [sflag:s5], $0x2000  }
0x149: {  	s28 =	sld [smem:$0x7F1]  }
0x14a: {  	[sflag:s5] =	ssyncset.done $0x0  }
0x14b: {  	s22 =	simm.s32 $0x2;
	[sflag:s5] =	ssyncadd.s32 $0xFFFFE000  }
0x14c: {  	[tilespmem:s3], [sflag:$0x1] =	stream.indirect.gather [hbm4b:s7+s29], $0x40, s28, s29, $0xb8;
	[tilespmem:$0x18C80] =	vst v63  }
0x14d: {  	_ =	swait.ge [sflag:s22], $0x2000  }
0x14e: {  	[sflag:s22] =	ssyncset.done $0x0  }
0x14f: {  	s13 =	simm.s32 $0xE;
	s28 =	rddreg [dreg:$0x6];
	[sflag:s22] =	ssyncadd.s32 $0xFFFFE000  }
0x150: {  	[hbm4b:s28+s2] =	stream.linear.scatter [tilespmem:s1], [sflag:$0xE], $0x2000, $0x38;
	[tilespmem:$0x18C80] =	vst v63  }
0x151: {  	_ =	swait.ge [sflag:s13], $0x2000  }
0x152: {  	s28 =	sld [smem:$0x7F2]  }
0x153: {  	[sflag:s13] =	ssyncset.done $0x0  }
0x154: {  	s22 =	simm.s32 $0x3;
	[sflag:s13] =	ssyncadd.s32 $0xFFFFE000  }
0x155: {  	[tilespmem:s1], [sflag:$0x2] =	stream.indirect.gather [hbm4b:s7+s29], $0x40, s28, s29, $0xb8;
	[tilespmem:$0x18C80] =	vst v63  }
0x156: {  	_ =	swait.ge [sflag:s22], $0x2000  }
0x157: {  	[sflag:s22] =	ssyncset.done $0x0  }
0x158: {  	s18 =	simm.s32 $0xF;
	s28 =	rddreg [dreg:$0x7];
	[sflag:s22] =	ssyncadd.s32 $0xFFFFE000  }
0x159: {  	[hbm4b:s28+s2] =	stream.linear.scatter [tilespmem:s9], [sflag:$0xF], $0x2000, $0x38;
	[tilespmem:$0x18C80] =	vst v63  }
0x15a: {  	_ =	swait.ge [sflag:s18], $0x2000  }
0x15b: {  	s28 =	sld [smem:$0x7F3]  }
0x15c: {  	[sflag:s18] =	ssyncset.done $0x0  }
0x15d: {  	s24 =	simm.s32 $0x4;
	[sflag:s18] =	ssyncadd.s32 $0xFFFFE000  }
0x15e: {  	[tilespmem:s9], [sflag:$0x3] =	stream.indirect.gather [hbm4b:s7+s29], $0x40, s28, s29, $0xb8;
	[tilespmem:$0x18C80] =	vst v63  }
0x15f: {  	_ =	swait.ge [sflag:s24], $0x2000  }
0x160: {  	[sflag:s24] =	ssyncset.done $0x0  }
0x161: {  	s31 =	simm.s32 $0x10;
	s28 =	rddreg [dreg:$0x8];
	[sflag:s24] =	ssyncadd.s32 $0xFFFFE000  }
0x162: {  	[hbm4b:s28+s2] =	stream.linear.scatter [tilespmem:s14], [sflag:$0x10], $0x2000, $0x38;
	[tilespmem:$0x18C80] =	vst v63  }
0x163: {  	_ =	swait.ge [sflag:s31], $0x2000  }
0x164: {  	s28 =	sld [smem:$0x7F4]  }
0x165: {  	[sflag:s31] =	ssyncset.done $0x0  }
0x166: {  	s30 =	simm.s32 $0x5;
	[sflag:s31] =	ssyncadd.s32 $0xFFFFE000  }
0x167: {  	[tilespmem:s14], [sflag:$0x4] =	stream.indirect.gather [hbm4b:s7+s29], $0x40, s28, s29, $0xb8;
	[tilespmem:$0x18C80] =	vst v63  }
0x168: {  	_ =	swait.ge [sflag:s30], $0x2000  }
0x169: {  	[sflag:s30] =	ssyncset.done $0x0  }
0x16a: {  	s23 =	simm.s32 $0x11;
	s28 =	rddreg [dreg:$0x9];
	[sflag:s30] =	ssyncadd.s32 $0xFFFFE000  }
0x16b: {  	[hbm4b:s28+s2] =	stream.linear.scatter [tilespmem:s20], [sflag:$0x11], $0x2000, $0x38;
	[tilespmem:$0x18C80] =	vst v63  }
0x16c: {  	_ =	swait.ge [sflag:s23], $0x2000  }
0x16d: {  	s28 =	sld [smem:$0x7F5]  }
0x16e: {  	[sflag:s23] =	ssyncset.done $0x0  }
0x16f: {  	s19 =	simm.s32 $0x6;
	[sflag:s23] =	ssyncadd.s32 $0xFFFFE000  }
0x170: {  	[tilespmem:s20], [sflag:$0x5] =	stream.indirect.gather [hbm4b:s7+s29], $0x40, s28, s29, $0xb8;
	[tilespmem:$0x18C80] =	vst v63  }
0x171: {  	_ =	swait.ge [sflag:s19], $0x2000  }
0x172: {  	[sflag:s19] =	ssyncset.done $0x0  }
0x173: {  	s21 =	simm.s32 $0x12;
	s28 =	rddreg [dreg:$0xa];
	[sflag:s19] =	ssyncadd.s32 $0xFFFFE000  }
0x174: {  	[hbm4b:s28+s2] =	stream.linear.scatter [tilespmem:s4], [sflag:$0x12], $0x2000, $0x38;
	[tilespmem:$0x18C80] =	vst v63  }
0x175: {  	_ =	swait.ge [sflag:s21], $0x2000  }
0x176: {  	s28 =	sld [smem:$0x7F6]  }
0x177: {  	[sflag:s21] =	ssyncset.done $0x0  }
0x178: {  	s15 =	simm.s32 $0x7;
	[sflag:s21] =	ssyncadd.s32 $0xFFFFE000  }
0x179: {  	[tilespmem:s4], [sflag:$0x6] =	stream.indirect.gather [hbm4b:s7+s29], $0x40, s28, s29, $0xb8;
	[tilespmem:$0x18C80] =	vst v63  }
0x17a: {  	_ =	swait.ge [sflag:s15], $0x2000  }
0x17b: {  	s18 =	simm.s32 $0x13;
	[sflag:s15] =	ssyncset.done $0x0  }
0x17c: {  	s23 =	simm.s32 $0xCC80;
	s28 =	rddreg [dreg:$0xb];
	[sflag:s15] =	ssyncadd.s32 $0xFFFFE000  }
0x17d: {  	[hbm4b:s28+s2] =	stream.linear.scatter [tilespmem:s23], [sflag:$0x13], $0x2000, $0x38;
	[tilespmem:$0x18C80] =	vst v63  }
0x17e: {  	_ =	swait.ge [sflag:s18], $0x2000  }
0x17f: {  	s28 =	sld [smem:$0x7F7]  }
0x180: {  	[sflag:s18] =	ssyncset.done $0x0  }
0x181: {  	s11 =	simm.s32 $0x8;
	[sflag:s18] =	ssyncadd.s32 $0xFFFFE000  }
0x182: {  	[tilespmem:s23], [sflag:$0x7] =	stream.indirect.gather [hbm4b:s7+s29], $0x40, s28, s29, $0xb8;
	[tilespmem:$0x18C80] =	vst v63  }
0x183: {  	_ =	swait.ge [sflag:s11], $0x2000  }
0x184: {  	s17 =	simm.s32 $0x14;
	[sflag:s11] =	ssyncset.done $0x0  }
0x185: {  	s23 =	simm.s32 $0xEC80;
	s28 =	rddreg [dreg:$0xc];
	[sflag:s11] =	ssyncadd.s32 $0xFFFFE000  }
0x186: {  	[hbm4b:s28+s2] =	stream.linear.scatter [tilespmem:s23], [sflag:$0x14], $0x2000, $0x38;
	[tilespmem:$0x18C80] =	vst v63  }
0x187: {  	_ =	swait.ge [sflag:s17], $0x2000  }
0x188: {  	s28 =	sld [smem:$0x7F8]  }
0x189: {  	[sflag:s17] =	ssyncset.done $0x0  }
0x18a: {  	s8 =	simm.s32 $0x9;
	[sflag:s17] =	ssyncadd.s32 $0xFFFFE000  }
0x18b: {  	[tilespmem:s23], [sflag:$0x8] =	stream.indirect.gather [hbm4b:s7+s29], $0x40, s28, s29, $0xb8;
	[tilespmem:$0x18C80] =	vst v63  }
0x18c: {  	_ =	swait.ge [sflag:s8], $0x2000  }
0x18d: {  	s16 =	simm.s32 $0x15;
	[sflag:s8] =	ssyncset.done $0x0  }
0x18e: {  	s23 =	simm.s32 $0x10C80;
	s28 =	rddreg [dreg:$0xd];
	[sflag:s8] =	ssyncadd.s32 $0xFFFFE000  }
0x18f: {  	[hbm4b:s28+s2] =	stream.linear.scatter [tilespmem:s23], [sflag:$0x15], $0x2000, $0x38;
	[tilespmem:$0x18C80] =	vst v63  }
0x190: {  	_ =	swait.ge [sflag:s16], $0x2000  }
0x191: {  	s28 =	sld [smem:$0x7F9]  }
0x192: {  	[sflag:s16] =	ssyncset.done $0x0  }
0x193: {  	s6 =	simm.s32 $0xA;
	[sflag:s16] =	ssyncadd.s32 $0xFFFFE000  }
0x194: {  	[tilespmem:s23], [sflag:$0x9] =	stream.indirect.gather [hbm4b:s7+s29], $0x40, s28, s29, $0xb8;
	[tilespmem:$0x18C80] =	vst v63  }
0x195: {  	_ =	swait.ge [sflag:s6], $0x2000  }
0x196: {  	s13 =	simm.s32 $0x16;
	[sflag:s6] =	ssyncset.done $0x0  }
0x197: {  	s23 =	simm.s32 $0x12C80;
	s28 =	rddreg [dreg:$0xe];
	[sflag:s6] =	ssyncadd.s32 $0xFFFFE000  }
0x198: {  	[hbm4b:s28+s2] =	stream.linear.scatter [tilespmem:s23], [sflag:$0x16], $0x2000, $0x38;
	[tilespmem:$0x18C80] =	vst v63  }
0x199: {  	_ =	swait.ge [sflag:s13], $0x2000  }
0x19a: {  	s28 =	sld [smem:$0x7FA]  }
0x19b: {  	[sflag:s13] =	ssyncset.done $0x0  }
0x19c: {  	s25 =	simm.s32 $0xB;
	[sflag:s13] =	ssyncadd.s32 $0xFFFFE000  }
0x19d: {  	[tilespmem:s23], [sflag:$0xA] =	stream.indirect.gather [hbm4b:s7+s29], $0x40, s28, s29, $0xb8;
	[tilespmem:$0x18C80] =	vst v63  }
0x19e: {  	_ =	swait.ge [sflag:s25], $0x2000  }
0x19f: {  	s12 =	simm.s32 $0x17;
	[sflag:s25] =	ssyncset.done $0x0  }
0x1a0: {  	s23 =	simm.s32 $0x14C80;
	s28 =	rddreg [dreg:$0xf];
	[sflag:s25] =	ssyncadd.s32 $0xFFFFE000  }
0x1a1: {  	[hbm4b:s28+s2] =	stream.linear.scatter [tilespmem:s23], [sflag:$0x17], $0x2000, $0x38;
	[tilespmem:$0x18C80] =	vst v63  }
0x1a2: {  	_ =	swait.ge [sflag:s12], $0x2000  }
0x1a3: {  	s28 =	sld [smem:$0x7FB]  }
0x1a4: {  	[sflag:s12] =	ssyncset.done $0x0  }
0x1a5: {  	s31 =	simm.s32 $0xC;
	[sflag:s12] =	ssyncadd.s32 $0xFFFFE000  }
0x1a6: {  	[tilespmem:s23], [sflag:$0xB] =	stream.indirect.gather [hbm4b:s7+s29], $0x40, s28, s29, $0xb8;
	[tilespmem:$0x18C80] =	vst v63  }
0x1a7: {  	_ =	swait.ge [sflag:s31], $0x2000  }
0x1a8: {  	s10 =	simm.s32 $0x18;
	[sflag:s31] =	ssyncset.done $0x0  }
0x1a9: {  	s23 =	simm.s32 $0x16C80;
	s28 =	rddreg [dreg:$0x10];
	[sflag:s31] =	ssyncadd.s32 $0xFFFFE000  }
0x1aa: {  	[hbm4b:s28+s2] =	stream.linear.scatter [tilespmem:s23], [sflag:$0x18], $0x2000, $0x38;
	[tilespmem:$0x18C80] =	vst v63  }
0x1ab: {  	_ =	swait.ge [sflag:s10], $0x2000  }
0x1ac: {  	s28 =	sld [smem:$0x7FC]  }
0x1ad: {  	[sflag:s10] =	ssyncset.done $0x0  }
0x1ae: {  	[sflag:s10] =	ssyncadd.s32 $0xFFFFE000  }
0x1af: {  	[tilespmem:s23], [sflag:$0xC] =	stream.indirect.gather [hbm4b:s7+s29], $0x40, s28, s29, $0xb8;
	[tilespmem:$0x18C80] =	vst v63  }
0x1b0: {  	_ =	swait.ge [sflag:s0], $0x2000  }
0x1b1: {  	[sflag:s0] =	ssyncset.done $0x0  }
0x1b2: {  	s28 =	rddreg [dreg:$0x11];
	[sflag:s0] =	ssyncadd.s32 $0xFFFFE000  }
0x1b3: {  	[hbm4b:s28+s2] =	stream.linear.scatter [tilespmem:s3], [sflag:$0xD], $0x2000, $0x38;
	[tilespmem:$0x18C80] =	vst v63  }
0x1b4: {  	_ =	swait.ge [sflag:s5], $0x2000  }
0x1b5: {  	s28 =	sld [smem:$0x7FD]  }
0x1b6: {  	[sflag:s5] =	ssyncset.done $0x0  }
0x1b7: {  	s19 =	simm.s32 $0x2;
	[sflag:s5] =	ssyncadd.s32 $0xFFFFE000  }
0x1b8: {  	[tilespmem:s3], [sflag:$0x1] =	stream.indirect.gather [hbm4b:s7+s29], $0x40, s28, s29, $0xb8;
	[tilespmem:$0x18C80] =	vst v63  }
0x1b9: {  	_ =	swait.ge [sflag:s19], $0x2000  }
0x1ba: {  	[sflag:s19] =	ssyncset.done $0x0  }
0x1bb: {  	s28 =	rddreg [dreg:$0x12];
	[sflag:s19] =	ssyncadd.s32 $0xFFFFE000  }
0x1bc: {  	[hbm4b:s28+s2] =	stream.linear.scatter [tilespmem:s1], [sflag:$0xE], $0x2000, $0x38;
	[tilespmem:$0x18C80] =	vst v63  }
0x1bd: {  	_ =	swait.ge [sflag:s22], $0x2000  }
0x1be: {  	[sflag:s22] =	ssyncset.done $0x0  }
0x1bf: {  	s28 =	rddreg [dreg:$0x13];
	[sflag:s22] =	ssyncadd.s32 $0xFFFFE000  }
0x1c0: {  	[hbm4b:s28+s2] =	stream.linear.scatter [tilespmem:s9], [sflag:$0xF], $0x2000, $0x38;
	[tilespmem:$0x18C80] =	vst v63  }
0x1c1: {  	_ =	swait.ge [sflag:s24], $0x2000  }
0x1c2: {  	[sflag:s24] =	ssyncset.done $0x0  }
0x1c3: {  	s28 =	rddreg [dreg:$0x14];
	[sflag:s24] =	ssyncadd.s32 $0xFFFFE000  }
0x1c4: {  	[hbm4b:s28+s2] =	stream.linear.scatter [tilespmem:s14], [sflag:$0x10], $0x2000, $0x38;
	[tilespmem:$0x18C80] =	vst v63  }
0x1c5: {  	_ =	swait.ge [sflag:s30], $0x2000  }
0x1c6: {  	[sflag:s30] =	ssyncset.done $0x0  }
0x1c7: {  	s15 =	simm.s32 $0x6;
	s28 =	rddreg [dreg:$0x15];
	[sflag:s30] =	ssyncadd.s32 $0xFFFFE000  }
0x1c8: {  	[hbm4b:s28+s2] =	stream.linear.scatter [tilespmem:s20], [sflag:$0x11], $0x2000, $0x38;
	[tilespmem:$0x18C80] =	vst v63  }
0x1c9: {  	_ =	swait.ge [sflag:s15], $0x2000  }
0x1ca: {  	[sflag:s15] =	ssyncset.done $0x0  }
0x1cb: {  	s11 =	simm.s32 $0x7;
	s28 =	rddreg [dreg:$0x16];
	[sflag:s15] =	ssyncadd.s32 $0xFFFFE000  }
0x1cc: {  	[hbm4b:s28+s2] =	stream.linear.scatter [tilespmem:s4], [sflag:$0x12], $0x2000, $0x38;
	[tilespmem:$0x18C80] =	vst v63  }
0x1cd: {  	_ =	swait.ge [sflag:s11], $0x2000  }
0x1ce: {  	s8 =	simm.s32 $0x8;
	[sflag:s11] =	ssyncset.done $0x0  }
0x1cf: {  	s24 =	simm.s32 $0xCC80;
	s28 =	rddreg [dreg:$0x17];
	[sflag:s11] =	ssyncadd.s32 $0xFFFFE000  }
0x1d0: {  	[hbm4b:s28+s2] =	stream.linear.scatter [tilespmem:s24], [sflag:$0x13], $0x2000, $0x38;
	[tilespmem:$0x18C80] =	vst v63  }
0x1d1: {  	_ =	swait.ge [sflag:s8], $0x2000  }
0x1d2: {  	s6 =	simm.s32 $0x9;
	[sflag:s8] =	ssyncset.done $0x0  }
0x1d3: {  	s30 =	simm.s32 $0xEC80;
	s28 =	rddreg [dreg:$0x18];
	[sflag:s8] =	ssyncadd.s32 $0xFFFFE000  }
0x1d4: {  	[hbm4b:s28+s2] =	stream.linear.scatter [tilespmem:s30], [sflag:$0x14], $0x2000, $0x38;
	[tilespmem:$0x18C80] =	vst v63  }
0x1d5: {  	_ =	swait.ge [sflag:s6], $0x2000  }
0x1d6: {  	s25 =	simm.s32 $0xA;
	[sflag:s6] =	ssyncset.done $0x0  }
0x1d7: {  	s4 =	simm.s32 $0x10C80;
	s28 =	rddreg [dreg:$0x19];
	[sflag:s6] =	ssyncadd.s32 $0xFFFFE000  }
0x1d8: {  	[hbm4b:s28+s2] =	stream.linear.scatter [tilespmem:s4], [sflag:$0x15], $0x2000, $0x38;
	[tilespmem:$0x18C80] =	vst v63  }
0x1d9: {  	_ =	swait.ge [sflag:s25], $0x2000  }
0x1da: {  	s1 =	simm.s32 $0xB;
	[sflag:s25] =	ssyncset.done $0x0  }
0x1db: {  	s24 =	simm.s32 $0x12C80;
	s28 =	rddreg [dreg:$0x1a];
	[sflag:s25] =	ssyncadd.s32 $0xFFFFE000  }
0x1dc: {  	[hbm4b:s28+s2] =	stream.linear.scatter [tilespmem:s24], [sflag:$0x16], $0x2000, $0x38;
	[tilespmem:$0x18C80] =	vst v63  }
0x1dd: {  	_ =	swait.ge [sflag:s1], $0x2000  }
0x1de: {  	[sflag:s1] =	ssyncset.done $0x0  }
0x1df: {  	s30 =	simm.s32 $0x14C80;
	s28 =	rddreg [dreg:$0x1b];
	[sflag:s1] =	ssyncadd.s32 $0xFFFFE000  }
0x1e0: {  	[hbm4b:s28+s2] =	stream.linear.scatter [tilespmem:s30], [sflag:$0x17], $0x2000, $0x38;
	[tilespmem:$0x18C80] =	vst v63  }
0x1e1: {  	_ =	swait.ge [sflag:s31], $0x2000  }
0x1e2: {  	s23 =	simm.s32 $0x16C80;
	[sflag:s31] =	ssyncset.done $0x0  }
0x1e3: {  	s5 =	simm.s32 $0x1;
	s28 =	rddreg [dreg:$0x1c];
	[sflag:s31] =	ssyncadd.s32 $0xFFFFE000  }
0x1e4: {  	[hbm4b:s28+s2] =	stream.linear.scatter [tilespmem:s23], [sflag:$0x18], $0x2000, $0x38;
	[tilespmem:$0x18C80] =	vst v63  }
0x1e5: {  	_ =	swait.ge [sflag:s5], $0x2000  }
0x1e6: {  	[sflag:s5] =	ssyncset.done $0x0  }
0x1e7: {  	s12 =	simm.s32 $0xE;
	s28 =	rddreg [dreg:$0x1d];
	[sflag:s5] =	ssyncadd.s32 $0xFFFFE000  }
0x1e8: {  	[hbm4b:s28+s2] =	stream.linear.scatter [tilespmem:s3], [sflag:$0xD], $0xD40, $0x38;
	[tilespmem:$0x18C80] =	vst v63  }
0x1e9: {  	_ =	swait.ge [sflag:s12], $0x2000  }
0x1ea: {  	[sflag:s12] =	ssyncset.done $0x0  }
0x1eb: {  	s17 =	simm.s32 $0xF;
	[sflag:s12] =	ssyncadd.s32 $0xFFFFE000  }
0x1ec: {  	_ =	swait.ge [sflag:s17], $0x2000  }
0x1ed: {  	[sflag:s17] =	ssyncset.done $0x0  }
0x1ee: {  	s23 =	simm.s32 $0x10;
	[sflag:s17] =	ssyncadd.s32 $0xFFFFE000  }
0x1ef: {  	_ =	swait.ge [sflag:s23], $0x2000  }
0x1f0: {  	s30 =	simm.s32 $0x10;
	[sflag:s23] =	ssyncset.done $0x0  }
0x1f1: {  	s21 =	simm.s32 $0x11;
	[sflag:s30] =	ssyncadd.s32 $0xFFFFE000  }
0x1f2: {  	_ =	swait.ge [sflag:s21], $0x2000  }
0x1f3: {  	[sflag:s21] =	ssyncset.done $0x0  }
0x1f4: {  	s20 =	simm.s32 $0x12;
	[sflag:s21] =	ssyncadd.s32 $0xFFFFE000  }
0x1f5: {  	_ =	swait.ge [sflag:s20], $0x2000  }
0x1f6: {  	[sflag:s20] =	ssyncset.done $0x0  }
0x1f7: {  	[sflag:s20] =	ssyncadd.s32 $0xFFFFE000  }
0x1f8: {  	_ =	swait.ge [sflag:s18], $0x2000  }
0x1f9: {  	[sflag:s18] =	ssyncset.done $0x0  }
0x1fa: {  	s16 =	simm.s32 $0x14;
	[sflag:s18] =	ssyncadd.s32 $0xFFFFE000  }
0x1fb: {  	_ =	swait.ge [sflag:s16], $0x2000  }
0x1fc: {  	[sflag:s16] =	ssyncset.done $0x0  }
0x1fd: {  	s14 =	simm.s32 $0x15;
	[sflag:s16] =	ssyncadd.s32 $0xFFFFE000  }
0x1fe: {  	_ =	swait.ge [sflag:s14], $0x2000  }
0x1ff: {  	[sflag:s14] =	ssyncset.done $0x0  }
0x200: {  	[sflag:s14] =	ssyncadd.s32 $0xFFFFE000  }
0x201: {  	_ =	swait.ge [sflag:s13], $0x2000  }
0x202: {  	[sflag:s13] =	ssyncset.done $0x0  }
0x203: {  	s10 =	simm.s32 $0x17;
	[sflag:s13] =	ssyncadd.s32 $0xFFFFE000  }
0x204: {  	_ =	swait.ge [sflag:s10], $0x2000  }
0x205: {  	[sflag:s10] =	ssyncset.done $0x0  }
0x206: {  	p1 =	sne.s32 s26, $0x1;
	s9 =	simm.s32 $0x18;
	[sflag:s10] =	ssyncadd.s32 $0xFFFFE000  }
.Ltmp2:
0x207: {  	_ =	swait.ge [sflag:s9], $0x2000;
	(pc) =	sbr.rel @p1 .LBB2_3-.Ltmp2, $4  }
0x208: {  	[sflag:s9] =	ssyncset.done $0x0  }
0x209: {  	s4 =	simm.s32 $0xD;
	[sflag:s9] =	ssyncadd.s32 $0xFFFFE000  }
0x20a: {  	s26 =	sadd.s32 $0xFFFFFFFF, s26;
	_ =	swait.ge [sflag:s4], $0xD40  }
0x20b: {  	s24 =	simm.s32 $0x14C80;
	s28 =	rddreg [dreg:$0x4];
	[sflag:s4] =	ssyncset.done $0x0  }
0x20c: {  	s30 =	simm.s32 $0x4;
	s0 =	simm.s32 $0x5  }
.LBB2_5:
0x20d: {  	[sflag:s4] =	ssyncadd.s32 @p0 $0xFFFFF2C0;
	s26 =	simm.s32 $0x19  }
0x20e: {  	[tilespmem:s2], [sflag:$0x19] =	stream.linear.gather [hbm4b:s28+s2], $0xC80, $0x38;
	[tilespmem:$0x18C80] =	vst v63  }
0x20f: {  	_ =	swait.ge [sflag:s26], $0xC80  }
0x210: {  	[sflag:s26] =	ssyncset.done $0x0  }
0x211: {  	[sflag:s26] =	ssyncadd.s32 $0xFFFFF380  }
0x212: {  	[tilespmem:s3], [sflag:$0x1] =	stream.indirect.gather [hbm4b:s7+s29], $0x40, s2, s29, $0xb8;
	[tilespmem:$0x18C80] =	vst v63  }
0x213: {  	s23 =	simm.s32 $0x2C80;
	s28 =	rddreg [dreg:$0x1f]  }
0x214: {  	[tilespmem:s23], [sflag:$0x2] =	stream.indirect.gather [hbm4b:s7+s29], $0x40, s29, s29, $0xb8;
	[tilespmem:$0x18C80] =	vst v63  }
0x215: {  	s26 =	rddreg [dreg:$0x1e];
	s23 =	simm.s32 $0x4C80  }
0x216: {  	[tilespmem:s23], [sflag:$0x3] =	stream.indirect.gather [hbm4b:s7+s29], $0x40, s26, s29, $0xb8;
	[tilespmem:$0x18C80] =	vst v63  }
0x217: {  	s26 =	sld [smem:$0x7E9];
	s23 =	simm.s32 $0x6C80  }
0x218: {  	[tilespmem:s23], [sflag:$0x4] =	stream.indirect.gather [hbm4b:s7+s29], $0x40, s28, s29, $0xb8;
	[tilespmem:$0x18C80] =	vst v63  }
0x219: {  	s28 =	sld [smem:$0x7EA];
	s23 =	simm.s32 $0x8C80  }
0x21a: {  	[tilespmem:s23], [sflag:$0x5] =	stream.indirect.gather [hbm4b:s7+s29], $0x40, s26, s29, $0xb8;
	[tilespmem:$0x18C80] =	vst v63  }
0x21b: {  	s26 =	sld [smem:$0x7EB];
	s23 =	simm.s32 $0xAC80  }
0x21c: {  	[tilespmem:s23], [sflag:$0x6] =	stream.indirect.gather [hbm4b:s7+s29], $0x40, s28, s29, $0xb8;
	[tilespmem:$0x18C80] =	vst v63  }
0x21d: {  	s28 =	sld [smem:$0x7EC];
	s23 =	simm.s32 $0xCC80  }
0x21e: {  	[tilespmem:s23], [sflag:$0x7] =	stream.indirect.gather [hbm4b:s7+s29], $0x40, s26, s29, $0xb8;
	[tilespmem:$0x18C80] =	vst v63  }
0x21f: {  	s26 =	sld [smem:$0x7ED];
	s23 =	simm.s32 $0xEC80  }
0x220: {  	[tilespmem:s23], [sflag:$0x8] =	stream.indirect.gather [hbm4b:s7+s29], $0x40, s28, s29, $0xb8;
	[tilespmem:$0x18C80] =	vst v63  }
0x221: {  	s28 =	sld [smem:$0x7EE];
	s23 =	simm.s32 $0x10C80  }
0x222: {  	[tilespmem:s23], [sflag:$0x9] =	stream.indirect.gather [hbm4b:s7+s29], $0x40, s26, s29, $0xb8;
	[tilespmem:$0x18C80] =	vst v63  }
0x223: {  	s26 =	sld [smem:$0x7EF];
	s23 =	simm.s32 $0x12C80  }
0x224: {  	[tilespmem:s23], [sflag:$0xA] =	stream.indirect.gather [hbm4b:s7+s29], $0x40, s28, s29, $0xb8;
	[tilespmem:$0x18C80] =	vst v63  }
0x225: {  	s23 =	sld [smem:$0x7F0]  }
0x226: {  	[tilespmem:s24], [sflag:$0xB] =	stream.indirect.gather [hbm4b:s7+s29], $0x40, s26, s29, $0xb8;
	[tilespmem:$0x18C80] =	vst v63  }
0x227: {  	s24 =	simm.s32 $0x16C80  }
0x228: {  	[tilespmem:s24], [sflag:$0xC] =	stream.indirect.gather [hbm4b:s7+s29], $0x40, s23, s29, $0xb8;
	[tilespmem:$0x18C80] =	vst v63  }
0x229: {  	_ =	swait.ge [sflag:s5], $0x2000  }
0x22a: {  	[sflag:s5] =	ssyncset.done $0x0  }
0x22b: {  	s28 =	rddreg [dreg:$0x5];
	[sflag:s5] =	ssyncadd.s32 $0xFFFFE000  }
0x22c: {  	[hbm4b:s28+s2] =	stream.linear.scatter [tilespmem:s3], [sflag:$0xD], $0x2000, $0x38;
	[tilespmem:$0x18C80] =	vst v63  }
0x22d: {  	_ =	swait.ge [sflag:s4], $0x2000  }
0x22e: {  	s23 =	sld [smem:$0x7F1]  }
0x22f: {  	[sflag:s4] =	ssyncset.done $0x0  }
0x230: {  	[sflag:s4] =	ssyncadd.s32 $0xFFFFE000  }
0x231: {  	[tilespmem:s3], [sflag:$0x1] =	stream.indirect.gather [hbm4b:s7+s29], $0x40, s23, s29, $0xb8;
	[tilespmem:$0x18C80] =	vst v63  }
0x232: {  	_ =	swait.ge [sflag:s19], $0x2000  }
0x233: {  	[sflag:s19] =	ssyncset.done $0x0  }
0x234: {  	s23 =	simm.s32 $0x2C80;
	s28 =	rddreg [dreg:$0x6];
	[sflag:s19] =	ssyncadd.s32 $0xFFFFE000  }
0x235: {  	[hbm4b:s28+s2] =	stream.linear.scatter [tilespmem:s23], [sflag:$0xE], $0x2000, $0x38;
	[tilespmem:$0x18C80] =	vst v63  }
0x236: {  	_ =	swait.ge [sflag:s12], $0x2000  }
0x237: {  	s28 =	sld [smem:$0x7F2]  }
0x238: {  	[sflag:s12] =	ssyncset.done $0x0  }
0x239: {  	[sflag:s12] =	ssyncadd.s32 $0xFFFFE000  }
0x23a: {  	[tilespmem:s23], [sflag:$0x2] =	stream.indirect.gather [hbm4b:s7+s29], $0x40, s28, s29, $0xb8;
	[tilespmem:$0x18C80] =	vst v63  }
0x23b: {  	_ =	swait.ge [sflag:s22], $0x2000  }
0x23c: {  	[sflag:s22] =	ssyncset.done $0x0  }
0x23d: {  	s23 =	simm.s32 $0x4C80;
	s28 =	rddreg [dreg:$0x7];
	[sflag:s22] =	ssyncadd.s32 $0xFFFFE000  }
0x23e: {  	[hbm4b:s28+s2] =	stream.linear.scatter [tilespmem:s23], [sflag:$0xF], $0x2000, $0x38;
	[tilespmem:$0x18C80] =	vst v63  }
0x23f: {  	_ =	swait.ge [sflag:s17], $0x2000  }
0x240: {  	s28 =	sld [smem:$0x7F3]  }
0x241: {  	[sflag:s17] =	ssyncset.done $0x0  }
0x242: {  	[sflag:s17] =	ssyncadd.s32 $0xFFFFE000  }
0x243: {  	[tilespmem:s23], [sflag:$0x3] =	stream.indirect.gather [hbm4b:s7+s29], $0x40, s28, s29, $0xb8;
	[tilespmem:$0x18C80] =	vst v63  }
0x244: {  	_ =	swait.ge [sflag:s30], $0x2000  }
0x245: {  	[sflag:s30] =	ssyncset.done $0x0  }
0x246: {  	s28 =	simm.s32 $0x6C80;
	s23 =	rddreg [dreg:$0x8];
	[sflag:s30] =	ssyncadd.s32 $0xFFFFE000  }
0x247: {  	[hbm4b:s23+s2] =	stream.linear.scatter [tilespmem:s28], [sflag:$0x10], $0x2000, $0x38;
	[tilespmem:$0x18C80] =	vst v63  }
0x248: {  	s23 =	simm.s32 $0x10  }
0x249: {  	_ =	swait.ge [sflag:s23], $0x2000  }
0x24a: {  	s26 =	sld [smem:$0x7F4]  }
0x24b: {  	[sflag:s23] =	ssyncset.done $0x0  }
0x24c: {  	[sflag:s23] =	ssyncadd.s32 $0xFFFFE000  }
0x24d: {  	[tilespmem:s28], [sflag:$0x4] =	stream.indirect.gather [hbm4b:s7+s29], $0x40, s26, s29, $0xb8;
	[tilespmem:$0x18C80] =	vst v63  }
0x24e: {  	_ =	swait.ge [sflag:s0], $0x2000  }
0x24f: {  	[sflag:s0] =	ssyncset.done $0x0  }
0x250: {  	s28 =	simm.s32 $0x8C80;
	s26 =	rddreg [dreg:$0x9];
	[sflag:s0] =	ssyncadd.s32 $0xFFFFE000  }
0x251: {  	[hbm4b:s26+s2] =	stream.linear.scatter [tilespmem:s28], [sflag:$0x11], $0x2000, $0x38;
	[tilespmem:$0x18C80] =	vst v63  }
0x252: {  	_ =	swait.ge [sflag:s21], $0x2000  }
0x253: {  	s26 =	sld [smem:$0x7F5]  }
0x254: {  	[sflag:s21] =	ssyncset.done $0x0  }
0x255: {  	[sflag:s21] =	ssyncadd.s32 $0xFFFFE000  }
0x256: {  	[tilespmem:s28], [sflag:$0x5] =	stream.indirect.gather [hbm4b:s7+s29], $0x40, s26, s29, $0xb8;
	[tilespmem:$0x18C80] =	vst v63  }
0x257: {  	_ =	swait.ge [sflag:s15], $0x2000  }
0x258: {  	[sflag:s15] =	ssyncset.done $0x0  }
0x259: {  	s28 =	simm.s32 $0xAC80;
	s26 =	rddreg [dreg:$0xa];
	[sflag:s15] =	ssyncadd.s32 $0xFFFFE000  }
0x25a: {  	[hbm4b:s26+s2] =	stream.linear.scatter [tilespmem:s28], [sflag:$0x12], $0x2000, $0x38;
	[tilespmem:$0x18C80] =	vst v63  }
0x25b: {  	_ =	swait.ge [sflag:s20], $0x2000  }
0x25c: {  	s26 =	sld [smem:$0x7F6]  }
0x25d: {  	[sflag:s20] =	ssyncset.done $0x0  }
0x25e: {  	[sflag:s20] =	ssyncadd.s32 $0xFFFFE000  }
0x25f: {  	[tilespmem:s28], [sflag:$0x6] =	stream.indirect.gather [hbm4b:s7+s29], $0x40, s26, s29, $0xb8;
	[tilespmem:$0x18C80] =	vst v63  }
0x260: {  	_ =	swait.ge [sflag:s11], $0x2000  }
0x261: {  	[sflag:s11] =	ssyncset.done $0x0  }
0x262: {  	s28 =	simm.s32 $0xCC80;
	s26 =	rddreg [dreg:$0xb];
	[sflag:s11] =	ssyncadd.s32 $0xFFFFE000  }
0x263: {  	[hbm4b:s26+s2] =	stream.linear.scatter [tilespmem:s28], [sflag:$0x13], $0x2000, $0x38;
	[tilespmem:$0x18C80] =	vst v63  }
0x264: {  	_ =	swait.ge [sflag:s18], $0x2000  }
0x265: {  	s26 =	sld [smem:$0x7F7]  }
0x266: {  	[sflag:s18] =	ssyncset.done $0x0  }
0x267: {  	[sflag:s18] =	ssyncadd.s32 $0xFFFFE000  }
0x268: {  	[tilespmem:s28], [sflag:$0x7] =	stream.indirect.gather [hbm4b:s7+s29], $0x40, s26, s29, $0xb8;
	[tilespmem:$0x18C80] =	vst v63  }
0x269: {  	_ =	swait.ge [sflag:s8], $0x2000  }
0x26a: {  	[sflag:s8] =	ssyncset.done $0x0  }
0x26b: {  	s28 =	simm.s32 $0xEC80;
	s26 =	rddreg [dreg:$0xc];
	[sflag:s8] =	ssyncadd.s32 $0xFFFFE000  }
0x26c: {  	[hbm4b:s26+s2] =	stream.linear.scatter [tilespmem:s28], [sflag:$0x14], $0x2000, $0x38;
	[tilespmem:$0x18C80] =	vst v63  }
0x26d: {  	_ =	swait.ge [sflag:s16], $0x2000  }
0x26e: {  	s26 =	sld [smem:$0x7F8]  }
0x26f: {  	[sflag:s16] =	ssyncset.done $0x0  }
0x270: {  	[sflag:s16] =	ssyncadd.s32 $0xFFFFE000  }
0x271: {  	[tilespmem:s28], [sflag:$0x8] =	stream.indirect.gather [hbm4b:s7+s29], $0x40, s26, s29, $0xb8;
	[tilespmem:$0x18C80] =	vst v63  }
0x272: {  	_ =	swait.ge [sflag:s6], $0x2000  }
0x273: {  	[sflag:s6] =	ssyncset.done $0x0  }
0x274: {  	s28 =	simm.s32 $0x10C80;
	s26 =	rddreg [dreg:$0xd];
	[sflag:s6] =	ssyncadd.s32 $0xFFFFE000  }
0x275: {  	[hbm4b:s26+s2] =	stream.linear.scatter [tilespmem:s28], [sflag:$0x15], $0x2000, $0x38;
	[tilespmem:$0x18C80] =	vst v63  }
0x276: {  	_ =	swait.ge [sflag:s14], $0x2000  }
0x277: {  	s26 =	sld [smem:$0x7F9]  }
0x278: {  	[sflag:s14] =	ssyncset.done $0x0  }
0x279: {  	[sflag:s14] =	ssyncadd.s32 $0xFFFFE000  }
0x27a: {  	[tilespmem:s28], [sflag:$0x9] =	stream.indirect.gather [hbm4b:s7+s29], $0x40, s26, s29, $0xb8;
	[tilespmem:$0x18C80] =	vst v63  }
0x27b: {  	_ =	swait.ge [sflag:s25], $0x2000  }
0x27c: {  	[sflag:s25] =	ssyncset.done $0x0  }
0x27d: {  	s28 =	simm.s32 $0x12C80;
	s26 =	rddreg [dreg:$0xe];
	[sflag:s25] =	ssyncadd.s32 $0xFFFFE000  }
0x27e: {  	[hbm4b:s26+s2] =	stream.linear.scatter [tilespmem:s28], [sflag:$0x16], $0x2000, $0x38;
	[tilespmem:$0x18C80] =	vst v63  }
0x27f: {  	_ =	swait.ge [sflag:s13], $0x2000  }
0x280: {  	s26 =	sld [smem:$0x7FA]  }
0x281: {  	[sflag:s13] =	ssyncset.done $0x0  }
0x282: {  	[sflag:s13] =	ssyncadd.s32 $0xFFFFE000  }
0x283: {  	[tilespmem:s28], [sflag:$0xA] =	stream.indirect.gather [hbm4b:s7+s29], $0x40, s26, s29, $0xb8;
	[tilespmem:$0x18C80] =	vst v63  }
0x284: {  	_ =	swait.ge [sflag:s1], $0x2000  }
0x285: {  	[sflag:s1] =	ssyncset.done $0x0  }
0x286: {  	s28 =	simm.s32 $0x14C80;
	s26 =	rddreg [dreg:$0xf];
	[sflag:s1] =	ssyncadd.s32 $0xFFFFE000  }
0x287: {  	[hbm4b:s26+s2] =	stream.linear.scatter [tilespmem:s28], [sflag:$0x17], $0x2000, $0x38;
	[tilespmem:$0x18C80] =	vst v63  }
0x288: {  	_ =	swait.ge [sflag:s10], $0x2000  }
0x289: {  	s26 =	sld [smem:$0x7FB]  }
0x28a: {  	[sflag:s10] =	ssyncset.done $0x0  }
0x28b: {  	[sflag:s10] =	ssyncadd.s32 $0xFFFFE000  }
0x28c: {  	[tilespmem:s28], [sflag:$0xB] =	stream.indirect.gather [hbm4b:s7+s29], $0x40, s26, s29, $0xb8;
	[tilespmem:$0x18C80] =	vst v63  }
0x28d: {  	_ =	swait.ge [sflag:s31], $0x2000  }
0x28e: {  	[sflag:s31] =	ssyncset.done $0x0  }
0x28f: {  	s26 =	rddreg [dreg:$0x10];
	[sflag:s31] =	ssyncadd.s32 $0xFFFFE000  }
0x290: {  	[hbm4b:s26+s2] =	stream.linear.scatter [tilespmem:s24], [sflag:$0x18], $0x2000, $0x38;
	[tilespmem:$0x18C80] =	vst v63  }
0x291: {  	_ =	swait.ge [sflag:s9], $0x2000  }
0x292: {  	s26 =	sld [smem:$0x7FC]  }
0x293: {  	[sflag:s9] =	ssyncset.done $0x0  }
0x294: {  	[sflag:s9] =	ssyncadd.s32 $0xFFFFE000  }
0x295: {  	[tilespmem:s24], [sflag:$0xC] =	stream.indirect.gather [hbm4b:s7+s29], $0x40, s26, s29, $0xb8;
	[tilespmem:$0x18C80] =	vst v63  }
0x296: {  	_ =	swait.ge [sflag:s5], $0x2000  }
0x297: {  	[sflag:s5] =	ssyncset.done $0x0  }
0x298: {  	s26 =	rddreg [dreg:$0x11];
	[sflag:s5] =	ssyncadd.s32 $0xFFFFE000  }
0x299: {  	[hbm4b:s26+s2] =	stream.linear.scatter [tilespmem:s3], [sflag:$0xD], $0x2000, $0x38;
	[tilespmem:$0x18C80] =	vst v63  }
0x29a: {  	_ =	swait.ge [sflag:s4], $0x2000  }
0x29b: {  	s26 =	sld [smem:$0x7FD]  }
0x29c: {  	[sflag:s4] =	ssyncset.done $0x0  }
0x29d: {  	[sflag:s4] =	ssyncadd.s32 $0xFFFFE000  }
0x29e: {  	[tilespmem:s3], [sflag:$0x1] =	stream.indirect.gather [hbm4b:s7+s29], $0x40, s26, s29, $0xb8;
	[tilespmem:$0x18C80] =	vst v63  }
0x29f: {  	_ =	swait.ge [sflag:s19], $0x2000  }
0x2a0: {  	[sflag:s19] =	ssyncset.done $0x0  }
0x2a1: {  	s29 =	simm.s32 $0x2C80;
	s26 =	rddreg [dreg:$0x12];
	[sflag:s19] =	ssyncadd.s32 $0xFFFFE000  }
0x2a2: {  	[hbm4b:s26+s2] =	stream.linear.scatter [tilespmem:s29], [sflag:$0xE], $0x2000, $0x38;
	[tilespmem:$0x18C80] =	vst v63  }
0x2a3: {  	_ =	swait.ge [sflag:s22], $0x2000  }
0x2a4: {  	[sflag:s22] =	ssyncset.done $0x0  }
0x2a5: {  	s19 =	rddreg [dreg:$0x13];
	[sflag:s22] =	ssyncadd.s32 $0xFFFFE000;
	s22 =	simm.s32 $0x4C80  }
0x2a6: {  	[hbm4b:s19+s2] =	stream.linear.scatter [tilespmem:s22], [sflag:$0xF], $0x2000, $0x38;
	[tilespmem:$0x18C80] =	vst v63  }
0x2a7: {  	_ =	swait.ge [sflag:s30], $0x2000  }
0x2a8: {  	[sflag:s30] =	ssyncset.done $0x0  }
0x2a9: {  	s29 =	simm.s32 $0x6C80;
	s26 =	rddreg [dreg:$0x14];
	[sflag:s30] =	ssyncadd.s32 $0xFFFFE000  }
0x2aa: {  	[hbm4b:s26+s2] =	stream.linear.scatter [tilespmem:s29], [sflag:$0x10], $0x2000, $0x38;
	[tilespmem:$0x18C80] =	vst v63  }
0x2ab: {  	_ =	swait.ge [sflag:s0], $0x2000  }
0x2ac: {  	[sflag:s0] =	ssyncset.done $0x0  }
0x2ad: {  	s19 =	simm.s32 $0x8C80;
	s30 =	rddreg [dreg:$0x15];
	[sflag:s0] =	ssyncadd.s32 $0xFFFFE000  }
0x2ae: {  	[hbm4b:s30+s2] =	stream.linear.scatter [tilespmem:s19], [sflag:$0x11], $0x2000, $0x38;
	[tilespmem:$0x18C80] =	vst v63  }
0x2af: {  	_ =	swait.ge [sflag:s15], $0x2000  }
0x2b0: {  	[sflag:s15] =	ssyncset.done $0x0  }
0x2b1: {  	s26 =	simm.s32 $0xAC80;
	s22 =	rddreg [dreg:$0x16];
	[sflag:s15] =	ssyncadd.s32 $0xFFFFE000  }
0x2b2: {  	[hbm4b:s22+s2] =	stream.linear.scatter [tilespmem:s26], [sflag:$0x12], $0x2000, $0x38;
	[tilespmem:$0x18C80] =	vst v63  }
0x2b3: {  	_ =	swait.ge [sflag:s11], $0x2000  }
0x2b4: {  	[sflag:s11] =	ssyncset.done $0x0  }
0x2b5: {  	s30 =	simm.s32 $0xCC80;
	s29 =	rddreg [dreg:$0x17];
	[sflag:s11] =	ssyncadd.s32 $0xFFFFE000  }
0x2b6: {  	[hbm4b:s29+s2] =	stream.linear.scatter [tilespmem:s30], [sflag:$0x13], $0x2000, $0x38;
	[tilespmem:$0x18C80] =	vst v63  }
0x2b7: {  	_ =	swait.ge [sflag:s8], $0x2000  }
0x2b8: {  	[sflag:s8] =	ssyncset.done $0x0  }
0x2b9: {  	s11 =	simm.s32 $0xEC80;
	s0 =	rddreg [dreg:$0x18];
	[sflag:s8] =	ssyncadd.s32 $0xFFFFE000  }
0x2ba: {  	[hbm4b:s0+s2] =	stream.linear.scatter [tilespmem:s11], [sflag:$0x14], $0x2000, $0x38;
	[tilespmem:$0x18C80] =	vst v63  }
0x2bb: {  	_ =	swait.ge [sflag:s6], $0x2000  }
0x2bc: {  	[sflag:s6] =	ssyncset.done $0x0  }
0x2bd: {  	s19 =	simm.s32 $0x10C80;
	s15 =	rddreg [dreg:$0x19];
	[sflag:s6] =	ssyncadd.s32 $0xFFFFE000  }
0x2be: {  	[hbm4b:s15+s2] =	stream.linear.scatter [tilespmem:s19], [sflag:$0x15], $0x2000, $0x38;
	[tilespmem:$0x18C80] =	vst v63  }
0x2bf: {  	_ =	swait.ge [sflag:s25], $0x2000  }
0x2c0: {  	[sflag:s25] =	ssyncset.done $0x0  }
0x2c1: {  	s22 =	rddreg [dreg:$0x1a];
	[sflag:s25] =	ssyncadd.s32 $0xFFFFE000;
	s25 =	simm.s32 $0x12C80  }
0x2c2: {  	[hbm4b:s22+s2] =	stream.linear.scatter [tilespmem:s25], [sflag:$0x16], $0x2000, $0x38;
	[tilespmem:$0x18C80] =	vst v63  }
0x2c3: {  	_ =	swait.ge [sflag:s1], $0x2000  }
0x2c4: {  	[sflag:s1] =	ssyncset.done $0x0  }
0x2c5: {  	s28 =	simm.s32 $0x14C80;
	s26 =	rddreg [dreg:$0x1b];
	[sflag:s1] =	ssyncadd.s32 $0xFFFFE000  }
0x2c6: {  	[hbm4b:s26+s2] =	stream.linear.scatter [tilespmem:s28], [sflag:$0x17], $0x2000, $0x38;
	[tilespmem:$0x18C80] =	vst v63  }
0x2c7: {  	_ =	swait.ge [sflag:s31], $0x2000  }
0x2c8: {  	[sflag:s31] =	ssyncset.done $0x0  }
0x2c9: {  	s29 =	rddreg [dreg:$0x1c];
	[sflag:s31] =	ssyncadd.s32 $0xFFFFE000  }
0x2ca: {  	[hbm4b:s29+s2] =	stream.linear.scatter [tilespmem:s24], [sflag:$0x18], $0x2000, $0x38;
	[tilespmem:$0x18C80] =	vst v63  }
0x2cb: {  	_ =	swait.ge [sflag:s5], $0x2000  }
0x2cc: {  	[sflag:s5] =	ssyncset.done $0x0  }
0x2cd: {  	s30 =	rddreg [dreg:$0x1d];
	[sflag:s5] =	ssyncadd.s32 $0xFFFFE000  }
0x2ce: {  	[hbm4b:s30+s2] =	stream.linear.scatter [tilespmem:s3], [sflag:$0xD], $0xD40, $0x38;
	[tilespmem:$0x18C80] =	vst v63  }
0x2cf: {  	_ =	swait.ge [sflag:s12], $0x2000  }
0x2d0: {  	[sflag:s12] =	ssyncset.done $0x0  }
0x2d1: {  	[sflag:s12] =	ssyncadd.s32 $0xFFFFE000  }
0x2d2: {  	_ =	swait.ge [sflag:s17], $0x2000  }
0x2d3: {  	[sflag:s17] =	ssyncset.done $0x0  }
0x2d4: {  	[sflag:s17] =	ssyncadd.s32 $0xFFFFE000  }
0x2d5: {  	_ =	swait.ge [sflag:s23], $0x2000  }
0x2d6: {  	[sflag:s23] =	ssyncset.done $0x0  }
0x2d7: {  	[sflag:s23] =	ssyncadd.s32 $0xFFFFE000  }
0x2d8: {  	_ =	swait.ge [sflag:s21], $0x2000  }
0x2d9: {  	[sflag:s21] =	ssyncset.done $0x0  }
0x2da: {  	[sflag:s21] =	ssyncadd.s32 $0xFFFFE000  }
0x2db: {  	_ =	swait.ge [sflag:s20], $0x2000  }
0x2dc: {  	[sflag:s20] =	ssyncset.done $0x0  }
0x2dd: {  	[sflag:s20] =	ssyncadd.s32 $0xFFFFE000  }
0x2de: {  	_ =	swait.ge [sflag:s18], $0x2000  }
0x2df: {  	[sflag:s18] =	ssyncset.done $0x0  }
0x2e0: {  	[sflag:s18] =	ssyncadd.s32 $0xFFFFE000  }
0x2e1: {  	_ =	swait.ge [sflag:s16], $0x2000  }
0x2e2: {  	[sflag:s16] =	ssyncset.done $0x0  }
0x2e3: {  	[sflag:s16] =	ssyncadd.s32 $0xFFFFE000  }
0x2e4: {  	_ =	swait.ge [sflag:s14], $0x2000  }
0x2e5: {  	[sflag:s14] =	ssyncset.done $0x0  }
0x2e6: {  	[sflag:s14] =	ssyncadd.s32 $0xFFFFE000  }
0x2e7: {  	_ =	swait.ge [sflag:s13], $0x2000  }
0x2e8: {  	[sflag:s13] =	ssyncset.done $0x0  }
0x2e9: {  	[sflag:s13] =	ssyncadd.s32 $0xFFFFE000  }
0x2ea: {  	_ =	swait.ge [sflag:s10], $0x2000  }
0x2eb: {  	[sflag:s10] =	ssyncset.done $0x0  }
0x2ec: {  	[sflag:s10] =	ssyncadd.s32 $0xFFFFE000  }
0x2ed: {  	_ =	swait.ge [sflag:s9], $0x2000  }
0x2ee: {  	[sflag:s9] =	ssyncset.done $0x0  }
0x2ef: {  	[sflag:s9] =	ssyncadd.s32 $0xFFFFE000  }
0x2f0: {  	_ =	swait.ge [sflag:s4], $0xD40  }
0x2f1: {  	[sflag:s4] =	ssyncset.done $0x0  }
0x2f2: {  	[sflag:s4] =	ssyncadd.s32 $0xFFFFF2C0  }
0x2f3: {  	_ =	sfence.sel $0x180000  }
0x2f4: {  	[bflag:$0x0] =	sbarrier.arrive $0xFFFF  }
0x2f5: {  	_ =	strace $0x90000047  }
0x2f6: {  	s31 =	stileid.u32;
	[bflag:$0x2] =	sbarrier.arrive $0xFFFF  }
0x2f7: {  	p0 =	sne.s32 s31, $0x0;
	s0 =	rddreg [dreg:$0x3]  }
0x2f8: {  	s0 =	sadd.s32 @!p0 $0x100000, s0  }
0x2f9: {  	[sflag:s0] =	ssyncadd.tile.s32 @!p0 $0x1;
	_ =	shalt  }
.LBB2_2:
.Ltmp3:
0x2fa: {  	(pc) =	sbr.rel .LBB2_5-.Ltmp3, $2  }
0x2fb: {  	_ =	sdelay $0x2  }
0x2fc: {  	s30 =	simm.s32 $0x4;
	s0 =	simm.s32 $0x5  }
.Lfunc_end2:
_tile_overlayer_lowered:
.L_overlay_start_2:
0x2fd: {  	(tag) =	ssettag $0x2  }
0x2fe: {  	s0 =	rddreg [dreg:$0x0];
	s2 =	stileid.u32  }
0x2ff: {  	s1 =	rddreg [dreg:$0x1];
	p0 =	sne.s32 s2, $0x0  }
0x300: {  	s3 =	rddreg [dreg:$0x2];
	[bflag:$0x3] =	sbarrier.arrive $0xFFFF;
	s2 =	simm.s32 @!p0 $0x1C19  }
0x301: {  	[timem:s3], [sflag:s2] =	dma.local @!p0 [hbm:s0], s1  }
0x302: {  	s0 =	simm.s32 @!p0 $0x19  }
0x303: {  	_ =	swait.ge @!p0 [sflag:s0], s1  }
0x304: {  	s1 =	ssub.s32 @!p0 $0x0, s1;
	[sflag:s0] =	ssyncset.done @!p0 $0x0  }
0x305: {  	[sflag:s0] =	ssyncadd.s32 @!p0 s1  }
0x306: {  	[bflag:$0x3] =	sbarrier.arrive $0xFFFF  }
0x307: {  	_ =	shalt  }

</sc_bundles>
